<compile_context>
chip_gen: v7x
topology: tpu7x:2x2x1
jax: 0.10.2.dev20260603
libtpu: 0.0.44.dev20260713+nightly
codegen_flags: <defaults>
</compile_context>

<pallas_src>
import jax
import jax.numpy as jnp
from jax import lax
from jax.experimental import pallas as pl
from jax.experimental.pallas import tpu as pltpu
from jax.experimental.pallas import tpu_sc as plsc

N_CAT = 26
N_NUM = 13
VOCAB = 100000
D = 32
T = N_CAT + N_NUM
TP1 = T + 1
W2 = 2 * D

NC = 2
NS = 16
NW = NC * NS

CAT_PW = N_CAT * D // NW
NUM_PW = N_NUM * D // NW
N_STATIC = T * D + W2
STA_PW = N_STATIC // NW

SUB = 4096
SSUB = 2048
NSUB = 4


def _num_mlp_body(xt_ref, w1_ref, b1_ref, w2_ref, b2_ref, out_ref):
    for n in range(N_NUM):
        h1t = (w1_ref[n][:, None] * xt_ref[n][None, :]
               + b1_ref[n][:, None])
        z = jax.lax.dot_general(
            w2_ref[n], h1t,
            dimension_numbers=(((1,), (0,)), ((), ())),
            preferred_element_type=jnp.float32,
        ) + b2_ref[n][:, None]
        out_ref[n] = jnp.tanh(z)


def _num_mlp(xt, num_w1, num_b1, num_w2, num_b2):
    B = xt.shape[1]
    BB = 2048
    grid = (B // BB,)
    return pl.pallas_call(
        _num_mlp_body,
        grid=grid,
        in_specs=[
            pl.BlockSpec((N_NUM, BB), lambda i: (0, i)),
            pl.BlockSpec((N_NUM, D), lambda i: (0, 0)),
            pl.BlockSpec((N_NUM, D), lambda i: (0, 0)),
            pl.BlockSpec((N_NUM, D, D), lambda i: (0, 0, 0)),
            pl.BlockSpec((N_NUM, D), lambda i: (0, 0)),
        ],
        out_specs=pl.BlockSpec((N_NUM, D, BB), lambda i: (0, 0, i)),
        out_shape=jax.ShapeDtypeStruct((N_NUM, D, B), jnp.float32),
    )(xt, num_w1, num_b1, num_w2, num_b2)


HALF = 50048
HB0 = 49920
HB_LEN = VOCAB - HB0


def _sc_body(table_ref, xcat_ref, num_ref, const_ref, out_ref,
             col_a, col_b, res0, res1, res2, idx0, idx1, sbuf, nbuf, cvm,
             casem, cbsem, wsem, ssem, nsem, isem):
    res_l = [res0, res1, res2]
    idx_l = [idx0, idx1]
    w = lax.axis_index("s") * NC + lax.axis_index("c")

    pltpu.sync_copy(const_ref, cvm)

    def out_at(t, c, h):
        return out_ref.at[t, c, pl.ds(h * SUB, SUB)]

    def drain(n, buf, sem):
        for _ in range(n):
            pltpu.make_async_copy(buf, out_at(0, 0, 0), sem).wait()

    def static_plane(s, first):
        @pl.when(jnp.logical_not(first))
        def _():
            for _ in range(2 * NSUB):
                pltpu.make_async_copy(
                    sbuf, out_ref.at[0, 0, pl.ds(0, SSUB)], ssem).wait()

        is_cls = s >= T * D
        t = jnp.where(is_cls, T, s // D)
        c = jnp.where(is_cls, s - T * D, D + s % D)
        iv = jnp.full((16,), t * W2 + c, jnp.int32)
        vec = plsc.load_gather(cvm, [iv])

        @pl.loop(0, SSUB // 16)
        def _(i):
            sbuf[pl.ds(i * 16, 16)] = vec

        for h in range(2 * NSUB):
            pltpu.async_copy(
                sbuf, out_ref.at[t, c, pl.ds(h * SSUB, SSUB)], ssem)

    def num_plane(q, first):
        j = q // D
        c = q % D
        for h in range(NSUB):
            if h > 0:
                drain(1, nbuf, nsem)
            else:
                @pl.when(jnp.logical_not(first))
                def _():
                    drain(1, nbuf, nsem)
            pltpu.sync_copy(num_ref.at[j, c, pl.ds(h * SUB, SUB)], nbuf)
            pltpu.async_copy(nbuf, out_at(N_CAT + j, c, h), nsem)

    pltpu.async_copy(table_ref.at[pl.ds(w * CAT_PW, 1), pl.ds(0, HALF)],
                     col_a, casem)

    @pl.loop(0, CAT_PW)
    def _cat(k):
        p = w * CAT_PW + k
        f = p // D
        c = p % D

        cb = pltpu.async_copy(table_ref.at[pl.ds(p, 1), pl.ds(HB0, HB_LEN)],
                              col_b, cbsem)

        @pl.when(k < NUM_PW)
        def _():
            num_plane(w * NUM_PW + k, k == 0)

        static_plane(w * STA_PW + k, k == 0)

        @pl.when(k < STA_PW - CAT_PW)
        def _():
            static_plane(w * STA_PW + CAT_PW + k, False)

        pltpu.make_async_copy(
            table_ref.at[pl.ds(p, 1), pl.ds(0, HALF)], col_a, casem).wait()

        def gather_lo(ii, slot):
            idx_r, res_r = idx_l[ii], res_l[slot]

            @pl.loop(0, SUB // 64)
            def _(i):
                for u in range(4):
                    o = i * 64 + u * 16
                    iv = idx_r[pl.ds(o, 16)]
                    iv_a = jnp.minimum(iv, HALF - 1)
                    iv0 = jnp.zeros((16,), jnp.int32)
                    res_r[pl.ds(o, 16)] = plsc.load_gather(col_a,
                                                           [iv0, iv_a])

        def gather_hi(ii, slot):
            idx_r, res_r = idx_l[ii], res_l[slot]

            @pl.loop(0, SUB // 64)
            def _(i):
                for u in range(4):
                    o = i * 64 + u * 16
                    iv = idx_r[pl.ds(o, 16)]
                    m = iv >= HB0
                    iv_b = jnp.maximum(iv - HB0, 0)
                    iv0 = jnp.zeros((16,), jnp.int32)
                    g_b = plsc.load_gather(col_b, [iv0, iv_b])
                    cur = res_r[pl.ds(o, 16)]
                    res_r[pl.ds(o, 16)] = jnp.where(m, g_b, cur)

        for g2 in range(2):
            h0, h1 = 2 * g2, 2 * g2 + 1
            s0, s1 = (0, 1) if g2 == 0 else (2, 0)
            di0 = pltpu.async_copy(xcat_ref.at[f, pl.ds(h0 * SUB, SUB)],
                                   idx0, isem)
            di1 = pltpu.async_copy(xcat_ref.at[f, pl.ds(h1 * SUB, SUB)],
                                   idx1, isem)

            if g2 == 0:
                @pl.when(k > 0)
                def _():
                    drain(2, res0, wsem)
            else:
                drain(2, res0, wsem)

            di0.wait()
            di1.wait()
            gather_lo(0, s0)
            gather_lo(1, s1)

            if g2 == 0:
                cb.wait()
            else:
                @pl.when(k + 1 < CAT_PW)
                def _():
                    pltpu.async_copy(
                        table_ref.at[pl.ds(p + 1, 1), pl.ds(0, HALF)],
                        col_a, casem)

            gather_hi(0, s0)
            gather_hi(1, s1)

            pltpu.async_copy(res_l[s0], out_at(f, c, h0), wsem)
            pltpu.async_copy(res_l[s1], out_at(f, c, h1), wsem)

    drain(2, res0, wsem)
    for _ in range(2 * NSUB):
        pltpu.make_async_copy(sbuf, out_ref.at[0, 0, pl.ds(0, SSUB)],
                              ssem).wait()
    drain(1, nbuf, nsem)


def _sc_assemble(table2, xcat_t, num_planes, consts):
    B = xcat_t.shape[1]
    mesh = plsc.VectorSubcoreMesh(core_axis_name="c", subcore_axis_name="s")
    kern = pl.kernel(
        _sc_body,
        out_type=jax.ShapeDtypeStruct((TP1, W2, B), jnp.float32),
        mesh=mesh,
        scratch_types=[
            pltpu.VMEM((1, HALF), jnp.float32),
            pltpu.VMEM((1, HB_LEN), jnp.float32),
            pltpu.VMEM((SUB,), jnp.float32),
            pltpu.VMEM((SUB,), jnp.float32),
            pltpu.VMEM((SUB,), jnp.float32),
            pltpu.VMEM((SUB,), jnp.int32),
            pltpu.VMEM((SUB,), jnp.int32),
            pltpu.VMEM((SSUB,), jnp.float32),
            pltpu.VMEM((SUB,), jnp.float32),
            pltpu.VMEM((TP1 * W2,), jnp.float32),
            pltpu.SemaphoreType.DMA,
            pltpu.SemaphoreType.DMA,
            pltpu.SemaphoreType.DMA,
            pltpu.SemaphoreType.DMA,
            pltpu.SemaphoreType.DMA,
            pltpu.SemaphoreType.DMA,
        ],
        compiler_params=pltpu.CompilerParams(use_tc_tiling_on_sc=True,
                                             needs_layout_passes=False),
    )
    return kern(table2, xcat_t, num_planes, consts)


def kernel(x_cat, x_num, cat_tables, num_w1, num_b1, num_w2, num_b2,
           pos_table, cls_token):
    B = x_cat.shape[0]

    table2 = cat_tables.transpose(0, 2, 1).reshape(N_CAT * D, VOCAB)
    xcat_t = x_cat.T
    xt = x_num.T

    cls = cls_token.reshape(W2)
    consts = jnp.zeros((TP1, W2), jnp.float32)
    consts = consts.at[:T, D:].set(pos_table)
    consts = consts.at[T, :].set(cls)
    consts = consts.reshape(TP1 * W2)

    num_planes = _num_mlp(xt, num_w1, num_b1, num_w2, num_b2)
    out_phys = _sc_assemble(table2, xcat_t, num_planes, consts)
    return out_phys.transpose(2, 0, 1)

# --- scband reference (transcript-rebuilt; emitter-appended) ---
"""Pipeline reference for scband-feature-tokenizer-4733053960685 (READ-ONLY COPY).

The authoritative reference and input builder live on the scoring server;
editing this copy changes nothing except your own understanding.
"""

import jax, jax.numpy as jnp
import numpy as np

N_CAT = 26
N_NUM = 13
VOCAB = 100000
D = 32
B = 16384


def setup_inputs(seed: int = 0) -> dict:
    key = jax.random.key(seed)
    ks = jax.random.split(key, 8)
    x_cat = jax.random.randint(ks[0], (B, N_CAT), 0, VOCAB, dtype=jnp.int32)
    x_num = jax.random.normal(ks[1], (B, N_NUM), dtype=jnp.float32)
    # Per-feature embedding tables, stacked: (N_CAT, VOCAB, D), init std=0.02
    cat_tables = jax.random.normal(ks[2], (N_CAT, VOCAB, D), dtype=jnp.float32) * 0.02
    # NumericalEmbedding params per feature: linear1 (in=1,out=D), linear2 (D,D)
    num_w1 = jax.random.normal(ks[3], (N_NUM, D), dtype=jnp.float32) * 0.5  # W1[:,0]
    num_b1 = jax.random.normal(ks[4], (N_NUM, D), dtype=jnp.float32) * 0.1
    num_w2 = jax.random.normal(ks[5], (N_NUM, D, D), dtype=jnp.float32) * (1.0 / np.sqrt(D))
    num_b2 = jnp.zeros((N_NUM, D), dtype=jnp.float32)
    pos_table = jax.random.normal(ks[6], (N_CAT + N_NUM, D), dtype=jnp.float32) * 0.02
    cls_token = jax.random.normal(ks[7], (1, 1, 2 * D), dtype=jnp.float32) * 0.02
    return {
        "x_cat": x_cat,
        "x_num": x_num,
        "cat_tables": cat_tables,
        "num_w1": num_w1,
        "num_b1": num_b1,
        "num_w2": num_w2,
        "num_b2": num_b2,
        "pos_table": pos_table,
        "cls_token": cls_token,
    }


def reference(x_cat, x_num, cat_tables, num_w1, num_b1, num_w2, num_b2, pos_table, cls_token):
    batch = x_cat.shape[0]
    # Categorical: per-field embedding lookup -> (B, N_CAT, D)
    cat_emb = jax.vmap(lambda tbl, idx: jnp.take(tbl, idx, axis=0), in_axes=(0, 1), out_axes=1)(cat_tables, x_cat)
    # Numerical: linear1 (no activation) then tanh(linear2(...)) per feature
    h1 = x_num[:, :, None] * num_w1[None, :, :] + num_b1[None, :, :]  # (B, N_NUM, D)
    num_emb = jnp.tanh(jnp.einsum('bnd,nod->bno', h1, num_w2) + num_b2[None, :, :])  # (B, N_NUM, D)
    x = jnp.concatenate([cat_emb, num_emb], axis=1)  # (B, T, D)
    pos = jnp.broadcast_to(pos_table[None, :, :], (batch, N_CAT + N_NUM, D))
    x = jnp.concatenate([x, pos], axis=-1)  # (B, T, 2D)
    cls = jnp.broadcast_to(cls_token, (batch, 1, 2 * D))
    return jnp.concatenate([x, cls], axis=1)  # (B, T+1, 2D)

if __name__ == "__main__":
    import jax
    _d = setup_inputs()
    print(jax.jit(kernel)(*tuple(_d.values())))

</pallas_src>

<mosaic_0001>
#map = affine_map<(d0, d1) -> (0, 0)>
#map1 = affine_map<(d0, d1) -> (0, 0, 0)>
#map2 = affine_map<(d0, d1) -> (0)>
module attributes {stable_mosaic.version = 14 : i64} {
  func.func @_sc_body(%arg0: i32, %arg1: i32, %arg2: memref<832x100000xf32, #tpu.memory_space<hbm>>, %arg3: memref<26x16384xi32, #tpu.memory_space<hbm>>, %arg4: memref<13x32x16384xf32, #tpu.memory_space<hbm>>, %arg5: memref<2560xf32, #tpu.memory_space<hbm>>, %arg6: memref<40x64x16384xf32, #tpu.memory_space<hbm>>, %arg7: memref<1x50048xf32, #tpu.memory_space<vmem>>, %arg8: memref<1x50080xf32, #tpu.memory_space<vmem>>, %arg9: memref<4096xf32, #tpu.memory_space<vmem>>, %arg10: memref<4096xf32, #tpu.memory_space<vmem>>, %arg11: memref<4096xf32, #tpu.memory_space<vmem>>, %arg12: memref<4096xi32, #tpu.memory_space<vmem>>, %arg13: memref<4096xi32, #tpu.memory_space<vmem>>, %arg14: memref<2048xf32, #tpu.memory_space<vmem>>, %arg15: memref<4096xf32, #tpu.memory_space<vmem>>, %arg16: memref<2560xf32, #tpu.memory_space<vmem>>, %arg17: memref<!tpu.dma_semaphore, #tpu.memory_space<semaphore_mem>>, %arg18: memref<!tpu.dma_semaphore, #tpu.memory_space<semaphore_mem>>, %arg19: memref<!tpu.dma_semaphore, #tpu.memory_space<semaphore_mem>>, %arg20: memref<!tpu.dma_semaphore, #tpu.memory_space<semaphore_mem>>, %arg21: memref<!tpu.dma_semaphore, #tpu.memory_space<semaphore_mem>>, %arg22: memref<!tpu.dma_semaphore, #tpu.memory_space<semaphore_mem>>) attributes {dimension_semantics = [#tpu.dimension_semantics<core_parallel>, #tpu.dimension_semantics<subcore_parallel>], iteration_bounds = array<i64: 2, 16>, scalar_prefetch = 0 : i64, scratch_operands = 16 : i64, tpu.core_type = #tpu.core_type<sc_vector_subcore>, window_params = [{transform_indices = #map}, {transform_indices = #map}, {transform_indices = #map1}, {transform_indices = #map2}, {transform_indices = #map1}]} {
    %mul3A = arith.constant 2 : i32
    %mul3A_0 = arith.muli %arg1, %mul3A : i32
    %add3A = arith.addi %mul3A_0, %arg0 : i32
    "tpu.region"() ({
      %run_scoped3A = tpu.sem_alloc : memref<!tpu.dma_semaphore, #tpu.memory_space<semaphore_mem>>
      tpu.enqueue_dma source(%arg5 : memref<2560xf32, #tpu.memory_space<hbm>>) target(%arg16 : memref<2560xf32, #tpu.memory_space<vmem>>) target_semaphore(%run_scoped3A : memref<!tpu.dma_semaphore, #tpu.memory_space<semaphore_mem>>)
      tpu.wait_dma2 semaphore(%run_scoped3A : memref<!tpu.dma_semaphore, #tpu.memory_space<semaphore_mem>>) src(%arg5 : memref<2560xf32, #tpu.memory_space<hbm>>) dst(%arg16 : memref<2560xf32, #tpu.memory_space<vmem>>)
      tpu.yield
    }) : () -> ()
    %mul3A_1 = arith.constant 26 : i32
    %mul3A_2 = arith.muli %add3A, %mul3A_1 : i32
    %dma_start3A = arith.constant 0 : i32
    %dma_start3A_3 = tpu.memref_slice %arg2[%mul3A_2, %dma_start3A] : memref<832x100000xf32, #tpu.memory_space<hbm>> -> memref<1x50048xf32, #tpu.memory_space<hbm>>
    %dma_start3A_4 = arith.constant 0 : i32
    %dma_start3A_5 = tpu.memref_slice %arg2[%mul3A_2, %dma_start3A_4] : memref<832x100000xf32, #tpu.memory_space<hbm>> -> memref<1x50048xf32, #tpu.memory_space<hbm>>
    tpu.enqueue_dma source(%dma_start3A_5 : memref<1x50048xf32, #tpu.memory_space<hbm>>) target(%arg7 : memref<1x50048xf32, #tpu.memory_space<vmem>>) target_semaphore(%arg17 : memref<!tpu.dma_semaphore, #tpu.memory_space<semaphore_mem>>)
    %scan3A = arith.constant 0 : i32
    %scan3A_6 = arith.constant 26 : i32
    %scan3A_7 = arith.addi %scan3A, %scan3A_6 : i32
    %scan3A_8 = arith.constant 1 : i32
    scf.for %scan3A_97 = %scan3A to %scan3A_7 step %scan3A_8  : i32 {
      %mul3A_98 = arith.constant 1 : i32
      %mul3A_99 = arith.muli %scan3A_97, %mul3A_98 : i32
      %add3A_100 = arith.constant 0 : i32
      %add3A_101 = arith.addi %add3A_100, %mul3A_99 : i32
      %mul3A_102 = arith.constant 26 : i32
      %mul3A_103 = arith.muli %add3A, %mul3A_102 : i32
      %add3A_104 = arith.addi %mul3A_103, %add3A_101 : i32
      %jit3A = arith.constant 32 : i32
      %div3A = arith.divsi %add3A_104, %jit3A : i32
      %sign3A = arith.constant 0 : i32
      %sign3A_105 = arith.cmpi sgt, %add3A_104, %sign3A : i32
      %sign3A_106 = arith.extui %sign3A_105 : i1 to i32
      %sign3A_107 = arith.constant 0 : i32
      %sign3A_108 = arith.cmpi slt, %add3A_104, %sign3A_107 : i32
      %sign3A_109 = arith.extui %sign3A_108 : i1 to i32
      %sign3A_110 = arith.subi %sign3A_106, %sign3A_109 : i32
      %sign3A_111 = arith.constant 0 : i32
      %sign3A_112 = arith.cmpi sgt, %jit3A, %sign3A_111 : i32
      %sign3A_113 = arith.extui %sign3A_112 : i1 to i32
      %sign3A_114 = arith.constant 0 : i32
      %sign3A_115 = arith.cmpi slt, %jit3A, %sign3A_114 : i32
      %sign3A_116 = arith.extui %sign3A_115 : i1 to i32
      %sign3A_117 = arith.subi %sign3A_113, %sign3A_116 : i32
      %ne3A = arith.cmpi ne, %sign3A_110, %sign3A_117 : i32
      %rem3A = arith.remsi %add3A_104, %jit3A : i32
      %ne3A_118 = arith.constant 0 : i32
      %ne3A_119 = arith.cmpi ne, %rem3A, %ne3A_118 : i32
      %and3A = arith.andi %ne3A, %ne3A_119 : i1
      %sub3A = arith.constant 1 : i32
      %sub3A_120 = arith.subi %div3A, %sub3A : i32
      %select_n3A = arith.select %and3A, %sub3A_120, %div3A : i32
      %jit3A_121 = arith.constant 32 : i32
      %eq3A = arith.constant 0 : i32
      %eq3A_122 = arith.cmpi eq, %jit3A_121, %eq3A : i32
      %jit3A_123 = arith.constant 1 : i32
      %select_n3A_124 = arith.select %eq3A_122, %jit3A_123, %jit3A_121 : i32
      %rem3A_125 = arith.remsi %add3A_104, %select_n3A_124 : i32
      %ne3A_126 = arith.constant 0 : i32
      %ne3A_127 = arith.cmpi ne, %rem3A_125, %ne3A_126 : i32
      %lt3A = arith.constant 0 : i32
      %lt3A_128 = arith.cmpi slt, %rem3A_125, %lt3A : i32
      %lt3A_129 = arith.constant 0 : i32
      %lt3A_130 = arith.cmpi slt, %select_n3A_124, %lt3A_129 : i32
      %ne3A_131 = arith.xori %lt3A_128, %lt3A_130 : i1
      %and3A_132 = arith.andi %ne3A_131, %ne3A_127 : i1
      %add3A_133 = arith.addi %rem3A_125, %select_n3A_124 : i32
      %select_n3A_134 = arith.select %and3A_132, %add3A_133, %rem3A_125 : i32
      %dma_start3A_135 = arith.constant 49920 : i32
      %dma_start3A_136 = tpu.memref_slice %arg2[%add3A_104, %dma_start3A_135] : memref<832x100000xf32, #tpu.memory_space<hbm>> -> memref<1x50080xf32, #tpu.memory_space<hbm>>
      %dma_start3A_137 = arith.constant 49920 : i32
      %dma_start3A_138 = tpu.memref_slice %arg2[%add3A_104, %dma_start3A_137] : memref<832x100000xf32, #tpu.memory_space<hbm>> -> memref<1x50080xf32, #tpu.memory_space<hbm>>
      tpu.enqueue_dma source(%dma_start3A_138 : memref<1x50080xf32, #tpu.memory_space<hbm>>) target(%arg8 : memref<1x50080xf32, #tpu.memory_space<vmem>>) target_semaphore(%arg18 : memref<!tpu.dma_semaphore, #tpu.memory_space<semaphore_mem>>)
      %lt3A_139 = arith.constant 13 : i32
      %lt3A_140 = arith.cmpi slt, %add3A_101, %lt3A_139 : i32
      %convert_element_type3A = arith.extui %lt3A_140 : i1 to i32
      %cond3A = arith.constant 0 : i32
      %cond3A_141 = arith.cmpi ne, %convert_element_type3A, %cond3A : i32
      scf.if %cond3A_141 {
        %mul3A_407 = arith.constant 13 : i32
        %mul3A_408 = arith.muli %add3A, %mul3A_407 : i32
        %add3A_409 = arith.addi %mul3A_408, %add3A_101 : i32
        %eq3A_410 = arith.constant 0 : i32
        %eq3A_411 = arith.cmpi eq, %add3A_101, %eq3A_410 : i32
        %jit3A_412 = arith.constant 32 : i32
        %div3A_413 = arith.divsi %add3A_409, %jit3A_412 : i32
        %sign3A_414 = arith.constant 0 : i32
        %sign3A_415 = arith.cmpi sgt, %add3A_409, %sign3A_414 : i32
        %sign3A_416 = arith.extui %sign3A_415 : i1 to i32
        %sign3A_417 = arith.constant 0 : i32
        %sign3A_418 = arith.cmpi slt, %add3A_409, %sign3A_417 : i32
        %sign3A_419 = arith.extui %sign3A_418 : i1 to i32
        %sign3A_420 = arith.subi %sign3A_416, %sign3A_419 : i32
        %sign3A_421 = arith.constant 0 : i32
        %sign3A_422 = arith.cmpi sgt, %jit3A_412, %sign3A_421 : i32
        %sign3A_423 = arith.extui %sign3A_422 : i1 to i32
        %sign3A_424 = arith.constant 0 : i32
        %sign3A_425 = arith.cmpi slt, %jit3A_412, %sign3A_424 : i32
        %sign3A_426 = arith.extui %sign3A_425 : i1 to i32
        %sign3A_427 = arith.subi %sign3A_423, %sign3A_426 : i32
        %ne3A_428 = arith.cmpi ne, %sign3A_420, %sign3A_427 : i32
        %rem3A_429 = arith.remsi %add3A_409, %jit3A_412 : i32
        %ne3A_430 = arith.constant 0 : i32
        %ne3A_431 = arith.cmpi ne, %rem3A_429, %ne3A_430 : i32
        %and3A_432 = arith.andi %ne3A_428, %ne3A_431 : i1
        %sub3A_433 = arith.constant 1 : i32
        %sub3A_434 = arith.subi %div3A_413, %sub3A_433 : i32
        %select_n3A_435 = arith.select %and3A_432, %sub3A_434, %div3A_413 : i32
        %jit3A_436 = arith.constant 32 : i32
        %eq3A_437 = arith.constant 0 : i32
        %eq3A_438 = arith.cmpi eq, %jit3A_436, %eq3A_437 : i32
        %jit3A_439 = arith.constant 1 : i32
        %select_n3A_440 = arith.select %eq3A_438, %jit3A_439, %jit3A_436 : i32
        %rem3A_441 = arith.remsi %add3A_409, %select_n3A_440 : i32
        %ne3A_442 = arith.constant 0 : i32
        %ne3A_443 = arith.cmpi ne, %rem3A_441, %ne3A_442 : i32
        %lt3A_444 = arith.constant 0 : i32
        %lt3A_445 = arith.cmpi slt, %rem3A_441, %lt3A_444 : i32
        %lt3A_446 = arith.constant 0 : i32
        %lt3A_447 = arith.cmpi slt, %select_n3A_440, %lt3A_446 : i32
        %ne3A_448 = arith.xori %lt3A_445, %lt3A_447 : i1
        %and3A_449 = arith.andi %ne3A_448, %ne3A_443 : i1
        %add3A_450 = arith.addi %rem3A_441, %select_n3A_440 : i32
        %select_n3A_451 = arith.select %and3A_449, %add3A_450, %rem3A_441 : i32
        %not3A_452 = arith.constant true
        %not3A_453 = arith.xori %eq3A_411, %not3A_452 : i1
        %convert_element_type3A_454 = arith.extui %not3A_453 : i1 to i32
        %cond3A_455 = arith.constant 0 : i32
        %cond3A_456 = arith.cmpi ne, %convert_element_type3A_454, %cond3A_455 : i32
        scf.if %cond3A_456 {
          %dma_wait3A_513 = arith.constant 0 : i32
          %dma_wait3A_514 = arith.constant 0 : i32
          %dma_wait3A_515 = arith.constant 0 : i32
          %dma_wait3A_516 = tpu.memref_slice %arg6[%dma_wait3A_513, %dma_wait3A_514, %dma_wait3A_515] : memref<40x64x16384xf32, #tpu.memory_space<hbm>> -> memref<1x1x4096xf32, #tpu.memory_space<hbm>>
          %dma_wait3A_517 = tpu.memref_squeeze %dma_wait3A_516 : memref<1x1x4096xf32, #tpu.memory_space<hbm>> -> memref<4096xf32, #tpu.memory_space<hbm>>
          %dma_wait3A_518 = arith.constant 0 : i32
          %dma_wait3A_519 = tpu.memref_slice %arg6[%dma_wait3A_513, %dma_wait3A_514, %dma_wait3A_518] : memref<40x64x16384xf32, #tpu.memory_space<hbm>> -> memref<1x1x4096xf32, #tpu.memory_space<hbm>>
          %dma_wait3A_520 = tpu.memref_squeeze %dma_wait3A_519 : memref<1x1x4096xf32, #tpu.memory_space<hbm>> -> memref<4096xf32, #tpu.memory_space<hbm>>
          tpu.wait_dma2 semaphore(%arg21 : memref<!tpu.dma_semaphore, #tpu.memory_space<semaphore_mem>>) src(%arg15 : memref<4096xf32, #tpu.memory_space<vmem>>) dst(%dma_wait3A_520 : memref<4096xf32, #tpu.memory_space<hbm>>)
        } else {
        }
        "tpu.region"() ({
          %run_scoped3A = tpu.sem_alloc : memref<!tpu.dma_semaphore, #tpu.memory_space<semaphore_mem>>
          %dma_start3A_513 = arith.constant 0 : i32
          %dma_start3A_514 = tpu.memref_slice %arg4[%select_n3A_435, %select_n3A_451, %dma_start3A_513] : memref<13x32x16384xf32, #tpu.memory_space<hbm>> -> memref<1x1x4096xf32, #tpu.memory_space<hbm>>
          %dma_start3A_515 = tpu.memref_squeeze %dma_start3A_514 : memref<1x1x4096xf32, #tpu.memory_space<hbm>> -> memref<4096xf32, #tpu.memory_space<hbm>>
          %dma_start3A_516 = arith.constant 0 : i32
          %dma_start3A_517 = tpu.memref_slice %arg4[%select_n3A_435, %select_n3A_451, %dma_start3A_516] : memref<13x32x16384xf32, #tpu.memory_space<hbm>> -> memref<1x1x4096xf32, #tpu.memory_space<hbm>>
          %dma_start3A_518 = tpu.memref_squeeze %dma_start3A_517 : memref<1x1x4096xf32, #tpu.memory_space<hbm>> -> memref<4096xf32, #tpu.memory_space<hbm>>
          tpu.enqueue_dma source(%dma_start3A_518 : memref<4096xf32, #tpu.memory_space<hbm>>) target(%arg15 : memref<4096xf32, #tpu.memory_space<vmem>>) target_semaphore(%run_scoped3A : memref<!tpu.dma_semaphore, #tpu.memory_space<semaphore_mem>>)
          %dma_wait3A_519 = arith.constant 0 : i32
          %dma_wait3A_520 = tpu.memref_slice %arg4[%select_n3A_435, %select_n3A_451, %dma_wait3A_519] : memref<13x32x16384xf32, #tpu.memory_space<hbm>> -> memref<1x1x4096xf32, #tpu.memory_space<hbm>>
          %dma_wait3A_521 = tpu.memref_squeeze %dma_wait3A_520 : memref<1x1x4096xf32, #tpu.memory_space<hbm>> -> memref<4096xf32, #tpu.memory_space<hbm>>
          %dma_wait3A_522 = arith.constant 0 : i32
          %dma_wait3A_523 = tpu.memref_slice %arg4[%select_n3A_435, %select_n3A_451, %dma_wait3A_522] : memref<13x32x16384xf32, #tpu.memory_space<hbm>> -> memref<1x1x4096xf32, #tpu.memory_space<hbm>>
          %dma_wait3A_524 = tpu.memref_squeeze %dma_wait3A_523 : memref<1x1x4096xf32, #tpu.memory_space<hbm>> -> memref<4096xf32, #tpu.memory_space<hbm>>
          tpu.wait_dma2 semaphore(%run_scoped3A : memref<!tpu.dma_semaphore, #tpu.memory_space<semaphore_mem>>) src(%dma_wait3A_524 : memref<4096xf32, #tpu.memory_space<hbm>>) dst(%arg15 : memref<4096xf32, #tpu.memory_space<vmem>>)
          tpu.yield
        }) : () -> ()
        %add3A_457 = arith.constant 26 : i32
        %add3A_458 = arith.addi %add3A_457, %select_n3A_435 : i32
        %dma_start3A_459 = arith.constant 0 : i32
        %dma_start3A_460 = tpu.memref_slice %arg6[%add3A_458, %select_n3A_451, %dma_start3A_459] : memref<40x64x16384xf32, #tpu.memory_space<hbm>> -> memref<1x1x4096xf32, #tpu.memory_space<hbm>>
        %dma_start3A_461 = tpu.memref_squeeze %dma_start3A_460 : memref<1x1x4096xf32, #tpu.memory_space<hbm>> -> memref<4096xf32, #tpu.memory_space<hbm>>
        %dma_start3A_462 = arith.constant 0 : i32
        %dma_start3A_463 = tpu.memref_slice %arg6[%add3A_458, %select_n3A_451, %dma_start3A_462] : memref<40x64x16384xf32, #tpu.memory_space<hbm>> -> memref<1x1x4096xf32, #tpu.memory_space<hbm>>
        %dma_start3A_464 = tpu.memref_squeeze %dma_start3A_463 : memref<1x1x4096xf32, #tpu.memory_space<hbm>> -> memref<4096xf32, #tpu.memory_space<hbm>>
        tpu.enqueue_dma source(%arg15 : memref<4096xf32, #tpu.memory_space<vmem>>) target(%dma_start3A_464 : memref<4096xf32, #tpu.memory_space<hbm>>) target_semaphore(%arg21 : memref<!tpu.dma_semaphore, #tpu.memory_space<semaphore_mem>>)
        %dma_wait3A_465 = arith.constant 0 : i32
        %dma_wait3A_466 = arith.constant 0 : i32
        %dma_wait3A_467 = arith.constant 0 : i32
        %dma_wait3A_468 = tpu.memref_slice %arg6[%dma_wait3A_465, %dma_wait3A_466, %dma_wait3A_467] : memref<40x64x16384xf32, #tpu.memory_space<hbm>> -> memref<1x1x4096xf32, #tpu.memory_space<hbm>>
        %dma_wait3A_469 = tpu.memref_squeeze %dma_wait3A_468 : memref<1x1x4096xf32, #tpu.memory_space<hbm>> -> memref<4096xf32, #tpu.memory_space<hbm>>
        %dma_wait3A_470 = arith.constant 0 : i32
        %dma_wait3A_471 = tpu.memref_slice %arg6[%dma_wait3A_465, %dma_wait3A_466, %dma_wait3A_470] : memref<40x64x16384xf32, #tpu.memory_space<hbm>> -> memref<1x1x4096xf32, #tpu.memory_space<hbm>>
        %dma_wait3A_472 = tpu.memref_squeeze %dma_wait3A_471 : memref<1x1x4096xf32, #tpu.memory_space<hbm>> -> memref<4096xf32, #tpu.memory_space<hbm>>
        tpu.wait_dma2 semaphore(%arg21 : memref<!tpu.dma_semaphore, #tpu.memory_space<semaphore_mem>>) src(%arg15 : memref<4096xf32, #tpu.memory_space<vmem>>) dst(%dma_wait3A_472 : memref<4096xf32, #tpu.memory_space<hbm>>)
        "tpu.region"() ({
          %run_scoped3A = tpu.sem_alloc : memref<!tpu.dma_semaphore, #tpu.memory_space<semaphore_mem>>
          %dma_start3A_513 = arith.constant 4096 : i32
          %dma_start3A_514 = tpu.memref_slice %arg4[%select_n3A_435, %select_n3A_451, %dma_start3A_513] : memref<13x32x16384xf32, #tpu.memory_space<hbm>> -> memref<1x1x4096xf32, #tpu.memory_space<hbm>>
          %dma_start3A_515 = tpu.memref_squeeze %dma_start3A_514 : memref<1x1x4096xf32, #tpu.memory_space<hbm>> -> memref<4096xf32, #tpu.memory_space<hbm>>
          %dma_start3A_516 = arith.constant 4096 : i32
          %dma_start3A_517 = tpu.memref_slice %arg4[%select_n3A_435, %select_n3A_451, %dma_start3A_516] : memref<13x32x16384xf32, #tpu.memory_space<hbm>> -> memref<1x1x4096xf32, #tpu.memory_space<hbm>>
          %dma_start3A_518 = tpu.memref_squeeze %dma_start3A_517 : memref<1x1x4096xf32, #tpu.memory_space<hbm>> -> memref<4096xf32, #tpu.memory_space<hbm>>
          tpu.enqueue_dma source(%dma_start3A_518 : memref<4096xf32, #tpu.memory_space<hbm>>) target(%arg15 : memref<4096xf32, #tpu.memory_space<vmem>>) target_semaphore(%run_scoped3A : memref<!tpu.dma_semaphore, #tpu.memory_space<semaphore_mem>>)
          %dma_wait3A_519 = arith.constant 4096 : i32
          %dma_wait3A_520 = tpu.memref_slice %arg4[%select_n3A_435, %select_n3A_451, %dma_wait3A_519] : memref<13x32x16384xf32, #tpu.memory_space<hbm>> -> memref<1x1x4096xf32, #tpu.memory_space<hbm>>
          %dma_wait3A_521 = tpu.memref_squeeze %dma_wait3A_520 : memref<1x1x4096xf32, #tpu.memory_space<hbm>> -> memref<4096xf32, #tpu.memory_space<hbm>>
          %dma_wait3A_522 = arith.constant 4096 : i32
          %dma_wait3A_523 = tpu.memref_slice %arg4[%select_n3A_435, %select_n3A_451, %dma_wait3A_522] : memref<13x32x16384xf32, #tpu.memory_space<hbm>> -> memref<1x1x4096xf32, #tpu.memory_space<hbm>>
          %dma_wait3A_524 = tpu.memref_squeeze %dma_wait3A_523 : memref<1x1x4096xf32, #tpu.memory_space<hbm>> -> memref<4096xf32, #tpu.memory_space<hbm>>
          tpu.wait_dma2 semaphore(%run_scoped3A : memref<!tpu.dma_semaphore, #tpu.memory_space<semaphore_mem>>) src(%dma_wait3A_524 : memref<4096xf32, #tpu.memory_space<hbm>>) dst(%arg15 : memref<4096xf32, #tpu.memory_space<vmem>>)
          tpu.yield
        }) : () -> ()
        %add3A_473 = arith.constant 26 : i32
        %add3A_474 = arith.addi %add3A_473, %select_n3A_435 : i32
        %dma_start3A_475 = arith.constant 4096 : i32
        %dma_start3A_476 = tpu.memref_slice %arg6[%add3A_474, %select_n3A_451, %dma_start3A_475] : memref<40x64x16384xf32, #tpu.memory_space<hbm>> -> memref<1x1x4096xf32, #tpu.memory_space<hbm>>
        %dma_start3A_477 = tpu.memref_squeeze %dma_start3A_476 : memref<1x1x4096xf32, #tpu.memory_space<hbm>> -> memref<4096xf32, #tpu.memory_space<hbm>>
        %dma_start3A_478 = arith.constant 4096 : i32
        %dma_start3A_479 = tpu.memref_slice %arg6[%add3A_474, %select_n3A_451, %dma_start3A_478] : memref<40x64x16384xf32, #tpu.memory_space<hbm>> -> memref<1x1x4096xf32, #tpu.memory_space<hbm>>
        %dma_start3A_480 = tpu.memref_squeeze %dma_start3A_479 : memref<1x1x4096xf32, #tpu.memory_space<hbm>> -> memref<4096xf32, #tpu.memory_space<hbm>>
        tpu.enqueue_dma source(%arg15 : memref<4096xf32, #tpu.memory_space<vmem>>) target(%dma_start3A_480 : memref<4096xf32, #tpu.memory_space<hbm>>) target_semaphore(%arg21 : memref<!tpu.dma_semaphore, #tpu.memory_space<semaphore_mem>>)
        %dma_wait3A_481 = arith.constant 0 : i32
        %dma_wait3A_482 = arith.constant 0 : i32
        %dma_wait3A_483 = arith.constant 0 : i32
        %dma_wait3A_484 = tpu.memref_slice %arg6[%dma_wait3A_481, %dma_wait3A_482, %dma_wait3A_483] : memref<40x64x16384xf32, #tpu.memory_space<hbm>> -> memref<1x1x4096xf32, #tpu.memory_space<hbm>>
        %dma_wait3A_485 = tpu.memref_squeeze %dma_wait3A_484 : memref<1x1x4096xf32, #tpu.memory_space<hbm>> -> memref<4096xf32, #tpu.memory_space<hbm>>
        %dma_wait3A_486 = arith.constant 0 : i32
        %dma_wait3A_487 = tpu.memref_slice %arg6[%dma_wait3A_481, %dma_wait3A_482, %dma_wait3A_486] : memref<40x64x16384xf32, #tpu.memory_space<hbm>> -> memref<1x1x4096xf32, #tpu.memory_space<hbm>>
        %dma_wait3A_488 = tpu.memref_squeeze %dma_wait3A_487 : memref<1x1x4096xf32, #tpu.memory_space<hbm>> -> memref<4096xf32, #tpu.memory_space<hbm>>
        tpu.wait_dma2 semaphore(%arg21 : memref<!tpu.dma_semaphore, #tpu.memory_space<semaphore_mem>>) src(%arg15 : memref<4096xf32, #tpu.memory_space<vmem>>) dst(%dma_wait3A_488 : memref<4096xf32, #tpu.memory_space<hbm>>)
        "tpu.region"() ({
          %run_scoped3A = tpu.sem_alloc : memref<!tpu.dma_semaphore, #tpu.memory_space<semaphore_mem>>
          %dma_start3A_513 = arith.constant 8192 : i32
          %dma_start3A_514 = tpu.memref_slice %arg4[%select_n3A_435, %select_n3A_451, %dma_start3A_513] : memref<13x32x16384xf32, #tpu.memory_space<hbm>> -> memref<1x1x4096xf32, #tpu.memory_space<hbm>>
          %dma_start3A_515 = tpu.memref_squeeze %dma_start3A_514 : memref<1x1x4096xf32, #tpu.memory_space<hbm>> -> memref<4096xf32, #tpu.memory_space<hbm>>
          %dma_start3A_516 = arith.constant 8192 : i32
          %dma_start3A_517 = tpu.memref_slice %arg4[%select_n3A_435, %select_n3A_451, %dma_start3A_516] : memref<13x32x16384xf32, #tpu.memory_space<hbm>> -> memref<1x1x4096xf32, #tpu.memory_space<hbm>>
          %dma_start3A_518 = tpu.memref_squeeze %dma_start3A_517 : memref<1x1x4096xf32, #tpu.memory_space<hbm>> -> memref<4096xf32, #tpu.memory_space<hbm>>
          tpu.enqueue_dma source(%dma_start3A_518 : memref<4096xf32, #tpu.memory_space<hbm>>) target(%arg15 : memref<4096xf32, #tpu.memory_space<vmem>>) target_semaphore(%run_scoped3A : memref<!tpu.dma_semaphore, #tpu.memory_space<semaphore_mem>>)
          %dma_wait3A_519 = arith.constant 8192 : i32
          %dma_wait3A_520 = tpu.memref_slice %arg4[%select_n3A_435, %select_n3A_451, %dma_wait3A_519] : memref<13x32x16384xf32, #tpu.memory_space<hbm>> -> memref<1x1x4096xf32, #tpu.memory_space<hbm>>
          %dma_wait3A_521 = tpu.memref_squeeze %dma_wait3A_520 : memref<1x1x4096xf32, #tpu.memory_space<hbm>> -> memref<4096xf32, #tpu.memory_space<hbm>>
          %dma_wait3A_522 = arith.constant 8192 : i32
          %dma_wait3A_523 = tpu.memref_slice %arg4[%select_n3A_435, %select_n3A_451, %dma_wait3A_522] : memref<13x32x16384xf32, #tpu.memory_space<hbm>> -> memref<1x1x4096xf32, #tpu.memory_space<hbm>>
          %dma_wait3A_524 = tpu.memref_squeeze %dma_wait3A_523 : memref<1x1x4096xf32, #tpu.memory_space<hbm>> -> memref<4096xf32, #tpu.memory_space<hbm>>
          tpu.wait_dma2 semaphore(%run_scoped3A : memref<!tpu.dma_semaphore, #tpu.memory_space<semaphore_mem>>) src(%dma_wait3A_524 : memref<4096xf32, #tpu.memory_space<hbm>>) dst(%arg15 : memref<4096xf32, #tpu.memory_space<vmem>>)
          tpu.yield
        }) : () -> ()
        %add3A_489 = arith.constant 26 : i32
        %add3A_490 = arith.addi %add3A_489, %select_n3A_435 : i32
        %dma_start3A_491 = arith.constant 8192 : i32
        %dma_start3A_492 = tpu.memref_slice %arg6[%add3A_490, %select_n3A_451, %dma_start3A_491] : memref<40x64x16384xf32, #tpu.memory_space<hbm>> -> memref<1x1x4096xf32, #tpu.memory_space<hbm>>
        %dma_start3A_493 = tpu.memref_squeeze %dma_start3A_492 : memref<1x1x4096xf32, #tpu.memory_space<hbm>> -> memref<4096xf32, #tpu.memory_space<hbm>>
        %dma_start3A_494 = arith.constant 8192 : i32
        %dma_start3A_495 = tpu.memref_slice %arg6[%add3A_490, %select_n3A_451, %dma_start3A_494] : memref<40x64x16384xf32, #tpu.memory_space<hbm>> -> memref<1x1x4096xf32, #tpu.memory_space<hbm>>
        %dma_start3A_496 = tpu.memref_squeeze %dma_start3A_495 : memref<1x1x4096xf32, #tpu.memory_space<hbm>> -> memref<4096xf32, #tpu.memory_space<hbm>>
        tpu.enqueue_dma source(%arg15 : memref<4096xf32, #tpu.memory_space<vmem>>) target(%dma_start3A_496 : memref<4096xf32, #tpu.memory_space<hbm>>) target_semaphore(%arg21 : memref<!tpu.dma_semaphore, #tpu.memory_space<semaphore_mem>>)
        %dma_wait3A_497 = arith.constant 0 : i32
        %dma_wait3A_498 = arith.constant 0 : i32
        %dma_wait3A_499 = arith.constant 0 : i32
        %dma_wait3A_500 = tpu.memref_slice %arg6[%dma_wait3A_497, %dma_wait3A_498, %dma_wait3A_499] : memref<40x64x16384xf32, #tpu.memory_space<hbm>> -> memref<1x1x4096xf32, #tpu.memory_space<hbm>>
        %dma_wait3A_501 = tpu.memref_squeeze %dma_wait3A_500 : memref<1x1x4096xf32, #tpu.memory_space<hbm>> -> memref<4096xf32, #tpu.memory_space<hbm>>
        %dma_wait3A_502 = arith.constant 0 : i32
        %dma_wait3A_503 = tpu.memref_slice %arg6[%dma_wait3A_497, %dma_wait3A_498, %dma_wait3A_502] : memref<40x64x16384xf32, #tpu.memory_space<hbm>> -> memref<1x1x4096xf32, #tpu.memory_space<hbm>>
        %dma_wait3A_504 = tpu.memref_squeeze %dma_wait3A_503 : memref<1x1x4096xf32, #tpu.memory_space<hbm>> -> memref<4096xf32, #tpu.memory_space<hbm>>
        tpu.wait_dma2 semaphore(%arg21 : memref<!tpu.dma_semaphore, #tpu.memory_space<semaphore_mem>>) src(%arg15 : memref<4096xf32, #tpu.memory_space<vmem>>) dst(%dma_wait3A_504 : memref<4096xf32, #tpu.memory_space<hbm>>)
        "tpu.region"() ({
          %run_scoped3A = tpu.sem_alloc : memref<!tpu.dma_semaphore, #tpu.memory_space<semaphore_mem>>
          %dma_start3A_513 = arith.constant 12288 : i32
          %dma_start3A_514 = tpu.memref_slice %arg4[%select_n3A_435, %select_n3A_451, %dma_start3A_513] : memref<13x32x16384xf32, #tpu.memory_space<hbm>> -> memref<1x1x4096xf32, #tpu.memory_space<hbm>>
          %dma_start3A_515 = tpu.memref_squeeze %dma_start3A_514 : memref<1x1x4096xf32, #tpu.memory_space<hbm>> -> memref<4096xf32, #tpu.memory_space<hbm>>
          %dma_start3A_516 = arith.constant 12288 : i32
          %dma_start3A_517 = tpu.memref_slice %arg4[%select_n3A_435, %select_n3A_451, %dma_start3A_516] : memref<13x32x16384xf32, #tpu.memory_space<hbm>> -> memref<1x1x4096xf32, #tpu.memory_space<hbm>>
          %dma_start3A_518 = tpu.memref_squeeze %dma_start3A_517 : memref<1x1x4096xf32, #tpu.memory_space<hbm>> -> memref<4096xf32, #tpu.memory_space<hbm>>
          tpu.enqueue_dma source(%dma_start3A_518 : memref<4096xf32, #tpu.memory_space<hbm>>) target(%arg15 : memref<4096xf32, #tpu.memory_space<vmem>>) target_semaphore(%run_scoped3A : memref<!tpu.dma_semaphore, #tpu.memory_space<semaphore_mem>>)
          %dma_wait3A_519 = arith.constant 12288 : i32
          %dma_wait3A_520 = tpu.memref_slice %arg4[%select_n3A_435, %select_n3A_451, %dma_wait3A_519] : memref<13x32x16384xf32, #tpu.memory_space<hbm>> -> memref<1x1x4096xf32, #tpu.memory_space<hbm>>
          %dma_wait3A_521 = tpu.memref_squeeze %dma_wait3A_520 : memref<1x1x4096xf32, #tpu.memory_space<hbm>> -> memref<4096xf32, #tpu.memory_space<hbm>>
          %dma_wait3A_522 = arith.constant 12288 : i32
          %dma_wait3A_523 = tpu.memref_slice %arg4[%select_n3A_435, %select_n3A_451, %dma_wait3A_522] : memref<13x32x16384xf32, #tpu.memory_space<hbm>> -> memref<1x1x4096xf32, #tpu.memory_space<hbm>>
          %dma_wait3A_524 = tpu.memref_squeeze %dma_wait3A_523 : memref<1x1x4096xf32, #tpu.memory_space<hbm>> -> memref<4096xf32, #tpu.memory_space<hbm>>
          tpu.wait_dma2 semaphore(%run_scoped3A : memref<!tpu.dma_semaphore, #tpu.memory_space<semaphore_mem>>) src(%dma_wait3A_524 : memref<4096xf32, #tpu.memory_space<hbm>>) dst(%arg15 : memref<4096xf32, #tpu.memory_space<vmem>>)
          tpu.yield
        }) : () -> ()
        %add3A_505 = arith.constant 26 : i32
        %add3A_506 = arith.addi %add3A_505, %select_n3A_435 : i32
        %dma_start3A_507 = arith.constant 12288 : i32
        %dma_start3A_508 = tpu.memref_slice %arg6[%add3A_506, %select_n3A_451, %dma_start3A_507] : memref<40x64x16384xf32, #tpu.memory_space<hbm>> -> memref<1x1x4096xf32, #tpu.memory_space<hbm>>
        %dma_start3A_509 = tpu.memref_squeeze %dma_start3A_508 : memref<1x1x4096xf32, #tpu.memory_space<hbm>> -> memref<4096xf32, #tpu.memory_space<hbm>>
        %dma_start3A_510 = arith.constant 12288 : i32
        %dma_start3A_511 = tpu.memref_slice %arg6[%add3A_506, %select_n3A_451, %dma_start3A_510] : memref<40x64x16384xf32, #tpu.memory_space<hbm>> -> memref<1x1x4096xf32, #tpu.memory_space<hbm>>
        %dma_start3A_512 = tpu.memref_squeeze %dma_start3A_511 : memref<1x1x4096xf32, #tpu.memory_space<hbm>> -> memref<4096xf32, #tpu.memory_space<hbm>>
        tpu.enqueue_dma source(%arg15 : memref<4096xf32, #tpu.memory_space<vmem>>) target(%dma_start3A_512 : memref<4096xf32, #tpu.memory_space<hbm>>) target_semaphore(%arg21 : memref<!tpu.dma_semaphore, #tpu.memory_space<semaphore_mem>>)
      } else {
      }
      %mul3A_142 = arith.constant 41 : i32
      %mul3A_143 = arith.muli %add3A, %mul3A_142 : i32
      %add3A_144 = arith.addi %mul3A_143, %add3A_101 : i32
      %eq3A_145 = arith.constant 0 : i32
      %eq3A_146 = arith.cmpi eq, %add3A_101, %eq3A_145 : i32
      %not3A = arith.constant true
      %not3A_147 = arith.xori %eq3A_146, %not3A : i1
      %convert_element_type3A_148 = arith.extui %not3A_147 : i1 to i32
      %cond3A_149 = arith.constant 0 : i32
      %cond3A_150 = arith.cmpi ne, %convert_element_type3A_148, %cond3A_149 : i32
      scf.if %cond3A_150 {
        %dma_wait3A_407 = arith.constant 0 : i32
        %dma_wait3A_408 = arith.constant 0 : i32
        %dma_wait3A_409 = arith.constant 0 : i32
        %dma_wait3A_410 = tpu.memref_slice %arg6[%dma_wait3A_407, %dma_wait3A_408, %dma_wait3A_409] : memref<40x64x16384xf32, #tpu.memory_space<hbm>> -> memref<1x1x2048xf32, #tpu.memory_space<hbm>>
        %dma_wait3A_411 = tpu.memref_squeeze %dma_wait3A_410 : memref<1x1x2048xf32, #tpu.memory_space<hbm>> -> memref<2048xf32, #tpu.memory_space<hbm>>
        %dma_wait3A_412 = arith.constant 0 : i32
        %dma_wait3A_413 = tpu.memref_slice %arg6[%dma_wait3A_407, %dma_wait3A_408, %dma_wait3A_412] : memref<40x64x16384xf32, #tpu.memory_space<hbm>> -> memref<1x1x2048xf32, #tpu.memory_space<hbm>>
        %dma_wait3A_414 = tpu.memref_squeeze %dma_wait3A_413 : memref<1x1x2048xf32, #tpu.memory_space<hbm>> -> memref<2048xf32, #tpu.memory_space<hbm>>
        tpu.wait_dma2 semaphore(%arg20 : memref<!tpu.dma_semaphore, #tpu.memory_space<semaphore_mem>>) src(%arg14 : memref<2048xf32, #tpu.memory_space<vmem>>) dst(%dma_wait3A_414 : memref<2048xf32, #tpu.memory_space<hbm>>)
        %dma_wait3A_415 = arith.constant 0 : i32
        %dma_wait3A_416 = arith.constant 0 : i32
        %dma_wait3A_417 = arith.constant 0 : i32
        %dma_wait3A_418 = tpu.memref_slice %arg6[%dma_wait3A_415, %dma_wait3A_416, %dma_wait3A_417] : memref<40x64x16384xf32, #tpu.memory_space<hbm>> -> memref<1x1x2048xf32, #tpu.memory_space<hbm>>
        %dma_wait3A_419 = tpu.memref_squeeze %dma_wait3A_418 : memref<1x1x2048xf32, #tpu.memory_space<hbm>> -> memref<2048xf32, #tpu.memory_space<hbm>>
        %dma_wait3A_420 = arith.constant 0 : i32
        %dma_wait3A_421 = tpu.memref_slice %arg6[%dma_wait3A_415, %dma_wait3A_416, %dma_wait3A_420] : memref<40x64x16384xf32, #tpu.memory_space<hbm>> -> memref<1x1x2048xf32, #tpu.memory_space<hbm>>
        %dma_wait3A_422 = tpu.memref_squeeze %dma_wait3A_421 : memref<1x1x2048xf32, #tpu.memory_space<hbm>> -> memref<2048xf32, #tpu.memory_space<hbm>>
        tpu.wait_dma2 semaphore(%arg20 : memref<!tpu.dma_semaphore, #tpu.memory_space<semaphore_mem>>) src(%arg14 : memref<2048xf32, #tpu.memory_space<vmem>>) dst(%dma_wait3A_422 : memref<2048xf32, #tpu.memory_space<hbm>>)
        %dma_wait3A_423 = arith.constant 0 : i32
        %dma_wait3A_424 = arith.constant 0 : i32
        %dma_wait3A_425 = arith.constant 0 : i32
        %dma_wait3A_426 = tpu.memref_slice %arg6[%dma_wait3A_423, %dma_wait3A_424, %dma_wait3A_425] : memref<40x64x16384xf32, #tpu.memory_space<hbm>> -> memref<1x1x2048xf32, #tpu.memory_space<hbm>>
        %dma_wait3A_427 = tpu.memref_squeeze %dma_wait3A_426 : memref<1x1x2048xf32, #tpu.memory_space<hbm>> -> memref<2048xf32, #tpu.memory_space<hbm>>
        %dma_wait3A_428 = arith.constant 0 : i32
        %dma_wait3A_429 = tpu.memref_slice %arg6[%dma_wait3A_423, %dma_wait3A_424, %dma_wait3A_428] : memref<40x64x16384xf32, #tpu.memory_space<hbm>> -> memref<1x1x2048xf32, #tpu.memory_space<hbm>>
        %dma_wait3A_430 = tpu.memref_squeeze %dma_wait3A_429 : memref<1x1x2048xf32, #tpu.memory_space<hbm>> -> memref<2048xf32, #tpu.memory_space<hbm>>
        tpu.wait_dma2 semaphore(%arg20 : memref<!tpu.dma_semaphore, #tpu.memory_space<semaphore_mem>>) src(%arg14 : memref<2048xf32, #tpu.memory_space<vmem>>) dst(%dma_wait3A_430 : memref<2048xf32, #tpu.memory_space<hbm>>)
        %dma_wait3A_431 = arith.constant 0 : i32
        %dma_wait3A_432 = arith.constant 0 : i32
        %dma_wait3A_433 = arith.constant 0 : i32
        %dma_wait3A_434 = tpu.memref_slice %arg6[%dma_wait3A_431, %dma_wait3A_432, %dma_wait3A_433] : memref<40x64x16384xf32, #tpu.memory_space<hbm>> -> memref<1x1x2048xf32, #tpu.memory_space<hbm>>
        %dma_wait3A_435 = tpu.memref_squeeze %dma_wait3A_434 : memref<1x1x2048xf32, #tpu.memory_space<hbm>> -> memref<2048xf32, #tpu.memory_space<hbm>>
        %dma_wait3A_436 = arith.constant 0 : i32
        %dma_wait3A_437 = tpu.memref_slice %arg6[%dma_wait3A_431, %dma_wait3A_432, %dma_wait3A_436] : memref<40x64x16384xf32, #tpu.memory_space<hbm>> -> memref<1x1x2048xf32, #tpu.memory_space<hbm>>
        %dma_wait3A_438 = tpu.memref_squeeze %dma_wait3A_437 : memref<1x1x2048xf32, #tpu.memory_space<hbm>> -> memref<2048xf32, #tpu.memory_space<hbm>>
        tpu.wait_dma2 semaphore(%arg20 : memref<!tpu.dma_semaphore, #tpu.memory_space<semaphore_mem>>) src(%arg14 : memref<2048xf32, #tpu.memory_space<vmem>>) dst(%dma_wait3A_438 : memref<2048xf32, #tpu.memory_space<hbm>>)
        %dma_wait3A_439 = arith.constant 0 : i32
        %dma_wait3A_440 = arith.constant 0 : i32
        %dma_wait3A_441 = arith.constant 0 : i32
        %dma_wait3A_442 = tpu.memref_slice %arg6[%dma_wait3A_439, %dma_wait3A_440, %dma_wait3A_441] : memref<40x64x16384xf32, #tpu.memory_space<hbm>> -> memref<1x1x2048xf32, #tpu.memory_space<hbm>>
        %dma_wait3A_443 = tpu.memref_squeeze %dma_wait3A_442 : memref<1x1x2048xf32, #tpu.memory_space<hbm>> -> memref<2048xf32, #tpu.memory_space<hbm>>
        %dma_wait3A_444 = arith.constant 0 : i32
        %dma_wait3A_445 = tpu.memref_slice %arg6[%dma_wait3A_439, %dma_wait3A_440, %dma_wait3A_444] : memref<40x64x16384xf32, #tpu.memory_space<hbm>> -> memref<1x1x2048xf32, #tpu.memory_space<hbm>>
        %dma_wait3A_446 = tpu.memref_squeeze %dma_wait3A_445 : memref<1x1x2048xf32, #tpu.memory_space<hbm>> -> memref<2048xf32, #tpu.memory_space<hbm>>
        tpu.wait_dma2 semaphore(%arg20 : memref<!tpu.dma_semaphore, #tpu.memory_space<semaphore_mem>>) src(%arg14 : memref<2048xf32, #tpu.memory_space<vmem>>) dst(%dma_wait3A_446 : memref<2048xf32, #tpu.memory_space<hbm>>)
        %dma_wait3A_447 = arith.constant 0 : i32
        %dma_wait3A_448 = arith.constant 0 : i32
        %dma_wait3A_449 = arith.constant 0 : i32
        %dma_wait3A_450 = tpu.memref_slice %arg6[%dma_wait3A_447, %dma_wait3A_448, %dma_wait3A_449] : memref<40x64x16384xf32, #tpu.memory_space<hbm>> -> memref<1x1x2048xf32, #tpu.memory_space<hbm>>
        %dma_wait3A_451 = tpu.memref_squeeze %dma_wait3A_450 : memref<1x1x2048xf32, #tpu.memory_space<hbm>> -> memref<2048xf32, #tpu.memory_space<hbm>>
        %dma_wait3A_452 = arith.constant 0 : i32
        %dma_wait3A_453 = tpu.memref_slice %arg6[%dma_wait3A_447, %dma_wait3A_448, %dma_wait3A_452] : memref<40x64x16384xf32, #tpu.memory_space<hbm>> -> memref<1x1x2048xf32, #tpu.memory_space<hbm>>
        %dma_wait3A_454 = tpu.memref_squeeze %dma_wait3A_453 : memref<1x1x2048xf32, #tpu.memory_space<hbm>> -> memref<2048xf32, #tpu.memory_space<hbm>>
        tpu.wait_dma2 semaphore(%arg20 : memref<!tpu.dma_semaphore, #tpu.memory_space<semaphore_mem>>) src(%arg14 : memref<2048xf32, #tpu.memory_space<vmem>>) dst(%dma_wait3A_454 : memref<2048xf32, #tpu.memory_space<hbm>>)
        %dma_wait3A_455 = arith.constant 0 : i32
        %dma_wait3A_456 = arith.constant 0 : i32
        %dma_wait3A_457 = arith.constant 0 : i32
        %dma_wait3A_458 = tpu.memref_slice %arg6[%dma_wait3A_455, %dma_wait3A_456, %dma_wait3A_457] : memref<40x64x16384xf32, #tpu.memory_space<hbm>> -> memref<1x1x2048xf32, #tpu.memory_space<hbm>>
        %dma_wait3A_459 = tpu.memref_squeeze %dma_wait3A_458 : memref<1x1x2048xf32, #tpu.memory_space<hbm>> -> memref<2048xf32, #tpu.memory_space<hbm>>
        %dma_wait3A_460 = arith.constant 0 : i32
        %dma_wait3A_461 = tpu.memref_slice %arg6[%dma_wait3A_455, %dma_wait3A_456, %dma_wait3A_460] : memref<40x64x16384xf32, #tpu.memory_space<hbm>> -> memref<1x1x2048xf32, #tpu.memory_space<hbm>>
        %dma_wait3A_462 = tpu.memref_squeeze %dma_wait3A_461 : memref<1x1x2048xf32, #tpu.memory_space<hbm>> -> memref<2048xf32, #tpu.memory_space<hbm>>
        tpu.wait_dma2 semaphore(%arg20 : memref<!tpu.dma_semaphore, #tpu.memory_space<semaphore_mem>>) src(%arg14 : memref<2048xf32, #tpu.memory_space<vmem>>) dst(%dma_wait3A_462 : memref<2048xf32, #tpu.memory_space<hbm>>)
        %dma_wait3A_463 = arith.constant 0 : i32
        %dma_wait3A_464 = arith.constant 0 : i32
        %dma_wait3A_465 = arith.constant 0 : i32
        %dma_wait3A_466 = tpu.memref_slice %arg6[%dma_wait3A_463, %dma_wait3A_464, %dma_wait3A_465] : memref<40x64x16384xf32, #tpu.memory_space<hbm>> -> memref<1x1x2048xf32, #tpu.memory_space<hbm>>
        %dma_wait3A_467 = tpu.memref_squeeze %dma_wait3A_466 : memref<1x1x2048xf32, #tpu.memory_space<hbm>> -> memref<2048xf32, #tpu.memory_space<hbm>>
        %dma_wait3A_468 = arith.constant 0 : i32
        %dma_wait3A_469 = tpu.memref_slice %arg6[%dma_wait3A_463, %dma_wait3A_464, %dma_wait3A_468] : memref<40x64x16384xf32, #tpu.memory_space<hbm>> -> memref<1x1x2048xf32, #tpu.memory_space<hbm>>
        %dma_wait3A_470 = tpu.memref_squeeze %dma_wait3A_469 : memref<1x1x2048xf32, #tpu.memory_space<hbm>> -> memref<2048xf32, #tpu.memory_space<hbm>>
        tpu.wait_dma2 semaphore(%arg20 : memref<!tpu.dma_semaphore, #tpu.memory_space<semaphore_mem>>) src(%arg14 : memref<2048xf32, #tpu.memory_space<vmem>>) dst(%dma_wait3A_470 : memref<2048xf32, #tpu.memory_space<hbm>>)
      } else {
      }
      %ge3A = arith.constant 1248 : i32
      %ge3A_151 = arith.cmpi sge, %add3A_144, %ge3A : i32
      %jit3A_152 = arith.constant 32 : i32
      %div3A_153 = arith.divsi %add3A_144, %jit3A_152 : i32
      %sign3A_154 = arith.constant 0 : i32
      %sign3A_155 = arith.cmpi sgt, %add3A_144, %sign3A_154 : i32
      %sign3A_156 = arith.extui %sign3A_155 : i1 to i32
      %sign3A_157 = arith.constant 0 : i32
      %sign3A_158 = arith.cmpi slt, %add3A_144, %sign3A_157 : i32
      %sign3A_159 = arith.extui %sign3A_158 : i1 to i32
      %sign3A_160 = arith.subi %sign3A_156, %sign3A_159 : i32
      %sign3A_161 = arith.constant 0 : i32
      %sign3A_162 = arith.cmpi sgt, %jit3A_152, %sign3A_161 : i32
      %sign3A_163 = arith.extui %sign3A_162 : i1 to i32
      %sign3A_164 = arith.constant 0 : i32
      %sign3A_165 = arith.cmpi slt, %jit3A_152, %sign3A_164 : i32
      %sign3A_166 = arith.extui %sign3A_165 : i1 to i32
      %sign3A_167 = arith.subi %sign3A_163, %sign3A_166 : i32
      %ne3A_168 = arith.cmpi ne, %sign3A_160, %sign3A_167 : i32
      %rem3A_169 = arith.remsi %add3A_144, %jit3A_152 : i32
      %ne3A_170 = arith.constant 0 : i32
      %ne3A_171 = arith.cmpi ne, %rem3A_169, %ne3A_170 : i32
      %and3A_172 = arith.andi %ne3A_168, %ne3A_171 : i1
      %sub3A_173 = arith.constant 1 : i32
      %sub3A_174 = arith.subi %div3A_153, %sub3A_173 : i32
      %select_n3A_175 = arith.select %and3A_172, %sub3A_174, %div3A_153 : i32
      %jit3A_176 = arith.constant 39 : i32
      %select_n3A_177 = arith.select %ge3A_151, %jit3A_176, %select_n3A_175 : i32
      %sub3A_178 = arith.constant 1248 : i32
      %sub3A_179 = arith.subi %add3A_144, %sub3A_178 : i32
      %jit3A_180 = arith.constant 32 : i32
      %eq3A_181 = arith.constant 0 : i32
      %eq3A_182 = arith.cmpi eq, %jit3A_180, %eq3A_181 : i32
      %jit3A_183 = arith.constant 1 : i32
      %select_n3A_184 = arith.select %eq3A_182, %jit3A_183, %jit3A_180 : i32
      %rem3A_185 = arith.remsi %add3A_144, %select_n3A_184 : i32
      %ne3A_186 = arith.constant 0 : i32
      %ne3A_187 = arith.cmpi ne, %rem3A_185, %ne3A_186 : i32
      %lt3A_188 = arith.constant 0 : i32
      %lt3A_189 = arith.cmpi slt, %rem3A_185, %lt3A_188 : i32
      %lt3A_190 = arith.constant 0 : i32
      %lt3A_191 = arith.cmpi slt, %select_n3A_184, %lt3A_190 : i32
      %ne3A_192 = arith.xori %lt3A_189, %lt3A_191 : i1
      %and3A_193 = arith.andi %ne3A_192, %ne3A_187 : i1
      %add3A_194 = arith.addi %rem3A_185, %select_n3A_184 : i32
      %select_n3A_195 = arith.select %and3A_193, %add3A_194, %rem3A_185 : i32
      %add3A_196 = arith.constant 32 : i32
      %add3A_197 = arith.addi %add3A_196, %select_n3A_195 : i32
      %select_n3A_198 = arith.select %ge3A_151, %sub3A_179, %add3A_197 : i32
      %mul3A_199 = arith.constant 64 : i32
      %mul3A_200 = arith.muli %select_n3A_177, %mul3A_199 : i32
      %add3A_201 = arith.addi %mul3A_200, %select_n3A_198 : i32
      %broadcast_in_dim3A = vector.broadcast %add3A_201 : i32 to vector<16xi32>
      %gather3A = tpu.vector_load_idx %arg16[%broadcast_in_dim3A] : memref<2560xf32, #tpu.memory_space<vmem>>[vector<16xi32>], vector<16xf32>,
      %scan3A_202 = arith.constant 0 : i32
      %scan3A_203 = arith.constant 128 : i32
      %scan3A_204 = arith.addi %scan3A_202, %scan3A_203 : i32
      %scan3A_205 = arith.constant 1 : i32
      scf.for %scan3A_407 = %scan3A_202 to %scan3A_204 step %scan3A_205  : i32 {
        %mul3A_408 = arith.constant 1 : i32
        %mul3A_409 = arith.muli %scan3A_407, %mul3A_408 : i32
        %add3A_410 = arith.constant 0 : i32
        %add3A_411 = arith.addi %add3A_410, %mul3A_409 : i32
        %mul3A_412 = arith.constant 16 : i32
        %mul3A_413 = arith.muli %add3A_411, %mul3A_412 : i32
        %swap3A = arith.index_cast %mul3A_413 : i32 to index
        %swap3A_414 = tpu.vector_load %arg14[%swap3A] {strides = array<i32>} : memref<2048xf32, #tpu.memory_space<vmem>>, vector<16xf32>,
        tpu.vector_store %arg14[%swap3A], %gather3A {strides = array<i32>} : memref<2048xf32, #tpu.memory_space<vmem>>, vector<16xf32>,
      }
      %scan3A_206 = arith.constant 128 : i32
      %dma_start3A_207 = arith.constant 0 : i32
      %dma_start3A_208 = tpu.memref_slice %arg6[%select_n3A_177, %select_n3A_198, %dma_start3A_207] : memref<40x64x16384xf32, #tpu.memory_space<hbm>> -> memref<1x1x2048xf32, #tpu.memory_space<hbm>>
      %dma_start3A_209 = tpu.memref_squeeze %dma_start3A_208 : memref<1x1x2048xf32, #tpu.memory_space<hbm>> -> memref<2048xf32, #tpu.memory_space<hbm>>
      %dma_start3A_210 = arith.constant 0 : i32
      %dma_start3A_211 = tpu.memref_slice %arg6[%select_n3A_177, %select_n3A_198, %dma_start3A_210] : memref<40x64x16384xf32, #tpu.memory_space<hbm>> -> memref<1x1x2048xf32, #tpu.memory_space<hbm>>
      %dma_start3A_212 = tpu.memref_squeeze %dma_start3A_211 : memref<1x1x2048xf32, #tpu.memory_space<hbm>> -> memref<2048xf32, #tpu.memory_space<hbm>>
      tpu.enqueue_dma source(%arg14 : memref<2048xf32, #tpu.memory_space<vmem>>) target(%dma_start3A_212 : memref<2048xf32, #tpu.memory_space<hbm>>) target_semaphore(%arg20 : memref<!tpu.dma_semaphore, #tpu.memory_space<semaphore_mem>>)
      %dma_start3A_213 = arith.constant 2048 : i32
      %dma_start3A_214 = tpu.memref_slice %arg6[%select_n3A_177, %select_n3A_198, %dma_start3A_213] : memref<40x64x16384xf32, #tpu.memory_space<hbm>> -> memref<1x1x2048xf32, #tpu.memory_space<hbm>>
      %dma_start3A_215 = tpu.memref_squeeze %dma_start3A_214 : memref<1x1x2048xf32, #tpu.memory_space<hbm>> -> memref<2048xf32, #tpu.memory_space<hbm>>
      %dma_start3A_216 = arith.constant 2048 : i32
      %dma_start3A_217 = tpu.memref_slice %arg6[%select_n3A_177, %select_n3A_198, %dma_start3A_216] : memref<40x64x16384xf32, #tpu.memory_space<hbm>> -> memref<1x1x2048xf32, #tpu.memory_space<hbm>>
      %dma_start3A_218 = tpu.memref_squeeze %dma_start3A_217 : memref<1x1x2048xf32, #tpu.memory_space<hbm>> -> memref<2048xf32, #tpu.memory_space<hbm>>
      tpu.enqueue_dma source(%arg14 : memref<2048xf32, #tpu.memory_space<vmem>>) target(%dma_start3A_218 : memref<2048xf32, #tpu.memory_space<hbm>>) target_semaphore(%arg20 : memref<!tpu.dma_semaphore, #tpu.memory_space<semaphore_mem>>)
      %dma_start3A_219 = arith.constant 4096 : i32
      %dma_start3A_220 = tpu.memref_slice %arg6[%select_n3A_177, %select_n3A_198, %dma_start3A_219] : memref<40x64x16384xf32, #tpu.memory_space<hbm>> -> memref<1x1x2048xf32, #tpu.memory_space<hbm>>
      %dma_start3A_221 = tpu.memref_squeeze %dma_start3A_220 : memref<1x1x2048xf32, #tpu.memory_space<hbm>> -> memref<2048xf32, #tpu.memory_space<hbm>>
      %dma_start3A_222 = arith.constant 4096 : i32
      %dma_start3A_223 = tpu.memref_slice %arg6[%select_n3A_177, %select_n3A_198, %dma_start3A_222] : memref<40x64x16384xf32, #tpu.memory_space<hbm>> -> memref<1x1x2048xf32, #tpu.memory_space<hbm>>
      %dma_start3A_224 = tpu.memref_squeeze %dma_start3A_223 : memref<1x1x2048xf32, #tpu.memory_space<hbm>> -> memref<2048xf32, #tpu.memory_space<hbm>>
      tpu.enqueue_dma source(%arg14 : memref<2048xf32, #tpu.memory_space<vmem>>) target(%dma_start3A_224 : memref<2048xf32, #tpu.memory_space<hbm>>) target_semaphore(%arg20 : memref<!tpu.dma_semaphore, #tpu.memory_space<semaphore_mem>>)
      %dma_start3A_225 = arith.constant 6144 : i32
      %dma_start3A_226 = tpu.memref_slice %arg6[%select_n3A_177, %select_n3A_198, %dma_start3A_225] : memref<40x64x16384xf32, #tpu.memory_space<hbm>> -> memref<1x1x2048xf32, #tpu.memory_space<hbm>>
      %dma_start3A_227 = tpu.memref_squeeze %dma_start3A_226 : memref<1x1x2048xf32, #tpu.memory_space<hbm>> -> memref<2048xf32, #tpu.memory_space<hbm>>
      %dma_start3A_228 = arith.constant 6144 : i32
      %dma_start3A_229 = tpu.memref_slice %arg6[%select_n3A_177, %select_n3A_198, %dma_start3A_228] : memref<40x64x16384xf32, #tpu.memory_space<hbm>> -> memref<1x1x2048xf32, #tpu.memory_space<hbm>>
      %dma_start3A_230 = tpu.memref_squeeze %dma_start3A_229 : memref<1x1x2048xf32, #tpu.memory_space<hbm>> -> memref<2048xf32, #tpu.memory_space<hbm>>
      tpu.enqueue_dma source(%arg14 : memref<2048xf32, #tpu.memory_space<vmem>>) target(%dma_start3A_230 : memref<2048xf32, #tpu.memory_space<hbm>>) target_semaphore(%arg20 : memref<!tpu.dma_semaphore, #tpu.memory_space<semaphore_mem>>)
      %dma_start3A_231 = arith.constant 8192 : i32
      %dma_start3A_232 = tpu.memref_slice %arg6[%select_n3A_177, %select_n3A_198, %dma_start3A_231] : memref<40x64x16384xf32, #tpu.memory_space<hbm>> -> memref<1x1x2048xf32, #tpu.memory_space<hbm>>
      %dma_start3A_233 = tpu.memref_squeeze %dma_start3A_232 : memref<1x1x2048xf32, #tpu.memory_space<hbm>> -> memref<2048xf32, #tpu.memory_space<hbm>>
      %dma_start3A_234 = arith.constant 8192 : i32
      %dma_start3A_235 = tpu.memref_slice %arg6[%select_n3A_177, %select_n3A_198, %dma_start3A_234] : memref<40x64x16384xf32, #tpu.memory_space<hbm>> -> memref<1x1x2048xf32, #tpu.memory_space<hbm>>
      %dma_start3A_236 = tpu.memref_squeeze %dma_start3A_235 : memref<1x1x2048xf32, #tpu.memory_space<hbm>> -> memref<2048xf32, #tpu.memory_space<hbm>>
      tpu.enqueue_dma source(%arg14 : memref<2048xf32, #tpu.memory_space<vmem>>) target(%dma_start3A_236 : memref<2048xf32, #tpu.memory_space<hbm>>) target_semaphore(%arg20 : memref<!tpu.dma_semaphore, #tpu.memory_space<semaphore_mem>>)
      %dma_start3A_237 = arith.constant 10240 : i32
      %dma_start3A_238 = tpu.memref_slice %arg6[%select_n3A_177, %select_n3A_198, %dma_start3A_237] : memref<40x64x16384xf32, #tpu.memory_space<hbm>> -> memref<1x1x2048xf32, #tpu.memory_space<hbm>>
      %dma_start3A_239 = tpu.memref_squeeze %dma_start3A_238 : memref<1x1x2048xf32, #tpu.memory_space<hbm>> -> memref<2048xf32, #tpu.memory_space<hbm>>
      %dma_start3A_240 = arith.constant 10240 : i32
      %dma_start3A_241 = tpu.memref_slice %arg6[%select_n3A_177, %select_n3A_198, %dma_start3A_240] : memref<40x64x16384xf32, #tpu.memory_space<hbm>> -> memref<1x1x2048xf32, #tpu.memory_space<hbm>>
      %dma_start3A_242 = tpu.memref_squeeze %dma_start3A_241 : memref<1x1x2048xf32, #tpu.memory_space<hbm>> -> memref<2048xf32, #tpu.memory_space<hbm>>
      tpu.enqueue_dma source(%arg14 : memref<2048xf32, #tpu.memory_space<vmem>>) target(%dma_start3A_242 : memref<2048xf32, #tpu.memory_space<hbm>>) target_semaphore(%arg20 : memref<!tpu.dma_semaphore, #tpu.memory_space<semaphore_mem>>)
      %dma_start3A_243 = arith.constant 12288 : i32
      %dma_start3A_244 = tpu.memref_slice %arg6[%select_n3A_177, %select_n3A_198, %dma_start3A_243] : memref<40x64x16384xf32, #tpu.memory_space<hbm>> -> memref<1x1x2048xf32, #tpu.memory_space<hbm>>
      %dma_start3A_245 = tpu.memref_squeeze %dma_start3A_244 : memref<1x1x2048xf32, #tpu.memory_space<hbm>> -> memref<2048xf32, #tpu.memory_space<hbm>>
      %dma_start3A_246 = arith.constant 12288 : i32
      %dma_start3A_247 = tpu.memref_slice %arg6[%select_n3A_177, %select_n3A_198, %dma_start3A_246] : memref<40x64x16384xf32, #tpu.memory_space<hbm>> -> memref<1x1x2048xf32, #tpu.memory_space<hbm>>
      %dma_start3A_248 = tpu.memref_squeeze %dma_start3A_247 : memref<1x1x2048xf32, #tpu.memory_space<hbm>> -> memref<2048xf32, #tpu.memory_space<hbm>>
      tpu.enqueue_dma source(%arg14 : memref<2048xf32, #tpu.memory_space<vmem>>) target(%dma_start3A_248 : memref<2048xf32, #tpu.memory_space<hbm>>) target_semaphore(%arg20 : memref<!tpu.dma_semaphore, #tpu.memory_space<semaphore_mem>>)
      %dma_start3A_249 = arith.constant 14336 : i32
      %dma_start3A_250 = tpu.memref_slice %arg6[%select_n3A_177, %select_n3A_198, %dma_start3A_249] : memref<40x64x16384xf32, #tpu.memory_space<hbm>> -> memref<1x1x2048xf32, #tpu.memory_space<hbm>>
      %dma_start3A_251 = tpu.memref_squeeze %dma_start3A_250 : memref<1x1x2048xf32, #tpu.memory_space<hbm>> -> memref<2048xf32, #tpu.memory_space<hbm>>
      %dma_start3A_252 = arith.constant 14336 : i32
      %dma_start3A_253 = tpu.memref_slice %arg6[%select_n3A_177, %select_n3A_198, %dma_start3A_252] : memref<40x64x16384xf32, #tpu.memory_space<hbm>> -> memref<1x1x2048xf32, #tpu.memory_space<hbm>>
      %dma_start3A_254 = tpu.memref_squeeze %dma_start3A_253 : memref<1x1x2048xf32, #tpu.memory_space<hbm>> -> memref<2048xf32, #tpu.memory_space<hbm>>
      tpu.enqueue_dma source(%arg14 : memref<2048xf32, #tpu.memory_space<vmem>>) target(%dma_start3A_254 : memref<2048xf32, #tpu.memory_space<hbm>>) target_semaphore(%arg20 : memref<!tpu.dma_semaphore, #tpu.memory_space<semaphore_mem>>)
      %lt3A_255 = arith.constant 15 : i32
      %lt3A_256 = arith.cmpi slt, %add3A_101, %lt3A_255 : i32
      %convert_element_type3A_257 = arith.extui %lt3A_256 : i1 to i32
      %cond3A_258 = arith.constant 0 : i32
      %cond3A_259 = arith.cmpi ne, %convert_element_type3A_257, %cond3A_258 : i32
      scf.if %cond3A_259 {
        %mul3A_407 = arith.constant 41 : i32
        %mul3A_408 = arith.muli %add3A, %mul3A_407 : i32
        %add3A_409 = arith.constant 26 : i32
        %add3A_410 = arith.addi %mul3A_408, %add3A_409 : i32
        %add3A_411 = arith.addi %add3A_410, %add3A_101 : i32
        %not3A_412 = arith.constant false
        %not3A_413 = arith.constant true
        %not3A_414 = arith.xori %not3A_412, %not3A_413 : i1
        %convert_element_type3A_415 = arith.extui %not3A_414 : i1 to i32
        %cond3A_416 = arith.constant 0 : i32
        %cond3A_417 = arith.cmpi ne, %convert_element_type3A_415, %cond3A_416 : i32
        scf.if %cond3A_417 {
          %dma_wait3A_525 = arith.constant 0 : i32
          %dma_wait3A_526 = arith.constant 0 : i32
          %dma_wait3A_527 = arith.constant 0 : i32
          %dma_wait3A_528 = tpu.memref_slice %arg6[%dma_wait3A_525, %dma_wait3A_526, %dma_wait3A_527] : memref<40x64x16384xf32, #tpu.memory_space<hbm>> -> memref<1x1x2048xf32, #tpu.memory_space<hbm>>
          %dma_wait3A_529 = tpu.memref_squeeze %dma_wait3A_528 : memref<1x1x2048xf32, #tpu.memory_space<hbm>> -> memref<2048xf32, #tpu.memory_space<hbm>>
          %dma_wait3A_530 = arith.constant 0 : i32
          %dma_wait3A_531 = tpu.memref_slice %arg6[%dma_wait3A_525, %dma_wait3A_526, %dma_wait3A_530] : memref<40x64x16384xf32, #tpu.memory_space<hbm>> -> memref<1x1x2048xf32, #tpu.memory_space<hbm>>
          %dma_wait3A_532 = tpu.memref_squeeze %dma_wait3A_531 : memref<1x1x2048xf32, #tpu.memory_space<hbm>> -> memref<2048xf32, #tpu.memory_space<hbm>>
          tpu.wait_dma2 semaphore(%arg20 : memref<!tpu.dma_semaphore, #tpu.memory_space<semaphore_mem>>) src(%arg14 : memref<2048xf32, #tpu.memory_space<vmem>>) dst(%dma_wait3A_532 : memref<2048xf32, #tpu.memory_space<hbm>>)
          %dma_wait3A_533 = arith.constant 0 : i32
          %dma_wait3A_534 = arith.constant 0 : i32
          %dma_wait3A_535 = arith.constant 0 : i32
          %dma_wait3A_536 = tpu.memref_slice %arg6[%dma_wait3A_533, %dma_wait3A_534, %dma_wait3A_535] : memref<40x64x16384xf32, #tpu.memory_space<hbm>> -> memref<1x1x2048xf32, #tpu.memory_space<hbm>>
          %dma_wait3A_537 = tpu.memref_squeeze %dma_wait3A_536 : memref<1x1x2048xf32, #tpu.memory_space<hbm>> -> memref<2048xf32, #tpu.memory_space<hbm>>
          %dma_wait3A_538 = arith.constant 0 : i32
          %dma_wait3A_539 = tpu.memref_slice %arg6[%dma_wait3A_533, %dma_wait3A_534, %dma_wait3A_538] : memref<40x64x16384xf32, #tpu.memory_space<hbm>> -> memref<1x1x2048xf32, #tpu.memory_space<hbm>>
          %dma_wait3A_540 = tpu.memref_squeeze %dma_wait3A_539 : memref<1x1x2048xf32, #tpu.memory_space<hbm>> -> memref<2048xf32, #tpu.memory_space<hbm>>
          tpu.wait_dma2 semaphore(%arg20 : memref<!tpu.dma_semaphore, #tpu.memory_space<semaphore_mem>>) src(%arg14 : memref<2048xf32, #tpu.memory_space<vmem>>) dst(%dma_wait3A_540 : memref<2048xf32, #tpu.memory_space<hbm>>)
          %dma_wait3A_541 = arith.constant 0 : i32
          %dma_wait3A_542 = arith.constant 0 : i32
          %dma_wait3A_543 = arith.constant 0 : i32
          %dma_wait3A_544 = tpu.memref_slice %arg6[%dma_wait3A_541, %dma_wait3A_542, %dma_wait3A_543] : memref<40x64x16384xf32, #tpu.memory_space<hbm>> -> memref<1x1x2048xf32, #tpu.memory_space<hbm>>
          %dma_wait3A_545 = tpu.memref_squeeze %dma_wait3A_544 : memref<1x1x2048xf32, #tpu.memory_space<hbm>> -> memref<2048xf32, #tpu.memory_space<hbm>>
          %dma_wait3A_546 = arith.constant 0 : i32
          %dma_wait3A_547 = tpu.memref_slice %arg6[%dma_wait3A_541, %dma_wait3A_542, %dma_wait3A_546] : memref<40x64x16384xf32, #tpu.memory_space<hbm>> -> memref<1x1x2048xf32, #tpu.memory_space<hbm>>
          %dma_wait3A_548 = tpu.memref_squeeze %dma_wait3A_547 : memref<1x1x2048xf32, #tpu.memory_space<hbm>> -> memref<2048xf32, #tpu.memory_space<hbm>>
          tpu.wait_dma2 semaphore(%arg20 : memref<!tpu.dma_semaphore, #tpu.memory_space<semaphore_mem>>) src(%arg14 : memref<2048xf32, #tpu.memory_space<vmem>>) dst(%dma_wait3A_548 : memref<2048xf32, #tpu.memory_space<hbm>>)
          %dma_wait3A_549 = arith.constant 0 : i32
          %dma_wait3A_550 = arith.constant 0 : i32
          %dma_wait3A_551 = arith.constant 0 : i32
          %dma_wait3A_552 = tpu.memref_slice %arg6[%dma_wait3A_549, %dma_wait3A_550, %dma_wait3A_551] : memref<40x64x16384xf32, #tpu.memory_space<hbm>> -> memref<1x1x2048xf32, #tpu.memory_space<hbm>>
          %dma_wait3A_553 = tpu.memref_squeeze %dma_wait3A_552 : memref<1x1x2048xf32, #tpu.memory_space<hbm>> -> memref<2048xf32, #tpu.memory_space<hbm>>
          %dma_wait3A_554 = arith.constant 0 : i32
          %dma_wait3A_555 = tpu.memref_slice %arg6[%dma_wait3A_549, %dma_wait3A_550, %dma_wait3A_554] : memref<40x64x16384xf32, #tpu.memory_space<hbm>> -> memref<1x1x2048xf32, #tpu.memory_space<hbm>>
          %dma_wait3A_556 = tpu.memref_squeeze %dma_wait3A_555 : memref<1x1x2048xf32, #tpu.memory_space<hbm>> -> memref<2048xf32, #tpu.memory_space<hbm>>
          tpu.wait_dma2 semaphore(%arg20 : memref<!tpu.dma_semaphore, #tpu.memory_space<semaphore_mem>>) src(%arg14 : memref<2048xf32, #tpu.memory_space<vmem>>) dst(%dma_wait3A_556 : memref<2048xf32, #tpu.memory_space<hbm>>)
          %dma_wait3A_557 = arith.constant 0 : i32
          %dma_wait3A_558 = arith.constant 0 : i32
          %dma_wait3A_559 = arith.constant 0 : i32
          %dma_wait3A_560 = tpu.memref_slice %arg6[%dma_wait3A_557, %dma_wait3A_558, %dma_wait3A_559] : memref<40x64x16384xf32, #tpu.memory_space<hbm>> -> memref<1x1x2048xf32, #tpu.memory_space<hbm>>
          %dma_wait3A_561 = tpu.memref_squeeze %dma_wait3A_560 : memref<1x1x2048xf32, #tpu.memory_space<hbm>> -> memref<2048xf32, #tpu.memory_space<hbm>>
          %dma_wait3A_562 = arith.constant 0 : i32
          %dma_wait3A_563 = tpu.memref_slice %arg6[%dma_wait3A_557, %dma_wait3A_558, %dma_wait3A_562] : memref<40x64x16384xf32, #tpu.memory_space<hbm>> -> memref<1x1x2048xf32, #tpu.memory_space<hbm>>
          %dma_wait3A_564 = tpu.memref_squeeze %dma_wait3A_563 : memref<1x1x2048xf32, #tpu.memory_space<hbm>> -> memref<2048xf32, #tpu.memory_space<hbm>>
          tpu.wait_dma2 semaphore(%arg20 : memref<!tpu.dma_semaphore, #tpu.memory_space<semaphore_mem>>) src(%arg14 : memref<2048xf32, #tpu.memory_space<vmem>>) dst(%dma_wait3A_564 : memref<2048xf32, #tpu.memory_space<hbm>>)
          %dma_wait3A_565 = arith.constant 0 : i32
          %dma_wait3A_566 = arith.constant 0 : i32
          %dma_wait3A_567 = arith.constant 0 : i32
          %dma_wait3A_568 = tpu.memref_slice %arg6[%dma_wait3A_565, %dma_wait3A_566, %dma_wait3A_567] : memref<40x64x16384xf32, #tpu.memory_space<hbm>> -> memref<1x1x2048xf32, #tpu.memory_space<hbm>>
          %dma_wait3A_569 = tpu.memref_squeeze %dma_wait3A_568 : memref<1x1x2048xf32, #tpu.memory_space<hbm>> -> memref<2048xf32, #tpu.memory_space<hbm>>
          %dma_wait3A_570 = arith.constant 0 : i32
          %dma_wait3A_571 = tpu.memref_slice %arg6[%dma_wait3A_565, %dma_wait3A_566, %dma_wait3A_570] : memref<40x64x16384xf32, #tpu.memory_space<hbm>> -> memref<1x1x2048xf32, #tpu.memory_space<hbm>>
          %dma_wait3A_572 = tpu.memref_squeeze %dma_wait3A_571 : memref<1x1x2048xf32, #tpu.memory_space<hbm>> -> memref<2048xf32, #tpu.memory_space<hbm>>
          tpu.wait_dma2 semaphore(%arg20 : memref<!tpu.dma_semaphore, #tpu.memory_space<semaphore_mem>>) src(%arg14 : memref<2048xf32, #tpu.memory_space<vmem>>) dst(%dma_wait3A_572 : memref<2048xf32, #tpu.memory_space<hbm>>)
          %dma_wait3A_573 = arith.constant 0 : i32
          %dma_wait3A_574 = arith.constant 0 : i32
          %dma_wait3A_575 = arith.constant 0 : i32
          %dma_wait3A_576 = tpu.memref_slice %arg6[%dma_wait3A_573, %dma_wait3A_574, %dma_wait3A_575] : memref<40x64x16384xf32, #tpu.memory_space<hbm>> -> memref<1x1x2048xf32, #tpu.memory_space<hbm>>
          %dma_wait3A_577 = tpu.memref_squeeze %dma_wait3A_576 : memref<1x1x2048xf32, #tpu.memory_space<hbm>> -> memref<2048xf32, #tpu.memory_space<hbm>>
          %dma_wait3A_578 = arith.constant 0 : i32
          %dma_wait3A_579 = tpu.memref_slice %arg6[%dma_wait3A_573, %dma_wait3A_574, %dma_wait3A_578] : memref<40x64x16384xf32, #tpu.memory_space<hbm>> -> memref<1x1x2048xf32, #tpu.memory_space<hbm>>
          %dma_wait3A_580 = tpu.memref_squeeze %dma_wait3A_579 : memref<1x1x2048xf32, #tpu.memory_space<hbm>> -> memref<2048xf32, #tpu.memory_space<hbm>>
          tpu.wait_dma2 semaphore(%arg20 : memref<!tpu.dma_semaphore, #tpu.memory_space<semaphore_mem>>) src(%arg14 : memref<2048xf32, #tpu.memory_space<vmem>>) dst(%dma_wait3A_580 : memref<2048xf32, #tpu.memory_space<hbm>>)
          %dma_wait3A_581 = arith.constant 0 : i32
          %dma_wait3A_582 = arith.constant 0 : i32
          %dma_wait3A_583 = arith.constant 0 : i32
          %dma_wait3A_584 = tpu.memref_slice %arg6[%dma_wait3A_581, %dma_wait3A_582, %dma_wait3A_583] : memref<40x64x16384xf32, #tpu.memory_space<hbm>> -> memref<1x1x2048xf32, #tpu.memory_space<hbm>>
          %dma_wait3A_585 = tpu.memref_squeeze %dma_wait3A_584 : memref<1x1x2048xf32, #tpu.memory_space<hbm>> -> memref<2048xf32, #tpu.memory_space<hbm>>
          %dma_wait3A_586 = arith.constant 0 : i32
          %dma_wait3A_587 = tpu.memref_slice %arg6[%dma_wait3A_581, %dma_wait3A_582, %dma_wait3A_586] : memref<40x64x16384xf32, #tpu.memory_space<hbm>> -> memref<1x1x2048xf32, #tpu.memory_space<hbm>>
          %dma_wait3A_588 = tpu.memref_squeeze %dma_wait3A_587 : memref<1x1x2048xf32, #tpu.memory_space<hbm>> -> memref<2048xf32, #tpu.memory_space<hbm>>
          tpu.wait_dma2 semaphore(%arg20 : memref<!tpu.dma_semaphore, #tpu.memory_space<semaphore_mem>>) src(%arg14 : memref<2048xf32, #tpu.memory_space<vmem>>) dst(%dma_wait3A_588 : memref<2048xf32, #tpu.memory_space<hbm>>)
        } else {
        }
        %ge3A_418 = arith.constant 1248 : i32
        %ge3A_419 = arith.cmpi sge, %add3A_411, %ge3A_418 : i32
        %jit3A_420 = arith.constant 32 : i32
        %div3A_421 = arith.divsi %add3A_411, %jit3A_420 : i32
        %sign3A_422 = arith.constant 0 : i32
        %sign3A_423 = arith.cmpi sgt, %add3A_411, %sign3A_422 : i32
        %sign3A_424 = arith.extui %sign3A_423 : i1 to i32
        %sign3A_425 = arith.constant 0 : i32
        %sign3A_426 = arith.cmpi slt, %add3A_411, %sign3A_425 : i32
        %sign3A_427 = arith.extui %sign3A_426 : i1 to i32
        %sign3A_428 = arith.subi %sign3A_424, %sign3A_427 : i32
        %sign3A_429 = arith.constant 0 : i32
        %sign3A_430 = arith.cmpi sgt, %jit3A_420, %sign3A_429 : i32
        %sign3A_431 = arith.extui %sign3A_430 : i1 to i32
        %sign3A_432 = arith.constant 0 : i32
        %sign3A_433 = arith.cmpi slt, %jit3A_420, %sign3A_432 : i32
        %sign3A_434 = arith.extui %sign3A_433 : i1 to i32
        %sign3A_435 = arith.subi %sign3A_431, %sign3A_434 : i32
        %ne3A_436 = arith.cmpi ne, %sign3A_428, %sign3A_435 : i32
        %rem3A_437 = arith.remsi %add3A_411, %jit3A_420 : i32
        %ne3A_438 = arith.constant 0 : i32
        %ne3A_439 = arith.cmpi ne, %rem3A_437, %ne3A_438 : i32
        %and3A_440 = arith.andi %ne3A_436, %ne3A_439 : i1
        %sub3A_441 = arith.constant 1 : i32
        %sub3A_442 = arith.subi %div3A_421, %sub3A_441 : i32
        %select_n3A_443 = arith.select %and3A_440, %sub3A_442, %div3A_421 : i32
        %jit3A_444 = arith.constant 39 : i32
        %select_n3A_445 = arith.select %ge3A_419, %jit3A_444, %select_n3A_443 : i32
        %sub3A_446 = arith.constant 1248 : i32
        %sub3A_447 = arith.subi %add3A_411, %sub3A_446 : i32
        %jit3A_448 = arith.constant 32 : i32
        %eq3A_449 = arith.constant 0 : i32
        %eq3A_450 = arith.cmpi eq, %jit3A_448, %eq3A_449 : i32
        %jit3A_451 = arith.constant 1 : i32
        %select_n3A_452 = arith.select %eq3A_450, %jit3A_451, %jit3A_448 : i32
        %rem3A_453 = arith.remsi %add3A_411, %select_n3A_452 : i32
        %ne3A_454 = arith.constant 0 : i32
        %ne3A_455 = arith.cmpi ne, %rem3A_453, %ne3A_454 : i32
        %lt3A_456 = arith.constant 0 : i32
        %lt3A_457 = arith.cmpi slt, %rem3A_453, %lt3A_456 : i32
        %lt3A_458 = arith.constant 0 : i32
        %lt3A_459 = arith.cmpi slt, %select_n3A_452, %lt3A_458 : i32
        %ne3A_460 = arith.xori %lt3A_457, %lt3A_459 : i1
        %and3A_461 = arith.andi %ne3A_460, %ne3A_455 : i1
        %add3A_462 = arith.addi %rem3A_453, %select_n3A_452 : i32
        %select_n3A_463 = arith.select %and3A_461, %add3A_462, %rem3A_453 : i32
        %add3A_464 = arith.constant 32 : i32
        %add3A_465 = arith.addi %add3A_464, %select_n3A_463 : i32
        %select_n3A_466 = arith.select %ge3A_419, %sub3A_447, %add3A_465 : i32
        %mul3A_467 = arith.constant 64 : i32
        %mul3A_468 = arith.muli %select_n3A_445, %mul3A_467 : i32
        %add3A_469 = arith.addi %mul3A_468, %select_n3A_466 : i32
        %broadcast_in_dim3A_470 = vector.broadcast %add3A_469 : i32 to vector<16xi32>
        %gather3A_471 = tpu.vector_load_idx %arg16[%broadcast_in_dim3A_470] : memref<2560xf32, #tpu.memory_space<vmem>>[vector<16xi32>], vector<16xf32>,
        %scan3A_472 = arith.constant 0 : i32
        %scan3A_473 = arith.constant 128 : i32
        %scan3A_474 = arith.addi %scan3A_472, %scan3A_473 : i32
        %scan3A_475 = arith.constant 1 : i32
        scf.for %scan3A_525 = %scan3A_472 to %scan3A_474 step %scan3A_475  : i32 {
          %mul3A_526 = arith.constant 1 : i32
          %mul3A_527 = arith.muli %scan3A_525, %mul3A_526 : i32
          %add3A_528 = arith.constant 0 : i32
          %add3A_529 = arith.addi %add3A_528, %mul3A_527 : i32
          %mul3A_530 = arith.constant 16 : i32
          %mul3A_531 = arith.muli %add3A_529, %mul3A_530 : i32
          %swap3A = arith.index_cast %mul3A_531 : i32 to index
          %swap3A_532 = tpu.vector_load %arg14[%swap3A] {strides = array<i32>} : memref<2048xf32, #tpu.memory_space<vmem>>, vector<16xf32>,
          tpu.vector_store %arg14[%swap3A], %gather3A_471 {strides = array<i32>} : memref<2048xf32, #tpu.memory_space<vmem>>, vector<16xf32>,
        }
        %scan3A_476 = arith.constant 128 : i32
        %dma_start3A_477 = arith.constant 0 : i32
        %dma_start3A_478 = tpu.memref_slice %arg6[%select_n3A_445, %select_n3A_466, %dma_start3A_477] : memref<40x64x16384xf32, #tpu.memory_space<hbm>> -> memref<1x1x2048xf32, #tpu.memory_space<hbm>>
        %dma_start3A_479 = tpu.memref_squeeze %dma_start3A_478 : memref<1x1x2048xf32, #tpu.memory_space<hbm>> -> memref<2048xf32, #tpu.memory_space<hbm>>
        %dma_start3A_480 = arith.constant 0 : i32
        %dma_start3A_481 = tpu.memref_slice %arg6[%select_n3A_445, %select_n3A_466, %dma_start3A_480] : memref<40x64x16384xf32, #tpu.memory_space<hbm>> -> memref<1x1x2048xf32, #tpu.memory_space<hbm>>
        %dma_start3A_482 = tpu.memref_squeeze %dma_start3A_481 : memref<1x1x2048xf32, #tpu.memory_space<hbm>> -> memref<2048xf32, #tpu.memory_space<hbm>>
        tpu.enqueue_dma source(%arg14 : memref<2048xf32, #tpu.memory_space<vmem>>) target(%dma_start3A_482 : memref<2048xf32, #tpu.memory_space<hbm>>) target_semaphore(%arg20 : memref<!tpu.dma_semaphore, #tpu.memory_space<semaphore_mem>>)
        %dma_start3A_483 = arith.constant 2048 : i32
        %dma_start3A_484 = tpu.memref_slice %arg6[%select_n3A_445, %select_n3A_466, %dma_start3A_483] : memref<40x64x16384xf32, #tpu.memory_space<hbm>> -> memref<1x1x2048xf32, #tpu.memory_space<hbm>>
        %dma_start3A_485 = tpu.memref_squeeze %dma_start3A_484 : memref<1x1x2048xf32, #tpu.memory_space<hbm>> -> memref<2048xf32, #tpu.memory_space<hbm>>
        %dma_start3A_486 = arith.constant 2048 : i32
        %dma_start3A_487 = tpu.memref_slice %arg6[%select_n3A_445, %select_n3A_466, %dma_start3A_486] : memref<40x64x16384xf32, #tpu.memory_space<hbm>> -> memref<1x1x2048xf32, #tpu.memory_space<hbm>>
        %dma_start3A_488 = tpu.memref_squeeze %dma_start3A_487 : memref<1x1x2048xf32, #tpu.memory_space<hbm>> -> memref<2048xf32, #tpu.memory_space<hbm>>
        tpu.enqueue_dma source(%arg14 : memref<2048xf32, #tpu.memory_space<vmem>>) target(%dma_start3A_488 : memref<2048xf32, #tpu.memory_space<hbm>>) target_semaphore(%arg20 : memref<!tpu.dma_semaphore, #tpu.memory_space<semaphore_mem>>)
        %dma_start3A_489 = arith.constant 4096 : i32
        %dma_start3A_490 = tpu.memref_slice %arg6[%select_n3A_445, %select_n3A_466, %dma_start3A_489] : memref<40x64x16384xf32, #tpu.memory_space<hbm>> -> memref<1x1x2048xf32, #tpu.memory_space<hbm>>
        %dma_start3A_491 = tpu.memref_squeeze %dma_start3A_490 : memref<1x1x2048xf32, #tpu.memory_space<hbm>> -> memref<2048xf32, #tpu.memory_space<hbm>>
        %dma_start3A_492 = arith.constant 4096 : i32
        %dma_start3A_493 = tpu.memref_slice %arg6[%select_n3A_445, %select_n3A_466, %dma_start3A_492] : memref<40x64x16384xf32, #tpu.memory_space<hbm>> -> memref<1x1x2048xf32, #tpu.memory_space<hbm>>
        %dma_start3A_494 = tpu.memref_squeeze %dma_start3A_493 : memref<1x1x2048xf32, #tpu.memory_space<hbm>> -> memref<2048xf32, #tpu.memory_space<hbm>>
        tpu.enqueue_dma source(%arg14 : memref<2048xf32, #tpu.memory_space<vmem>>) target(%dma_start3A_494 : memref<2048xf32, #tpu.memory_space<hbm>>) target_semaphore(%arg20 : memref<!tpu.dma_semaphore, #tpu.memory_space<semaphore_mem>>)
        %dma_start3A_495 = arith.constant 6144 : i32
        %dma_start3A_496 = tpu.memref_slice %arg6[%select_n3A_445, %select_n3A_466, %dma_start3A_495] : memref<40x64x16384xf32, #tpu.memory_space<hbm>> -> memref<1x1x2048xf32, #tpu.memory_space<hbm>>
        %dma_start3A_497 = tpu.memref_squeeze %dma_start3A_496 : memref<1x1x2048xf32, #tpu.memory_space<hbm>> -> memref<2048xf32, #tpu.memory_space<hbm>>
        %dma_start3A_498 = arith.constant 6144 : i32
        %dma_start3A_499 = tpu.memref_slice %arg6[%select_n3A_445, %select_n3A_466, %dma_start3A_498] : memref<40x64x16384xf32, #tpu.memory_space<hbm>> -> memref<1x1x2048xf32, #tpu.memory_space<hbm>>
        %dma_start3A_500 = tpu.memref_squeeze %dma_start3A_499 : memref<1x1x2048xf32, #tpu.memory_space<hbm>> -> memref<2048xf32, #tpu.memory_space<hbm>>
        tpu.enqueue_dma source(%arg14 : memref<2048xf32, #tpu.memory_space<vmem>>) target(%dma_start3A_500 : memref<2048xf32, #tpu.memory_space<hbm>>) target_semaphore(%arg20 : memref<!tpu.dma_semaphore, #tpu.memory_space<semaphore_mem>>)
        %dma_start3A_501 = arith.constant 8192 : i32
        %dma_start3A_502 = tpu.memref_slice %arg6[%select_n3A_445, %select_n3A_466, %dma_start3A_501] : memref<40x64x16384xf32, #tpu.memory_space<hbm>> -> memref<1x1x2048xf32, #tpu.memory_space<hbm>>
        %dma_start3A_503 = tpu.memref_squeeze %dma_start3A_502 : memref<1x1x2048xf32, #tpu.memory_space<hbm>> -> memref<2048xf32, #tpu.memory_space<hbm>>
        %dma_start3A_504 = arith.constant 8192 : i32
        %dma_start3A_505 = tpu.memref_slice %arg6[%select_n3A_445, %select_n3A_466, %dma_start3A_504] : memref<40x64x16384xf32, #tpu.memory_space<hbm>> -> memref<1x1x2048xf32, #tpu.memory_space<hbm>>
        %dma_start3A_506 = tpu.memref_squeeze %dma_start3A_505 : memref<1x1x2048xf32, #tpu.memory_space<hbm>> -> memref<2048xf32, #tpu.memory_space<hbm>>
        tpu.enqueue_dma source(%arg14 : memref<2048xf32, #tpu.memory_space<vmem>>) target(%dma_start3A_506 : memref<2048xf32, #tpu.memory_space<hbm>>) target_semaphore(%arg20 : memref<!tpu.dma_semaphore, #tpu.memory_space<semaphore_mem>>)
        %dma_start3A_507 = arith.constant 10240 : i32
        %dma_start3A_508 = tpu.memref_slice %arg6[%select_n3A_445, %select_n3A_466, %dma_start3A_507] : memref<40x64x16384xf32, #tpu.memory_space<hbm>> -> memref<1x1x2048xf32, #tpu.memory_space<hbm>>
        %dma_start3A_509 = tpu.memref_squeeze %dma_start3A_508 : memref<1x1x2048xf32, #tpu.memory_space<hbm>> -> memref<2048xf32, #tpu.memory_space<hbm>>
        %dma_start3A_510 = arith.constant 10240 : i32
        %dma_start3A_511 = tpu.memref_slice %arg6[%select_n3A_445, %select_n3A_466, %dma_start3A_510] : memref<40x64x16384xf32, #tpu.memory_space<hbm>> -> memref<1x1x2048xf32, #tpu.memory_space<hbm>>
        %dma_start3A_512 = tpu.memref_squeeze %dma_start3A_511 : memref<1x1x2048xf32, #tpu.memory_space<hbm>> -> memref<2048xf32, #tpu.memory_space<hbm>>
        tpu.enqueue_dma source(%arg14 : memref<2048xf32, #tpu.memory_space<vmem>>) target(%dma_start3A_512 : memref<2048xf32, #tpu.memory_space<hbm>>) target_semaphore(%arg20 : memref<!tpu.dma_semaphore, #tpu.memory_space<semaphore_mem>>)
        %dma_start3A_513 = arith.constant 12288 : i32
        %dma_start3A_514 = tpu.memref_slice %arg6[%select_n3A_445, %select_n3A_466, %dma_start3A_513] : memref<40x64x16384xf32, #tpu.memory_space<hbm>> -> memref<1x1x2048xf32, #tpu.memory_space<hbm>>
        %dma_start3A_515 = tpu.memref_squeeze %dma_start3A_514 : memref<1x1x2048xf32, #tpu.memory_space<hbm>> -> memref<2048xf32, #tpu.memory_space<hbm>>
        %dma_start3A_516 = arith.constant 12288 : i32
        %dma_start3A_517 = tpu.memref_slice %arg6[%select_n3A_445, %select_n3A_466, %dma_start3A_516] : memref<40x64x16384xf32, #tpu.memory_space<hbm>> -> memref<1x1x2048xf32, #tpu.memory_space<hbm>>
        %dma_start3A_518 = tpu.memref_squeeze %dma_start3A_517 : memref<1x1x2048xf32, #tpu.memory_space<hbm>> -> memref<2048xf32, #tpu.memory_space<hbm>>
        tpu.enqueue_dma source(%arg14 : memref<2048xf32, #tpu.memory_space<vmem>>) target(%dma_start3A_518 : memref<2048xf32, #tpu.memory_space<hbm>>) target_semaphore(%arg20 : memref<!tpu.dma_semaphore, #tpu.memory_space<semaphore_mem>>)
        %dma_start3A_519 = arith.constant 14336 : i32
        %dma_start3A_520 = tpu.memref_slice %arg6[%select_n3A_445, %select_n3A_466, %dma_start3A_519] : memref<40x64x16384xf32, #tpu.memory_space<hbm>> -> memref<1x1x2048xf32, #tpu.memory_space<hbm>>
        %dma_start3A_521 = tpu.memref_squeeze %dma_start3A_520 : memref<1x1x2048xf32, #tpu.memory_space<hbm>> -> memref<2048xf32, #tpu.memory_space<hbm>>
        %dma_start3A_522 = arith.constant 14336 : i32
        %dma_start3A_523 = tpu.memref_slice %arg6[%select_n3A_445, %select_n3A_466, %dma_start3A_522] : memref<40x64x16384xf32, #tpu.memory_space<hbm>> -> memref<1x1x2048xf32, #tpu.memory_space<hbm>>
        %dma_start3A_524 = tpu.memref_squeeze %dma_start3A_523 : memref<1x1x2048xf32, #tpu.memory_space<hbm>> -> memref<2048xf32, #tpu.memory_space<hbm>>
        tpu.enqueue_dma source(%arg14 : memref<2048xf32, #tpu.memory_space<vmem>>) target(%dma_start3A_524 : memref<2048xf32, #tpu.memory_space<hbm>>) target_semaphore(%arg20 : memref<!tpu.dma_semaphore, #tpu.memory_space<semaphore_mem>>)
      } else {
      }
      %dma_wait3A_260 = arith.constant 0 : i32
      %dma_wait3A_261 = tpu.memref_slice %arg2[%add3A_104, %dma_wait3A_260] : memref<832x100000xf32, #tpu.memory_space<hbm>> -> memref<1x50048xf32, #tpu.memory_space<hbm>>
      %dma_wait3A_262 = arith.constant 0 : i32
      %dma_wait3A_263 = tpu.memref_slice %arg2[%add3A_104, %dma_wait3A_262] : memref<832x100000xf32, #tpu.memory_space<hbm>> -> memref<1x50048xf32, #tpu.memory_space<hbm>>
      tpu.wait_dma2 semaphore(%arg17 : memref<!tpu.dma_semaphore, #tpu.memory_space<semaphore_mem>>) src(%dma_wait3A_263 : memref<1x50048xf32, #tpu.memory_space<hbm>>) dst(%arg7 : memref<1x50048xf32, #tpu.memory_space<vmem>>)
      %dma_start3A_264 = arith.constant 0 : i32
      %dma_start3A_265 = tpu.memref_slice %arg3[%select_n3A, %dma_start3A_264] : memref<26x16384xi32, #tpu.memory_space<hbm>> -> memref<1x4096xi32, #tpu.memory_space<hbm>>
      %dma_start3A_266 = tpu.memref_squeeze %dma_start3A_265 : memref<1x4096xi32, #tpu.memory_space<hbm>> -> memref<4096xi32, #tpu.memory_space<hbm>>
      %dma_start3A_267 = arith.constant 0 : i32
      %dma_start3A_268 = tpu.memref_slice %arg3[%select_n3A, %dma_start3A_267] : memref<26x16384xi32, #tpu.memory_space<hbm>> -> memref<1x4096xi32, #tpu.memory_space<hbm>>
      %dma_start3A_269 = tpu.memref_squeeze %dma_start3A_268 : memref<1x4096xi32, #tpu.memory_space<hbm>> -> memref<4096xi32, #tpu.memory_space<hbm>>
      tpu.enqueue_dma source(%dma_start3A_269 : memref<4096xi32, #tpu.memory_space<hbm>>) target(%arg12 : memref<4096xi32, #tpu.memory_space<vmem>>) target_semaphore(%arg22 : memref<!tpu.dma_semaphore, #tpu.memory_space<semaphore_mem>>)
      %dma_start3A_270 = arith.constant 4096 : i32
      %dma_start3A_271 = tpu.memref_slice %arg3[%select_n3A, %dma_start3A_270] : memref<26x16384xi32, #tpu.memory_space<hbm>> -> memref<1x4096xi32, #tpu.memory_space<hbm>>
      %dma_start3A_272 = tpu.memref_squeeze %dma_start3A_271 : memref<1x4096xi32, #tpu.memory_space<hbm>> -> memref<4096xi32, #tpu.memory_space<hbm>>
      %dma_start3A_273 = arith.constant 4096 : i32
      %dma_start3A_274 = tpu.memref_slice %arg3[%select_n3A, %dma_start3A_273] : memref<26x16384xi32, #tpu.memory_space<hbm>> -> memref<1x4096xi32, #tpu.memory_space<hbm>>
      %dma_start3A_275 = tpu.memref_squeeze %dma_start3A_274 : memref<1x4096xi32, #tpu.memory_space<hbm>> -> memref<4096xi32, #tpu.memory_space<hbm>>
      tpu.enqueue_dma source(%dma_start3A_275 : memref<4096xi32, #tpu.memory_space<hbm>>) target(%arg13 : memref<4096xi32, #tpu.memory_space<vmem>>) target_semaphore(%arg22 : memref<!tpu.dma_semaphore, #tpu.memory_space<semaphore_mem>>)
      %gt3A = arith.constant 0 : i32
      %gt3A_276 = arith.cmpi sgt, %add3A_101, %gt3A : i32
      %convert_element_type3A_277 = arith.extui %gt3A_276 : i1 to i32
      %cond3A_278 = arith.constant 0 : i32
      %cond3A_279 = arith.cmpi ne, %convert_element_type3A_277, %cond3A_278 : i32
      scf.if %cond3A_279 {
        %dma_wait3A_407 = arith.constant 0 : i32
        %dma_wait3A_408 = arith.constant 0 : i32
        %dma_wait3A_409 = arith.constant 0 : i32
        %dma_wait3A_410 = tpu.memref_slice %arg6[%dma_wait3A_407, %dma_wait3A_408, %dma_wait3A_409] : memref<40x64x16384xf32, #tpu.memory_space<hbm>> -> memref<1x1x4096xf32, #tpu.memory_space<hbm>>
        %dma_wait3A_411 = tpu.memref_squeeze %dma_wait3A_410 : memref<1x1x4096xf32, #tpu.memory_space<hbm>> -> memref<4096xf32, #tpu.memory_space<hbm>>
        %dma_wait3A_412 = arith.constant 0 : i32
        %dma_wait3A_413 = tpu.memref_slice %arg6[%dma_wait3A_407, %dma_wait3A_408, %dma_wait3A_412] : memref<40x64x16384xf32, #tpu.memory_space<hbm>> -> memref<1x1x4096xf32, #tpu.memory_space<hbm>>
        %dma_wait3A_414 = tpu.memref_squeeze %dma_wait3A_413 : memref<1x1x4096xf32, #tpu.memory_space<hbm>> -> memref<4096xf32, #tpu.memory_space<hbm>>
        tpu.wait_dma2 semaphore(%arg19 : memref<!tpu.dma_semaphore, #tpu.memory_space<semaphore_mem>>) src(%arg9 : memref<4096xf32, #tpu.memory_space<vmem>>) dst(%dma_wait3A_414 : memref<4096xf32, #tpu.memory_space<hbm>>)
        %dma_wait3A_415 = arith.constant 0 : i32
        %dma_wait3A_416 = arith.constant 0 : i32
        %dma_wait3A_417 = arith.constant 0 : i32
        %dma_wait3A_418 = tpu.memref_slice %arg6[%dma_wait3A_415, %dma_wait3A_416, %dma_wait3A_417] : memref<40x64x16384xf32, #tpu.memory_space<hbm>> -> memref<1x1x4096xf32, #tpu.memory_space<hbm>>
        %dma_wait3A_419 = tpu.memref_squeeze %dma_wait3A_418 : memref<1x1x4096xf32, #tpu.memory_space<hbm>> -> memref<4096xf32, #tpu.memory_space<hbm>>
        %dma_wait3A_420 = arith.constant 0 : i32
        %dma_wait3A_421 = tpu.memref_slice %arg6[%dma_wait3A_415, %dma_wait3A_416, %dma_wait3A_420] : memref<40x64x16384xf32, #tpu.memory_space<hbm>> -> memref<1x1x4096xf32, #tpu.memory_space<hbm>>
        %dma_wait3A_422 = tpu.memref_squeeze %dma_wait3A_421 : memref<1x1x4096xf32, #tpu.memory_space<hbm>> -> memref<4096xf32, #tpu.memory_space<hbm>>
        tpu.wait_dma2 semaphore(%arg19 : memref<!tpu.dma_semaphore, #tpu.memory_space<semaphore_mem>>) src(%arg9 : memref<4096xf32, #tpu.memory_space<vmem>>) dst(%dma_wait3A_422 : memref<4096xf32, #tpu.memory_space<hbm>>)
      } else {
      }
      %dma_wait3A_280 = arith.constant 0 : i32
      %dma_wait3A_281 = tpu.memref_slice %arg3[%select_n3A, %dma_wait3A_280] : memref<26x16384xi32, #tpu.memory_space<hbm>> -> memref<1x4096xi32, #tpu.memory_space<hbm>>
      %dma_wait3A_282 = tpu.memref_squeeze %dma_wait3A_281 : memref<1x4096xi32, #tpu.memory_space<hbm>> -> memref<4096xi32, #tpu.memory_space<hbm>>
      %dma_wait3A_283 = arith.constant 0 : i32
      %dma_wait3A_284 = tpu.memref_slice %arg3[%select_n3A, %dma_wait3A_283] : memref<26x16384xi32, #tpu.memory_space<hbm>> -> memref<1x4096xi32, #tpu.memory_space<hbm>>
      %dma_wait3A_285 = tpu.memref_squeeze %dma_wait3A_284 : memref<1x4096xi32, #tpu.memory_space<hbm>> -> memref<4096xi32, #tpu.memory_space<hbm>>
      tpu.wait_dma2 semaphore(%arg22 : memref<!tpu.dma_semaphore, #tpu.memory_space<semaphore_mem>>) src(%dma_wait3A_285 : memref<4096xi32, #tpu.memory_space<hbm>>) dst(%arg12 : memref<4096xi32, #tpu.memory_space<vmem>>)
      %dma_wait3A_286 = arith.constant 4096 : i32
      %dma_wait3A_287 = tpu.memref_slice %arg3[%select_n3A, %dma_wait3A_286] : memref<26x16384xi32, #tpu.memory_space<hbm>> -> memref<1x4096xi32, #tpu.memory_space<hbm>>
      %dma_wait3A_288 = tpu.memref_squeeze %dma_wait3A_287 : memref<1x4096xi32, #tpu.memory_space<hbm>> -> memref<4096xi32, #tpu.memory_space<hbm>>
      %dma_wait3A_289 = arith.constant 4096 : i32
      %dma_wait3A_290 = tpu.memref_slice %arg3[%select_n3A, %dma_wait3A_289] : memref<26x16384xi32, #tpu.memory_space<hbm>> -> memref<1x4096xi32, #tpu.memory_space<hbm>>
      %dma_wait3A_291 = tpu.memref_squeeze %dma_wait3A_290 : memref<1x4096xi32, #tpu.memory_space<hbm>> -> memref<4096xi32, #tpu.memory_space<hbm>>
      tpu.wait_dma2 semaphore(%arg22 : memref<!tpu.dma_semaphore, #tpu.memory_space<semaphore_mem>>) src(%dma_wait3A_291 : memref<4096xi32, #tpu.memory_space<hbm>>) dst(%arg13 : memref<4096xi32, #tpu.memory_space<vmem>>)
      %scan3A_292 = arith.constant 0 : i32
      %scan3A_293 = arith.constant 64 : i32
      %scan3A_294 = arith.addi %scan3A_292, %scan3A_293 : i32
      %scan3A_295 = arith.constant 1 : i32
      scf.for %scan3A_407 = %scan3A_292 to %scan3A_294 step %scan3A_295  : i32 {
        %mul3A_408 = arith.constant 1 : i32
        %mul3A_409 = arith.muli %scan3A_407, %mul3A_408 : i32
        %add3A_410 = arith.constant 0 : i32
        %add3A_411 = arith.addi %add3A_410, %mul3A_409 : i32
        %mul3A_412 = arith.constant 64 : i32
        %mul3A_413 = arith.muli %add3A_411, %mul3A_412 : i32
        %add3A_414 = arith.constant 0 : i32
        %add3A_415 = arith.addi %mul3A_413, %add3A_414 : i32
        %get3A = arith.index_cast %add3A_415 : i32 to index
        %get3A_416 = tpu.vector_load %arg12[%get3A] {strides = array<i32>} : memref<4096xi32, #tpu.memory_space<vmem>>, vector<16xi32>,
        %min3A = arith.constant 50047 : i32
        %min3A_417 = vector.broadcast %min3A : i32 to vector<16xi32>
        %min3A_418 = arith.minsi %get3A_416, %min3A_417 : vector<16xi32>
        %broadcast_in_dim3A_419 = arith.constant 0 : i32
        %broadcast_in_dim3A_420 = vector.broadcast %broadcast_in_dim3A_419 : i32 to vector<16xi32>
        %gather3A_421 = tpu.vector_load_idx %arg7[%broadcast_in_dim3A_420, %min3A_418] : memref<1x50048xf32, #tpu.memory_space<vmem>>[vector<16xi32>, vector<16xi32>], vector<16xf32>,
        %swap3A = arith.index_cast %add3A_415 : i32 to index
        %swap3A_422 = tpu.vector_load %arg9[%swap3A] {strides = array<i32>} : memref<4096xf32, #tpu.memory_space<vmem>>, vector<16xf32>,
        tpu.vector_store %arg9[%swap3A], %gather3A_421 {strides = array<i32>} : memref<4096xf32, #tpu.memory_space<vmem>>, vector<16xf32>,
        %mul3A_423 = arith.constant 64 : i32
        %mul3A_424 = arith.muli %add3A_411, %mul3A_423 : i32
        %add3A_425 = arith.constant 16 : i32
        %add3A_426 = arith.addi %mul3A_424, %add3A_425 : i32
        %get3A_427 = arith.index_cast %add3A_426 : i32 to index
        %get3A_428 = tpu.vector_load %arg12[%get3A_427] {strides = array<i32>} : memref<4096xi32, #tpu.memory_space<vmem>>, vector<16xi32>,
        %min3A_429 = arith.constant 50047 : i32
        %min3A_430 = vector.broadcast %min3A_429 : i32 to vector<16xi32>
        %min3A_431 = arith.minsi %get3A_428, %min3A_430 : vector<16xi32>
        %broadcast_in_dim3A_432 = arith.constant 0 : i32
        %broadcast_in_dim3A_433 = vector.broadcast %broadcast_in_dim3A_432 : i32 to vector<16xi32>
        %gather3A_434 = tpu.vector_load_idx %arg7[%broadcast_in_dim3A_433, %min3A_431] : memref<1x50048xf32, #tpu.memory_space<vmem>>[vector<16xi32>, vector<16xi32>], vector<16xf32>,
        %swap3A_435 = arith.index_cast %add3A_426 : i32 to index
        %swap3A_436 = tpu.vector_load %arg9[%swap3A_435] {strides = array<i32>} : memref<4096xf32, #tpu.memory_space<vmem>>, vector<16xf32>,
        tpu.vector_store %arg9[%swap3A_435], %gather3A_434 {strides = array<i32>} : memref<4096xf32, #tpu.memory_space<vmem>>, vector<16xf32>,
        %mul3A_437 = arith.constant 64 : i32
        %mul3A_438 = arith.muli %add3A_411, %mul3A_437 : i32
        %add3A_439 = arith.constant 32 : i32
        %add3A_440 = arith.addi %mul3A_438, %add3A_439 : i32
        %get3A_441 = arith.index_cast %add3A_440 : i32 to index
        %get3A_442 = tpu.vector_load %arg12[%get3A_441] {strides = array<i32>} : memref<4096xi32, #tpu.memory_space<vmem>>, vector<16xi32>,
        %min3A_443 = arith.constant 50047 : i32
        %min3A_444 = vector.broadcast %min3A_443 : i32 to vector<16xi32>
        %min3A_445 = arith.minsi %get3A_442, %min3A_444 : vector<16xi32>
        %broadcast_in_dim3A_446 = arith.constant 0 : i32
        %broadcast_in_dim3A_447 = vector.broadcast %broadcast_in_dim3A_446 : i32 to vector<16xi32>
        %gather3A_448 = tpu.vector_load_idx %arg7[%broadcast_in_dim3A_447, %min3A_445] : memref<1x50048xf32, #tpu.memory_space<vmem>>[vector<16xi32>, vector<16xi32>], vector<16xf32>,
        %swap3A_449 = arith.index_cast %add3A_440 : i32 to index
        %swap3A_450 = tpu.vector_load %arg9[%swap3A_449] {strides = array<i32>} : memref<4096xf32, #tpu.memory_space<vmem>>, vector<16xf32>,
        tpu.vector_store %arg9[%swap3A_449], %gather3A_448 {strides = array<i32>} : memref<4096xf32, #tpu.memory_space<vmem>>, vector<16xf32>,
        %mul3A_451 = arith.constant 64 : i32
        %mul3A_452 = arith.muli %add3A_411, %mul3A_451 : i32
        %add3A_453 = arith.constant 48 : i32
        %add3A_454 = arith.addi %mul3A_452, %add3A_453 : i32
        %get3A_455 = arith.index_cast %add3A_454 : i32 to index
        %get3A_456 = tpu.vector_load %arg12[%get3A_455] {strides = array<i32>} : memref<4096xi32, #tpu.memory_space<vmem>>, vector<16xi32>,
        %min3A_457 = arith.constant 50047 : i32
        %min3A_458 = vector.broadcast %min3A_457 : i32 to vector<16xi32>
        %min3A_459 = arith.minsi %get3A_456, %min3A_458 : vector<16xi32>
        %broadcast_in_dim3A_460 = arith.constant 0 : i32
        %broadcast_in_dim3A_461 = vector.broadcast %broadcast_in_dim3A_460 : i32 to vector<16xi32>
        %gather3A_462 = tpu.vector_load_idx %arg7[%broadcast_in_dim3A_461, %min3A_459] : memref<1x50048xf32, #tpu.memory_space<vmem>>[vector<16xi32>, vector<16xi32>], vector<16xf32>,
        %swap3A_463 = arith.index_cast %add3A_454 : i32 to index
        %swap3A_464 = tpu.vector_load %arg9[%swap3A_463] {strides = array<i32>} : memref<4096xf32, #tpu.memory_space<vmem>>, vector<16xf32>,
        tpu.vector_store %arg9[%swap3A_463], %gather3A_462 {strides = array<i32>} : memref<4096xf32, #tpu.memory_space<vmem>>, vector<16xf32>,
      }
      %scan3A_296 = arith.constant 64 : i32
      %scan3A_297 = arith.constant 0 : i32
      %scan3A_298 = arith.constant 64 : i32
      %scan3A_299 = arith.addi %scan3A_297, %scan3A_298 : i32
      %scan3A_300 = arith.constant 1 : i32
      scf.for %scan3A_407 = %scan3A_297 to %scan3A_299 step %scan3A_300  : i32 {
        %mul3A_408 = arith.constant 1 : i32
        %mul3A_409 = arith.muli %scan3A_407, %mul3A_408 : i32
        %add3A_410 = arith.constant 0 : i32
        %add3A_411 = arith.addi %add3A_410, %mul3A_409 : i32
        %mul3A_412 = arith.constant 64 : i32
        %mul3A_413 = arith.muli %add3A_411, %mul3A_412 : i32
        %add3A_414 = arith.constant 0 : i32
        %add3A_415 = arith.addi %mul3A_413, %add3A_414 : i32
        %get3A = arith.index_cast %add3A_415 : i32 to index
        %get3A_416 = tpu.vector_load %arg13[%get3A] {strides = array<i32>} : memref<4096xi32, #tpu.memory_space<vmem>>, vector<16xi32>,
        %min3A = arith.constant 50047 : i32
        %min3A_417 = vector.broadcast %min3A : i32 to vector<16xi32>
        %min3A_418 = arith.minsi %get3A_416, %min3A_417 : vector<16xi32>
        %broadcast_in_dim3A_419 = arith.constant 0 : i32
        %broadcast_in_dim3A_420 = vector.broadcast %broadcast_in_dim3A_419 : i32 to vector<16xi32>
        %gather3A_421 = tpu.vector_load_idx %arg7[%broadcast_in_dim3A_420, %min3A_418] : memref<1x50048xf32, #tpu.memory_space<vmem>>[vector<16xi32>, vector<16xi32>], vector<16xf32>,
        %swap3A = arith.index_cast %add3A_415 : i32 to index
        %swap3A_422 = tpu.vector_load %arg10[%swap3A] {strides = array<i32>} : memref<4096xf32, #tpu.memory_space<vmem>>, vector<16xf32>,
        tpu.vector_store %arg10[%swap3A], %gather3A_421 {strides = array<i32>} : memref<4096xf32, #tpu.memory_space<vmem>>, vector<16xf32>,
        %mul3A_423 = arith.constant 64 : i32
        %mul3A_424 = arith.muli %add3A_411, %mul3A_423 : i32
        %add3A_425 = arith.constant 16 : i32
        %add3A_426 = arith.addi %mul3A_424, %add3A_425 : i32
        %get3A_427 = arith.index_cast %add3A_426 : i32 to index
        %get3A_428 = tpu.vector_load %arg13[%get3A_427] {strides = array<i32>} : memref<4096xi32, #tpu.memory_space<vmem>>, vector<16xi32>,
        %min3A_429 = arith.constant 50047 : i32
        %min3A_430 = vector.broadcast %min3A_429 : i32 to vector<16xi32>
        %min3A_431 = arith.minsi %get3A_428, %min3A_430 : vector<16xi32>
        %broadcast_in_dim3A_432 = arith.constant 0 : i32
        %broadcast_in_dim3A_433 = vector.broadcast %broadcast_in_dim3A_432 : i32 to vector<16xi32>
        %gather3A_434 = tpu.vector_load_idx %arg7[%broadcast_in_dim3A_433, %min3A_431] : memref<1x50048xf32, #tpu.memory_space<vmem>>[vector<16xi32>, vector<16xi32>], vector<16xf32>,
        %swap3A_435 = arith.index_cast %add3A_426 : i32 to index
        %swap3A_436 = tpu.vector_load %arg10[%swap3A_435] {strides = array<i32>} : memref<4096xf32, #tpu.memory_space<vmem>>, vector<16xf32>,
        tpu.vector_store %arg10[%swap3A_435], %gather3A_434 {strides = array<i32>} : memref<4096xf32, #tpu.memory_space<vmem>>, vector<16xf32>,
        %mul3A_437 = arith.constant 64 : i32
        %mul3A_438 = arith.muli %add3A_411, %mul3A_437 : i32
        %add3A_439 = arith.constant 32 : i32
        %add3A_440 = arith.addi %mul3A_438, %add3A_439 : i32
        %get3A_441 = arith.index_cast %add3A_440 : i32 to index
        %get3A_442 = tpu.vector_load %arg13[%get3A_441] {strides = array<i32>} : memref<4096xi32, #tpu.memory_space<vmem>>, vector<16xi32>,
        %min3A_443 = arith.constant 50047 : i32
        %min3A_444 = vector.broadcast %min3A_443 : i32 to vector<16xi32>
        %min3A_445 = arith.minsi %get3A_442, %min3A_444 : vector<16xi32>
        %broadcast_in_dim3A_446 = arith.constant 0 : i32
        %broadcast_in_dim3A_447 = vector.broadcast %broadcast_in_dim3A_446 : i32 to vector<16xi32>
        %gather3A_448 = tpu.vector_load_idx %arg7[%broadcast_in_dim3A_447, %min3A_445] : memref<1x50048xf32, #tpu.memory_space<vmem>>[vector<16xi32>, vector<16xi32>], vector<16xf32>,
        %swap3A_449 = arith.index_cast %add3A_440 : i32 to index
        %swap3A_450 = tpu.vector_load %arg10[%swap3A_449] {strides = array<i32>} : memref<4096xf32, #tpu.memory_space<vmem>>, vector<16xf32>,
        tpu.vector_store %arg10[%swap3A_449], %gather3A_448 {strides = array<i32>} : memref<4096xf32, #tpu.memory_space<vmem>>, vector<16xf32>,
        %mul3A_451 = arith.constant 64 : i32
        %mul3A_452 = arith.muli %add3A_411, %mul3A_451 : i32
        %add3A_453 = arith.constant 48 : i32
        %add3A_454 = arith.addi %mul3A_452, %add3A_453 : i32
        %get3A_455 = arith.index_cast %add3A_454 : i32 to index
        %get3A_456 = tpu.vector_load %arg13[%get3A_455] {strides = array<i32>} : memref<4096xi32, #tpu.memory_space<vmem>>, vector<16xi32>,
        %min3A_457 = arith.constant 50047 : i32
        %min3A_458 = vector.broadcast %min3A_457 : i32 to vector<16xi32>
        %min3A_459 = arith.minsi %get3A_456, %min3A_458 : vector<16xi32>
        %broadcast_in_dim3A_460 = arith.constant 0 : i32
        %broadcast_in_dim3A_461 = vector.broadcast %broadcast_in_dim3A_460 : i32 to vector<16xi32>
        %gather3A_462 = tpu.vector_load_idx %arg7[%broadcast_in_dim3A_461, %min3A_459] : memref<1x50048xf32, #tpu.memory_space<vmem>>[vector<16xi32>, vector<16xi32>], vector<16xf32>,
        %swap3A_463 = arith.index_cast %add3A_454 : i32 to index
        %swap3A_464 = tpu.vector_load %arg10[%swap3A_463] {strides = array<i32>} : memref<4096xf32, #tpu.memory_space<vmem>>, vector<16xf32>,
        tpu.vector_store %arg10[%swap3A_463], %gather3A_462 {strides = array<i32>} : memref<4096xf32, #tpu.memory_space<vmem>>, vector<16xf32>,
      }
      %scan3A_301 = arith.constant 64 : i32
      %dma_wait3A_302 = arith.constant 49920 : i32
      %dma_wait3A_303 = tpu.memref_slice %arg2[%add3A_104, %dma_wait3A_302] : memref<832x100000xf32, #tpu.memory_space<hbm>> -> memref<1x50080xf32, #tpu.memory_space<hbm>>
      %dma_wait3A_304 = arith.constant 49920 : i32
      %dma_wait3A_305 = tpu.memref_slice %arg2[%add3A_104, %dma_wait3A_304] : memref<832x100000xf32, #tpu.memory_space<hbm>> -> memref<1x50080xf32, #tpu.memory_space<hbm>>
      tpu.wait_dma2 semaphore(%arg18 : memref<!tpu.dma_semaphore, #tpu.memory_space<semaphore_mem>>) src(%dma_wait3A_305 : memref<1x50080xf32, #tpu.memory_space<hbm>>) dst(%arg8 : memref<1x50080xf32, #tpu.memory_space<vmem>>)
      %scan3A_306 = arith.constant 0 : i32
      %scan3A_307 = arith.constant 64 : i32
      %scan3A_308 = arith.addi %scan3A_306, %scan3A_307 : i32
      %scan3A_309 = arith.constant 1 : i32
      scf.for %scan3A_407 = %scan3A_306 to %scan3A_308 step %scan3A_309  : i32 {
        %mul3A_408 = arith.constant 1 : i32
        %mul3A_409 = arith.muli %scan3A_407, %mul3A_408 : i32
        %add3A_410 = arith.constant 0 : i32
        %add3A_411 = arith.addi %add3A_410, %mul3A_409 : i32
        %mul3A_412 = arith.constant 64 : i32
        %mul3A_413 = arith.muli %add3A_411, %mul3A_412 : i32
        %add3A_414 = arith.constant 0 : i32
        %add3A_415 = arith.addi %mul3A_413, %add3A_414 : i32
        %get3A = arith.index_cast %add3A_415 : i32 to index
        %get3A_416 = tpu.vector_load %arg12[%get3A] {strides = array<i32>} : memref<4096xi32, #tpu.memory_space<vmem>>, vector<16xi32>,
        %ge3A_417 = arith.constant 49920 : i32
        %ge3A_418 = vector.broadcast %ge3A_417 : i32 to vector<16xi32>
        %ge3A_419 = arith.cmpi sge, %get3A_416, %ge3A_418 : vector<16xi32>
        %sub3A_420 = arith.constant 49920 : i32
        %sub3A_421 = vector.broadcast %sub3A_420 : i32 to vector<16xi32>
        %sub3A_422 = arith.subi %get3A_416, %sub3A_421 : vector<16xi32>
        %max3A = arith.constant 0 : i32
        %max3A_423 = vector.broadcast %max3A : i32 to vector<16xi32>
        %max3A_424 = arith.maxsi %sub3A_422, %max3A_423 : vector<16xi32>
        %broadcast_in_dim3A_425 = arith.constant 0 : i32
        %broadcast_in_dim3A_426 = vector.broadcast %broadcast_in_dim3A_425 : i32 to vector<16xi32>
        %gather3A_427 = tpu.vector_load_idx %arg8[%broadcast_in_dim3A_426, %max3A_424] : memref<1x50080xf32, #tpu.memory_space<vmem>>[vector<16xi32>, vector<16xi32>], vector<16xf32>,
        %get3A_428 = arith.index_cast %add3A_415 : i32 to index
        %get3A_429 = tpu.vector_load %arg9[%get3A_428] {strides = array<i32>} : memref<4096xf32, #tpu.memory_space<vmem>>, vector<16xf32>,
        %select_n3A_430 = arith.select %ge3A_419, %gather3A_427, %get3A_429 : vector<16xi1>, vector<16xf32>
        %swap3A = arith.index_cast %add3A_415 : i32 to index
        %swap3A_431 = tpu.vector_load %arg9[%swap3A] {strides = array<i32>} : memref<4096xf32, #tpu.memory_space<vmem>>, vector<16xf32>,
        tpu.vector_store %arg9[%swap3A], %select_n3A_430 {strides = array<i32>} : memref<4096xf32, #tpu.memory_space<vmem>>, vector<16xf32>,
        %mul3A_432 = arith.constant 64 : i32
        %mul3A_433 = arith.muli %add3A_411, %mul3A_432 : i32
        %add3A_434 = arith.constant 16 : i32
        %add3A_435 = arith.addi %mul3A_433, %add3A_434 : i32
        %get3A_436 = arith.index_cast %add3A_435 : i32 to index
        %get3A_437 = tpu.vector_load %arg12[%get3A_436] {strides = array<i32>} : memref<4096xi32, #tpu.memory_space<vmem>>, vector<16xi32>,
        %ge3A_438 = arith.constant 49920 : i32
        %ge3A_439 = vector.broadcast %ge3A_438 : i32 to vector<16xi32>
        %ge3A_440 = arith.cmpi sge, %get3A_437, %ge3A_439 : vector<16xi32>
        %sub3A_441 = arith.constant 49920 : i32
        %sub3A_442 = vector.broadcast %sub3A_441 : i32 to vector<16xi32>
        %sub3A_443 = arith.subi %get3A_437, %sub3A_442 : vector<16xi32>
        %max3A_444 = arith.constant 0 : i32
        %max3A_445 = vector.broadcast %max3A_444 : i32 to vector<16xi32>
        %max3A_446 = arith.maxsi %sub3A_443, %max3A_445 : vector<16xi32>
        %broadcast_in_dim3A_447 = arith.constant 0 : i32
        %broadcast_in_dim3A_448 = vector.broadcast %broadcast_in_dim3A_447 : i32 to vector<16xi32>
        %gather3A_449 = tpu.vector_load_idx %arg8[%broadcast_in_dim3A_448, %max3A_446] : memref<1x50080xf32, #tpu.memory_space<vmem>>[vector<16xi32>, vector<16xi32>], vector<16xf32>,
        %get3A_450 = arith.index_cast %add3A_435 : i32 to index
        %get3A_451 = tpu.vector_load %arg9[%get3A_450] {strides = array<i32>} : memref<4096xf32, #tpu.memory_space<vmem>>, vector<16xf32>,
        %select_n3A_452 = arith.select %ge3A_440, %gather3A_449, %get3A_451 : vector<16xi1>, vector<16xf32>
        %swap3A_453 = arith.index_cast %add3A_435 : i32 to index
        %swap3A_454 = tpu.vector_load %arg9[%swap3A_453] {strides = array<i32>} : memref<4096xf32, #tpu.memory_space<vmem>>, vector<16xf32>,
        tpu.vector_store %arg9[%swap3A_453], %select_n3A_452 {strides = array<i32>} : memref<4096xf32, #tpu.memory_space<vmem>>, vector<16xf32>,
        %mul3A_455 = arith.constant 64 : i32
        %mul3A_456 = arith.muli %add3A_411, %mul3A_455 : i32
        %add3A_457 = arith.constant 32 : i32
        %add3A_458 = arith.addi %mul3A_456, %add3A_457 : i32
        %get3A_459 = arith.index_cast %add3A_458 : i32 to index
        %get3A_460 = tpu.vector_load %arg12[%get3A_459] {strides = array<i32>} : memref<4096xi32, #tpu.memory_space<vmem>>, vector<16xi32>,
        %ge3A_461 = arith.constant 49920 : i32
        %ge3A_462 = vector.broadcast %ge3A_461 : i32 to vector<16xi32>
        %ge3A_463 = arith.cmpi sge, %get3A_460, %ge3A_462 : vector<16xi32>
        %sub3A_464 = arith.constant 49920 : i32
        %sub3A_465 = vector.broadcast %sub3A_464 : i32 to vector<16xi32>
        %sub3A_466 = arith.subi %get3A_460, %sub3A_465 : vector<16xi32>
        %max3A_467 = arith.constant 0 : i32
        %max3A_468 = vector.broadcast %max3A_467 : i32 to vector<16xi32>
        %max3A_469 = arith.maxsi %sub3A_466, %max3A_468 : vector<16xi32>
        %broadcast_in_dim3A_470 = arith.constant 0 : i32
        %broadcast_in_dim3A_471 = vector.broadcast %broadcast_in_dim3A_470 : i32 to vector<16xi32>
        %gather3A_472 = tpu.vector_load_idx %arg8[%broadcast_in_dim3A_471, %max3A_469] : memref<1x50080xf32, #tpu.memory_space<vmem>>[vector<16xi32>, vector<16xi32>], vector<16xf32>,
        %get3A_473 = arith.index_cast %add3A_458 : i32 to index
        %get3A_474 = tpu.vector_load %arg9[%get3A_473] {strides = array<i32>} : memref<4096xf32, #tpu.memory_space<vmem>>, vector<16xf32>,
        %select_n3A_475 = arith.select %ge3A_463, %gather3A_472, %get3A_474 : vector<16xi1>, vector<16xf32>
        %swap3A_476 = arith.index_cast %add3A_458 : i32 to index
        %swap3A_477 = tpu.vector_load %arg9[%swap3A_476] {strides = array<i32>} : memref<4096xf32, #tpu.memory_space<vmem>>, vector<16xf32>,
        tpu.vector_store %arg9[%swap3A_476], %select_n3A_475 {strides = array<i32>} : memref<4096xf32, #tpu.memory_space<vmem>>, vector<16xf32>,
        %mul3A_478 = arith.constant 64 : i32
        %mul3A_479 = arith.muli %add3A_411, %mul3A_478 : i32
        %add3A_480 = arith.constant 48 : i32
        %add3A_481 = arith.addi %mul3A_479, %add3A_480 : i32
        %get3A_482 = arith.index_cast %add3A_481 : i32 to index
        %get3A_483 = tpu.vector_load %arg12[%get3A_482] {strides = array<i32>} : memref<4096xi32, #tpu.memory_space<vmem>>, vector<16xi32>,
        %ge3A_484 = arith.constant 49920 : i32
        %ge3A_485 = vector.broadcast %ge3A_484 : i32 to vector<16xi32>
        %ge3A_486 = arith.cmpi sge, %get3A_483, %ge3A_485 : vector<16xi32>
        %sub3A_487 = arith.constant 49920 : i32
        %sub3A_488 = vector.broadcast %sub3A_487 : i32 to vector<16xi32>
        %sub3A_489 = arith.subi %get3A_483, %sub3A_488 : vector<16xi32>
        %max3A_490 = arith.constant 0 : i32
        %max3A_491 = vector.broadcast %max3A_490 : i32 to vector<16xi32>
        %max3A_492 = arith.maxsi %sub3A_489, %max3A_491 : vector<16xi32>
        %broadcast_in_dim3A_493 = arith.constant 0 : i32
        %broadcast_in_dim3A_494 = vector.broadcast %broadcast_in_dim3A_493 : i32 to vector<16xi32>
        %gather3A_495 = tpu.vector_load_idx %arg8[%broadcast_in_dim3A_494, %max3A_492] : memref<1x50080xf32, #tpu.memory_space<vmem>>[vector<16xi32>, vector<16xi32>], vector<16xf32>,
        %get3A_496 = arith.index_cast %add3A_481 : i32 to index
        %get3A_497 = tpu.vector_load %arg9[%get3A_496] {strides = array<i32>} : memref<4096xf32, #tpu.memory_space<vmem>>, vector<16xf32>,
        %select_n3A_498 = arith.select %ge3A_486, %gather3A_495, %get3A_497 : vector<16xi1>, vector<16xf32>
        %swap3A_499 = arith.index_cast %add3A_481 : i32 to index
        %swap3A_500 = tpu.vector_load %arg9[%swap3A_499] {strides = array<i32>} : memref<4096xf32, #tpu.memory_space<vmem>>, vector<16xf32>,
        tpu.vector_store %arg9[%swap3A_499], %select_n3A_498 {strides = array<i32>} : memref<4096xf32, #tpu.memory_space<vmem>>, vector<16xf32>,
      }
      %scan3A_310 = arith.constant 64 : i32
      %scan3A_311 = arith.constant 0 : i32
      %scan3A_312 = arith.constant 64 : i32
      %scan3A_313 = arith.addi %scan3A_311, %scan3A_312 : i32
      %scan3A_314 = arith.constant 1 : i32
      scf.for %scan3A_407 = %scan3A_311 to %scan3A_313 step %scan3A_314  : i32 {
        %mul3A_408 = arith.constant 1 : i32
        %mul3A_409 = arith.muli %scan3A_407, %mul3A_408 : i32
        %add3A_410 = arith.constant 0 : i32
        %add3A_411 = arith.addi %add3A_410, %mul3A_409 : i32
        %mul3A_412 = arith.constant 64 : i32
        %mul3A_413 = arith.muli %add3A_411, %mul3A_412 : i32
        %add3A_414 = arith.constant 0 : i32
        %add3A_415 = arith.addi %mul3A_413, %add3A_414 : i32
        %get3A = arith.index_cast %add3A_415 : i32 to index
        %get3A_416 = tpu.vector_load %arg13[%get3A] {strides = array<i32>} : memref<4096xi32, #tpu.memory_space<vmem>>, vector<16xi32>,
        %ge3A_417 = arith.constant 49920 : i32
        %ge3A_418 = vector.broadcast %ge3A_417 : i32 to vector<16xi32>
        %ge3A_419 = arith.cmpi sge, %get3A_416, %ge3A_418 : vector<16xi32>
        %sub3A_420 = arith.constant 49920 : i32
        %sub3A_421 = vector.broadcast %sub3A_420 : i32 to vector<16xi32>
        %sub3A_422 = arith.subi %get3A_416, %sub3A_421 : vector<16xi32>
        %max3A = arith.constant 0 : i32
        %max3A_423 = vector.broadcast %max3A : i32 to vector<16xi32>
        %max3A_424 = arith.maxsi %sub3A_422, %max3A_423 : vector<16xi32>
        %broadcast_in_dim3A_425 = arith.constant 0 : i32
        %broadcast_in_dim3A_426 = vector.broadcast %broadcast_in_dim3A_425 : i32 to vector<16xi32>
        %gather3A_427 = tpu.vector_load_idx %arg8[%broadcast_in_dim3A_426, %max3A_424] : memref<1x50080xf32, #tpu.memory_space<vmem>>[vector<16xi32>, vector<16xi32>], vector<16xf32>,
        %get3A_428 = arith.index_cast %add3A_415 : i32 to index
        %get3A_429 = tpu.vector_load %arg10[%get3A_428] {strides = array<i32>} : memref<4096xf32, #tpu.memory_space<vmem>>, vector<16xf32>,
        %select_n3A_430 = arith.select %ge3A_419, %gather3A_427, %get3A_429 : vector<16xi1>, vector<16xf32>
        %swap3A = arith.index_cast %add3A_415 : i32 to index
        %swap3A_431 = tpu.vector_load %arg10[%swap3A] {strides = array<i32>} : memref<4096xf32, #tpu.memory_space<vmem>>, vector<16xf32>,
        tpu.vector_store %arg10[%swap3A], %select_n3A_430 {strides = array<i32>} : memref<4096xf32, #tpu.memory_space<vmem>>, vector<16xf32>,
        %mul3A_432 = arith.constant 64 : i32
        %mul3A_433 = arith.muli %add3A_411, %mul3A_432 : i32
        %add3A_434 = arith.constant 16 : i32
        %add3A_435 = arith.addi %mul3A_433, %add3A_434 : i32
        %get3A_436 = arith.index_cast %add3A_435 : i32 to index
        %get3A_437 = tpu.vector_load %arg13[%get3A_436] {strides = array<i32>} : memref<4096xi32, #tpu.memory_space<vmem>>, vector<16xi32>,
        %ge3A_438 = arith.constant 49920 : i32
        %ge3A_439 = vector.broadcast %ge3A_438 : i32 to vector<16xi32>
        %ge3A_440 = arith.cmpi sge, %get3A_437, %ge3A_439 : vector<16xi32>
        %sub3A_441 = arith.constant 49920 : i32
        %sub3A_442 = vector.broadcast %sub3A_441 : i32 to vector<16xi32>
        %sub3A_443 = arith.subi %get3A_437, %sub3A_442 : vector<16xi32>
        %max3A_444 = arith.constant 0 : i32
        %max3A_445 = vector.broadcast %max3A_444 : i32 to vector<16xi32>
        %max3A_446 = arith.maxsi %sub3A_443, %max3A_445 : vector<16xi32>
        %broadcast_in_dim3A_447 = arith.constant 0 : i32
        %broadcast_in_dim3A_448 = vector.broadcast %broadcast_in_dim3A_447 : i32 to vector<16xi32>
        %gather3A_449 = tpu.vector_load_idx %arg8[%broadcast_in_dim3A_448, %max3A_446] : memref<1x50080xf32, #tpu.memory_space<vmem>>[vector<16xi32>, vector<16xi32>], vector<16xf32>,
        %get3A_450 = arith.index_cast %add3A_435 : i32 to index
        %get3A_451 = tpu.vector_load %arg10[%get3A_450] {strides = array<i32>} : memref<4096xf32, #tpu.memory_space<vmem>>, vector<16xf32>,
        %select_n3A_452 = arith.select %ge3A_440, %gather3A_449, %get3A_451 : vector<16xi1>, vector<16xf32>
        %swap3A_453 = arith.index_cast %add3A_435 : i32 to index
        %swap3A_454 = tpu.vector_load %arg10[%swap3A_453] {strides = array<i32>} : memref<4096xf32, #tpu.memory_space<vmem>>, vector<16xf32>,
        tpu.vector_store %arg10[%swap3A_453], %select_n3A_452 {strides = array<i32>} : memref<4096xf32, #tpu.memory_space<vmem>>, vector<16xf32>,
        %mul3A_455 = arith.constant 64 : i32
        %mul3A_456 = arith.muli %add3A_411, %mul3A_455 : i32
        %add3A_457 = arith.constant 32 : i32
        %add3A_458 = arith.addi %mul3A_456, %add3A_457 : i32
        %get3A_459 = arith.index_cast %add3A_458 : i32 to index
        %get3A_460 = tpu.vector_load %arg13[%get3A_459] {strides = array<i32>} : memref<4096xi32, #tpu.memory_space<vmem>>, vector<16xi32>,
        %ge3A_461 = arith.constant 49920 : i32
        %ge3A_462 = vector.broadcast %ge3A_461 : i32 to vector<16xi32>
        %ge3A_463 = arith.cmpi sge, %get3A_460, %ge3A_462 : vector<16xi32>
        %sub3A_464 = arith.constant 49920 : i32
        %sub3A_465 = vector.broadcast %sub3A_464 : i32 to vector<16xi32>
        %sub3A_466 = arith.subi %get3A_460, %sub3A_465 : vector<16xi32>
        %max3A_467 = arith.constant 0 : i32
        %max3A_468 = vector.broadcast %max3A_467 : i32 to vector<16xi32>
        %max3A_469 = arith.maxsi %sub3A_466, %max3A_468 : vector<16xi32>
        %broadcast_in_dim3A_470 = arith.constant 0 : i32
        %broadcast_in_dim3A_471 = vector.broadcast %broadcast_in_dim3A_470 : i32 to vector<16xi32>
        %gather3A_472 = tpu.vector_load_idx %arg8[%broadcast_in_dim3A_471, %max3A_469] : memref<1x50080xf32, #tpu.memory_space<vmem>>[vector<16xi32>, vector<16xi32>], vector<16xf32>,
        %get3A_473 = arith.index_cast %add3A_458 : i32 to index
        %get3A_474 = tpu.vector_load %arg10[%get3A_473] {strides = array<i32>} : memref<4096xf32, #tpu.memory_space<vmem>>, vector<16xf32>,
        %select_n3A_475 = arith.select %ge3A_463, %gather3A_472, %get3A_474 : vector<16xi1>, vector<16xf32>
        %swap3A_476 = arith.index_cast %add3A_458 : i32 to index
        %swap3A_477 = tpu.vector_load %arg10[%swap3A_476] {strides = array<i32>} : memref<4096xf32, #tpu.memory_space<vmem>>, vector<16xf32>,
        tpu.vector_store %arg10[%swap3A_476], %select_n3A_475 {strides = array<i32>} : memref<4096xf32, #tpu.memory_space<vmem>>, vector<16xf32>,
        %mul3A_478 = arith.constant 64 : i32
        %mul3A_479 = arith.muli %add3A_411, %mul3A_478 : i32
        %add3A_480 = arith.constant 48 : i32
        %add3A_481 = arith.addi %mul3A_479, %add3A_480 : i32
        %get3A_482 = arith.index_cast %add3A_481 : i32 to index
        %get3A_483 = tpu.vector_load %arg13[%get3A_482] {strides = array<i32>} : memref<4096xi32, #tpu.memory_space<vmem>>, vector<16xi32>,
        %ge3A_484 = arith.constant 49920 : i32
        %ge3A_485 = vector.broadcast %ge3A_484 : i32 to vector<16xi32>
        %ge3A_486 = arith.cmpi sge, %get3A_483, %ge3A_485 : vector<16xi32>
        %sub3A_487 = arith.constant 49920 : i32
        %sub3A_488 = vector.broadcast %sub3A_487 : i32 to vector<16xi32>
        %sub3A_489 = arith.subi %get3A_483, %sub3A_488 : vector<16xi32>
        %max3A_490 = arith.constant 0 : i32
        %max3A_491 = vector.broadcast %max3A_490 : i32 to vector<16xi32>
        %max3A_492 = arith.maxsi %sub3A_489, %max3A_491 : vector<16xi32>
        %broadcast_in_dim3A_493 = arith.constant 0 : i32
        %broadcast_in_dim3A_494 = vector.broadcast %broadcast_in_dim3A_493 : i32 to vector<16xi32>
        %gather3A_495 = tpu.vector_load_idx %arg8[%broadcast_in_dim3A_494, %max3A_492] : memref<1x50080xf32, #tpu.memory_space<vmem>>[vector<16xi32>, vector<16xi32>], vector<16xf32>,
        %get3A_496 = arith.index_cast %add3A_481 : i32 to index
        %get3A_497 = tpu.vector_load %arg10[%get3A_496] {strides = array<i32>} : memref<4096xf32, #tpu.memory_space<vmem>>, vector<16xf32>,
        %select_n3A_498 = arith.select %ge3A_486, %gather3A_495, %get3A_497 : vector<16xi1>, vector<16xf32>
        %swap3A_499 = arith.index_cast %add3A_481 : i32 to index
        %swap3A_500 = tpu.vector_load %arg10[%swap3A_499] {strides = array<i32>} : memref<4096xf32, #tpu.memory_space<vmem>>, vector<16xf32>,
        tpu.vector_store %arg10[%swap3A_499], %select_n3A_498 {strides = array<i32>} : memref<4096xf32, #tpu.memory_space<vmem>>, vector<16xf32>,
      }
      %scan3A_315 = arith.constant 64 : i32
      %dma_start3A_316 = arith.constant 0 : i32
      %dma_start3A_317 = tpu.memref_slice %arg6[%select_n3A, %select_n3A_134, %dma_start3A_316] : memref<40x64x16384xf32, #tpu.memory_space<hbm>> -> memref<1x1x4096xf32, #tpu.memory_space<hbm>>
      %dma_start3A_318 = tpu.memref_squeeze %dma_start3A_317 : memref<1x1x4096xf32, #tpu.memory_space<hbm>> -> memref<4096xf32, #tpu.memory_space<hbm>>
      %dma_start3A_319 = arith.constant 0 : i32
      %dma_start3A_320 = tpu.memref_slice %arg6[%select_n3A, %select_n3A_134, %dma_start3A_319] : memref<40x64x16384xf32, #tpu.memory_space<hbm>> -> memref<1x1x4096xf32, #tpu.memory_space<hbm>>
      %dma_start3A_321 = tpu.memref_squeeze %dma_start3A_320 : memref<1x1x4096xf32, #tpu.memory_space<hbm>> -> memref<4096xf32, #tpu.memory_space<hbm>>
      tpu.enqueue_dma source(%arg9 : memref<4096xf32, #tpu.memory_space<vmem>>) target(%dma_start3A_321 : memref<4096xf32, #tpu.memory_space<hbm>>) target_semaphore(%arg19 : memref<!tpu.dma_semaphore, #tpu.memory_space<semaphore_mem>>)
      %dma_start3A_322 = arith.constant 4096 : i32
      %dma_start3A_323 = tpu.memref_slice %arg6[%select_n3A, %select_n3A_134, %dma_start3A_322] : memref<40x64x16384xf32, #tpu.memory_space<hbm>> -> memref<1x1x4096xf32, #tpu.memory_space<hbm>>
      %dma_start3A_324 = tpu.memref_squeeze %dma_start3A_323 : memref<1x1x4096xf32, #tpu.memory_space<hbm>> -> memref<4096xf32, #tpu.memory_space<hbm>>
      %dma_start3A_325 = arith.constant 4096 : i32
      %dma_start3A_326 = tpu.memref_slice %arg6[%select_n3A, %select_n3A_134, %dma_start3A_325] : memref<40x64x16384xf32, #tpu.memory_space<hbm>> -> memref<1x1x4096xf32, #tpu.memory_space<hbm>>
      %dma_start3A_327 = tpu.memref_squeeze %dma_start3A_326 : memref<1x1x4096xf32, #tpu.memory_space<hbm>> -> memref<4096xf32, #tpu.memory_space<hbm>>
      tpu.enqueue_dma source(%arg10 : memref<4096xf32, #tpu.memory_space<vmem>>) target(%dma_start3A_327 : memref<4096xf32, #tpu.memory_space<hbm>>) target_semaphore(%arg19 : memref<!tpu.dma_semaphore, #tpu.memory_space<semaphore_mem>>)
      %dma_start3A_328 = arith.constant 8192 : i32
      %dma_start3A_329 = tpu.memref_slice %arg3[%select_n3A, %dma_start3A_328] : memref<26x16384xi32, #tpu.memory_space<hbm>> -> memref<1x4096xi32, #tpu.memory_space<hbm>>
      %dma_start3A_330 = tpu.memref_squeeze %dma_start3A_329 : memref<1x4096xi32, #tpu.memory_space<hbm>> -> memref<4096xi32, #tpu.memory_space<hbm>>
      %dma_start3A_331 = arith.constant 8192 : i32
      %dma_start3A_332 = tpu.memref_slice %arg3[%select_n3A, %dma_start3A_331] : memref<26x16384xi32, #tpu.memory_space<hbm>> -> memref<1x4096xi32, #tpu.memory_space<hbm>>
      %dma_start3A_333 = tpu.memref_squeeze %dma_start3A_332 : memref<1x4096xi32, #tpu.memory_space<hbm>> -> memref<4096xi32, #tpu.memory_space<hbm>>
      tpu.enqueue_dma source(%dma_start3A_333 : memref<4096xi32, #tpu.memory_space<hbm>>) target(%arg12 : memref<4096xi32, #tpu.memory_space<vmem>>) target_semaphore(%arg22 : memref<!tpu.dma_semaphore, #tpu.memory_space<semaphore_mem>>)
      %dma_start3A_334 = arith.constant 12288 : i32
      %dma_start3A_335 = tpu.memref_slice %arg3[%select_n3A, %dma_start3A_334] : memref<26x16384xi32, #tpu.memory_space<hbm>> -> memref<1x4096xi32, #tpu.memory_space<hbm>>
      %dma_start3A_336 = tpu.memref_squeeze %dma_start3A_335 : memref<1x4096xi32, #tpu.memory_space<hbm>> -> memref<4096xi32, #tpu.memory_space<hbm>>
      %dma_start3A_337 = arith.constant 12288 : i32
      %dma_start3A_338 = tpu.memref_slice %arg3[%select_n3A, %dma_start3A_337] : memref<26x16384xi32, #tpu.memory_space<hbm>> -> memref<1x4096xi32, #tpu.memory_space<hbm>>
      %dma_start3A_339 = tpu.memref_squeeze %dma_start3A_338 : memref<1x4096xi32, #tpu.memory_space<hbm>> -> memref<4096xi32, #tpu.memory_space<hbm>>
      tpu.enqueue_dma source(%dma_start3A_339 : memref<4096xi32, #tpu.memory_space<hbm>>) target(%arg13 : memref<4096xi32, #tpu.memory_space<vmem>>) target_semaphore(%arg22 : memref<!tpu.dma_semaphore, #tpu.memory_space<semaphore_mem>>)
      %dma_wait3A_340 = arith.constant 0 : i32
      %dma_wait3A_341 = arith.constant 0 : i32
      %dma_wait3A_342 = arith.constant 0 : i32
      %dma_wait3A_343 = tpu.memref_slice %arg6[%dma_wait3A_340, %dma_wait3A_341, %dma_wait3A_342] : memref<40x64x16384xf32, #tpu.memory_space<hbm>> -> memref<1x1x4096xf32, #tpu.memory_space<hbm>>
      %dma_wait3A_344 = tpu.memref_squeeze %dma_wait3A_343 : memref<1x1x4096xf32, #tpu.memory_space<hbm>> -> memref<4096xf32, #tpu.memory_space<hbm>>
      %dma_wait3A_345 = arith.constant 0 : i32
      %dma_wait3A_346 = tpu.memref_slice %arg6[%dma_wait3A_340, %dma_wait3A_341, %dma_wait3A_345] : memref<40x64x16384xf32, #tpu.memory_space<hbm>> -> memref<1x1x4096xf32, #tpu.memory_space<hbm>>
      %dma_wait3A_347 = tpu.memref_squeeze %dma_wait3A_346 : memref<1x1x4096xf32, #tpu.memory_space<hbm>> -> memref<4096xf32, #tpu.memory_space<hbm>>
      tpu.wait_dma2 semaphore(%arg19 : memref<!tpu.dma_semaphore, #tpu.memory_space<semaphore_mem>>) src(%arg9 : memref<4096xf32, #tpu.memory_space<vmem>>) dst(%dma_wait3A_347 : memref<4096xf32, #tpu.memory_space<hbm>>)
      %dma_wait3A_348 = arith.constant 0 : i32
      %dma_wait3A_349 = arith.constant 0 : i32
      %dma_wait3A_350 = arith.constant 0 : i32
      %dma_wait3A_351 = tpu.memref_slice %arg6[%dma_wait3A_348, %dma_wait3A_349, %dma_wait3A_350] : memref<40x64x16384xf32, #tpu.memory_space<hbm>> -> memref<1x1x4096xf32, #tpu.memory_space<hbm>>
      %dma_wait3A_352 = tpu.memref_squeeze %dma_wait3A_351 : memref<1x1x4096xf32, #tpu.memory_space<hbm>> -> memref<4096xf32, #tpu.memory_space<hbm>>
      %dma_wait3A_353 = arith.constant 0 : i32
      %dma_wait3A_354 = tpu.memref_slice %arg6[%dma_wait3A_348, %dma_wait3A_349, %dma_wait3A_353] : memref<40x64x16384xf32, #tpu.memory_space<hbm>> -> memref<1x1x4096xf32, #tpu.memory_space<hbm>>
      %dma_wait3A_355 = tpu.memref_squeeze %dma_wait3A_354 : memref<1x1x4096xf32, #tpu.memory_space<hbm>> -> memref<4096xf32, #tpu.memory_space<hbm>>
      tpu.wait_dma2 semaphore(%arg19 : memref<!tpu.dma_semaphore, #tpu.memory_space<semaphore_mem>>) src(%arg9 : memref<4096xf32, #tpu.memory_space<vmem>>) dst(%dma_wait3A_355 : memref<4096xf32, #tpu.memory_space<hbm>>)
      %dma_wait3A_356 = arith.constant 8192 : i32
      %dma_wait3A_357 = tpu.memref_slice %arg3[%select_n3A, %dma_wait3A_356] : memref<26x16384xi32, #tpu.memory_space<hbm>> -> memref<1x4096xi32, #tpu.memory_space<hbm>>
      %dma_wait3A_358 = tpu.memref_squeeze %dma_wait3A_357 : memref<1x4096xi32, #tpu.memory_space<hbm>> -> memref<4096xi32, #tpu.memory_space<hbm>>
      %dma_wait3A_359 = arith.constant 8192 : i32
      %dma_wait3A_360 = tpu.memref_slice %arg3[%select_n3A, %dma_wait3A_359] : memref<26x16384xi32, #tpu.memory_space<hbm>> -> memref<1x4096xi32, #tpu.memory_space<hbm>>
      %dma_wait3A_361 = tpu.memref_squeeze %dma_wait3A_360 : memref<1x4096xi32, #tpu.memory_space<hbm>> -> memref<4096xi32, #tpu.memory_space<hbm>>
      tpu.wait_dma2 semaphore(%arg22 : memref<!tpu.dma_semaphore, #tpu.memory_space<semaphore_mem>>) src(%dma_wait3A_361 : memref<4096xi32, #tpu.memory_space<hbm>>) dst(%arg12 : memref<4096xi32, #tpu.memory_space<vmem>>)
      %dma_wait3A_362 = arith.constant 12288 : i32
      %dma_wait3A_363 = tpu.memref_slice %arg3[%select_n3A, %dma_wait3A_362] : memref<26x16384xi32, #tpu.memory_space<hbm>> -> memref<1x4096xi32, #tpu.memory_space<hbm>>
      %dma_wait3A_364 = tpu.memref_squeeze %dma_wait3A_363 : memref<1x4096xi32, #tpu.memory_space<hbm>> -> memref<4096xi32, #tpu.memory_space<hbm>>
      %dma_wait3A_365 = arith.constant 12288 : i32
      %dma_wait3A_366 = tpu.memref_slice %arg3[%select_n3A, %dma_wait3A_365] : memref<26x16384xi32, #tpu.memory_space<hbm>> -> memref<1x4096xi32, #tpu.memory_space<hbm>>
      %dma_wait3A_367 = tpu.memref_squeeze %dma_wait3A_366 : memref<1x4096xi32, #tpu.memory_space<hbm>> -> memref<4096xi32, #tpu.memory_space<hbm>>
      tpu.wait_dma2 semaphore(%arg22 : memref<!tpu.dma_semaphore, #tpu.memory_space<semaphore_mem>>) src(%dma_wait3A_367 : memref<4096xi32, #tpu.memory_space<hbm>>) dst(%arg13 : memref<4096xi32, #tpu.memory_space<vmem>>)
      %scan3A_368 = arith.constant 0 : i32
      %scan3A_369 = arith.constant 64 : i32
      %scan3A_370 = arith.addi %scan3A_368, %scan3A_369 : i32
      %scan3A_371 = arith.constant 1 : i32
      scf.for %scan3A_407 = %scan3A_368 to %scan3A_370 step %scan3A_371  : i32 {
        %mul3A_408 = arith.constant 1 : i32
        %mul3A_409 = arith.muli %scan3A_407, %mul3A_408 : i32
        %add3A_410 = arith.constant 0 : i32
        %add3A_411 = arith.addi %add3A_410, %mul3A_409 : i32
        %mul3A_412 = arith.constant 64 : i32
        %mul3A_413 = arith.muli %add3A_411, %mul3A_412 : i32
        %add3A_414 = arith.constant 0 : i32
        %add3A_415 = arith.addi %mul3A_413, %add3A_414 : i32
        %get3A = arith.index_cast %add3A_415 : i32 to index
        %get3A_416 = tpu.vector_load %arg12[%get3A] {strides = array<i32>} : memref<4096xi32, #tpu.memory_space<vmem>>, vector<16xi32>,
        %min3A = arith.constant 50047 : i32
        %min3A_417 = vector.broadcast %min3A : i32 to vector<16xi32>
        %min3A_418 = arith.minsi %get3A_416, %min3A_417 : vector<16xi32>
        %broadcast_in_dim3A_419 = arith.constant 0 : i32
        %broadcast_in_dim3A_420 = vector.broadcast %broadcast_in_dim3A_419 : i32 to vector<16xi32>
        %gather3A_421 = tpu.vector_load_idx %arg7[%broadcast_in_dim3A_420, %min3A_418] : memref<1x50048xf32, #tpu.memory_space<vmem>>[vector<16xi32>, vector<16xi32>], vector<16xf32>,
        %swap3A = arith.index_cast %add3A_415 : i32 to index
        %swap3A_422 = tpu.vector_load %arg11[%swap3A] {strides = array<i32>} : memref<4096xf32, #tpu.memory_space<vmem>>, vector<16xf32>,
        tpu.vector_store %arg11[%swap3A], %gather3A_421 {strides = array<i32>} : memref<4096xf32, #tpu.memory_space<vmem>>, vector<16xf32>,
        %mul3A_423 = arith.constant 64 : i32
        %mul3A_424 = arith.muli %add3A_411, %mul3A_423 : i32
        %add3A_425 = arith.constant 16 : i32
        %add3A_426 = arith.addi %mul3A_424, %add3A_425 : i32
        %get3A_427 = arith.index_cast %add3A_426 : i32 to index
        %get3A_428 = tpu.vector_load %arg12[%get3A_427] {strides = array<i32>} : memref<4096xi32, #tpu.memory_space<vmem>>, vector<16xi32>,
        %min3A_429 = arith.constant 50047 : i32
        %min3A_430 = vector.broadcast %min3A_429 : i32 to vector<16xi32>
        %min3A_431 = arith.minsi %get3A_428, %min3A_430 : vector<16xi32>
        %broadcast_in_dim3A_432 = arith.constant 0 : i32
        %broadcast_in_dim3A_433 = vector.broadcast %broadcast_in_dim3A_432 : i32 to vector<16xi32>
        %gather3A_434 = tpu.vector_load_idx %arg7[%broadcast_in_dim3A_433, %min3A_431] : memref<1x50048xf32, #tpu.memory_space<vmem>>[vector<16xi32>, vector<16xi32>], vector<16xf32>,
        %swap3A_435 = arith.index_cast %add3A_426 : i32 to index
        %swap3A_436 = tpu.vector_load %arg11[%swap3A_435] {strides = array<i32>} : memref<4096xf32, #tpu.memory_space<vmem>>, vector<16xf32>,
        tpu.vector_store %arg11[%swap3A_435], %gather3A_434 {strides = array<i32>} : memref<4096xf32, #tpu.memory_space<vmem>>, vector<16xf32>,
        %mul3A_437 = arith.constant 64 : i32
        %mul3A_438 = arith.muli %add3A_411, %mul3A_437 : i32
        %add3A_439 = arith.constant 32 : i32
        %add3A_440 = arith.addi %mul3A_438, %add3A_439 : i32
        %get3A_441 = arith.index_cast %add3A_440 : i32 to index
        %get3A_442 = tpu.vector_load %arg12[%get3A_441] {strides = array<i32>} : memref<4096xi32, #tpu.memory_space<vmem>>, vector<16xi32>,
        %min3A_443 = arith.constant 50047 : i32
        %min3A_444 = vector.broadcast %min3A_443 : i32 to vector<16xi32>
        %min3A_445 = arith.minsi %get3A_442, %min3A_444 : vector<16xi32>
        %broadcast_in_dim3A_446 = arith.constant 0 : i32
        %broadcast_in_dim3A_447 = vector.broadcast %broadcast_in_dim3A_446 : i32 to vector<16xi32>
        %gather3A_448 = tpu.vector_load_idx %arg7[%broadcast_in_dim3A_447, %min3A_445] : memref<1x50048xf32, #tpu.memory_space<vmem>>[vector<16xi32>, vector<16xi32>], vector<16xf32>,
        %swap3A_449 = arith.index_cast %add3A_440 : i32 to index
        %swap3A_450 = tpu.vector_load %arg11[%swap3A_449] {strides = array<i32>} : memref<4096xf32, #tpu.memory_space<vmem>>, vector<16xf32>,
        tpu.vector_store %arg11[%swap3A_449], %gather3A_448 {strides = array<i32>} : memref<4096xf32, #tpu.memory_space<vmem>>, vector<16xf32>,
        %mul3A_451 = arith.constant 64 : i32
        %mul3A_452 = arith.muli %add3A_411, %mul3A_451 : i32
        %add3A_453 = arith.constant 48 : i32
        %add3A_454 = arith.addi %mul3A_452, %add3A_453 : i32
        %get3A_455 = arith.index_cast %add3A_454 : i32 to index
        %get3A_456 = tpu.vector_load %arg12[%get3A_455] {strides = array<i32>} : memref<4096xi32, #tpu.memory_space<vmem>>, vector<16xi32>,
        %min3A_457 = arith.constant 50047 : i32
        %min3A_458 = vector.broadcast %min3A_457 : i32 to vector<16xi32>
        %min3A_459 = arith.minsi %get3A_456, %min3A_458 : vector<16xi32>
        %broadcast_in_dim3A_460 = arith.constant 0 : i32
        %broadcast_in_dim3A_461 = vector.broadcast %broadcast_in_dim3A_460 : i32 to vector<16xi32>
        %gather3A_462 = tpu.vector_load_idx %arg7[%broadcast_in_dim3A_461, %min3A_459] : memref<1x50048xf32, #tpu.memory_space<vmem>>[vector<16xi32>, vector<16xi32>], vector<16xf32>,
        %swap3A_463 = arith.index_cast %add3A_454 : i32 to index
        %swap3A_464 = tpu.vector_load %arg11[%swap3A_463] {strides = array<i32>} : memref<4096xf32, #tpu.memory_space<vmem>>, vector<16xf32>,
        tpu.vector_store %arg11[%swap3A_463], %gather3A_462 {strides = array<i32>} : memref<4096xf32, #tpu.memory_space<vmem>>, vector<16xf32>,
      }
      %scan3A_372 = arith.constant 64 : i32
      %scan3A_373 = arith.constant 0 : i32
      %scan3A_374 = arith.constant 64 : i32
      %scan3A_375 = arith.addi %scan3A_373, %scan3A_374 : i32
      %scan3A_376 = arith.constant 1 : i32
      scf.for %scan3A_407 = %scan3A_373 to %scan3A_375 step %scan3A_376  : i32 {
        %mul3A_408 = arith.constant 1 : i32
        %mul3A_409 = arith.muli %scan3A_407, %mul3A_408 : i32
        %add3A_410 = arith.constant 0 : i32
        %add3A_411 = arith.addi %add3A_410, %mul3A_409 : i32
        %mul3A_412 = arith.constant 64 : i32
        %mul3A_413 = arith.muli %add3A_411, %mul3A_412 : i32
        %add3A_414 = arith.constant 0 : i32
        %add3A_415 = arith.addi %mul3A_413, %add3A_414 : i32
        %get3A = arith.index_cast %add3A_415 : i32 to index
        %get3A_416 = tpu.vector_load %arg13[%get3A] {strides = array<i32>} : memref<4096xi32, #tpu.memory_space<vmem>>, vector<16xi32>,
        %min3A = arith.constant 50047 : i32
        %min3A_417 = vector.broadcast %min3A : i32 to vector<16xi32>
        %min3A_418 = arith.minsi %get3A_416, %min3A_417 : vector<16xi32>
        %broadcast_in_dim3A_419 = arith.constant 0 : i32
        %broadcast_in_dim3A_420 = vector.broadcast %broadcast_in_dim3A_419 : i32 to vector<16xi32>
        %gather3A_421 = tpu.vector_load_idx %arg7[%broadcast_in_dim3A_420, %min3A_418] : memref<1x50048xf32, #tpu.memory_space<vmem>>[vector<16xi32>, vector<16xi32>], vector<16xf32>,
        %swap3A = arith.index_cast %add3A_415 : i32 to index
        %swap3A_422 = tpu.vector_load %arg9[%swap3A] {strides = array<i32>} : memref<4096xf32, #tpu.memory_space<vmem>>, vector<16xf32>,
        tpu.vector_store %arg9[%swap3A], %gather3A_421 {strides = array<i32>} : memref<4096xf32, #tpu.memory_space<vmem>>, vector<16xf32>,
        %mul3A_423 = arith.constant 64 : i32
        %mul3A_424 = arith.muli %add3A_411, %mul3A_423 : i32
        %add3A_425 = arith.constant 16 : i32
        %add3A_426 = arith.addi %mul3A_424, %add3A_425 : i32
        %get3A_427 = arith.index_cast %add3A_426 : i32 to index
        %get3A_428 = tpu.vector_load %arg13[%get3A_427] {strides = array<i32>} : memref<4096xi32, #tpu.memory_space<vmem>>, vector<16xi32>,
        %min3A_429 = arith.constant 50047 : i32
        %min3A_430 = vector.broadcast %min3A_429 : i32 to vector<16xi32>
        %min3A_431 = arith.minsi %get3A_428, %min3A_430 : vector<16xi32>
        %broadcast_in_dim3A_432 = arith.constant 0 : i32
        %broadcast_in_dim3A_433 = vector.broadcast %broadcast_in_dim3A_432 : i32 to vector<16xi32>
        %gather3A_434 = tpu.vector_load_idx %arg7[%broadcast_in_dim3A_433, %min3A_431] : memref<1x50048xf32, #tpu.memory_space<vmem>>[vector<16xi32>, vector<16xi32>], vector<16xf32>,
        %swap3A_435 = arith.index_cast %add3A_426 : i32 to index
        %swap3A_436 = tpu.vector_load %arg9[%swap3A_435] {strides = array<i32>} : memref<4096xf32, #tpu.memory_space<vmem>>, vector<16xf32>,
        tpu.vector_store %arg9[%swap3A_435], %gather3A_434 {strides = array<i32>} : memref<4096xf32, #tpu.memory_space<vmem>>, vector<16xf32>,
        %mul3A_437 = arith.constant 64 : i32
        %mul3A_438 = arith.muli %add3A_411, %mul3A_437 : i32
        %add3A_439 = arith.constant 32 : i32
        %add3A_440 = arith.addi %mul3A_438, %add3A_439 : i32
        %get3A_441 = arith.index_cast %add3A_440 : i32 to index
        %get3A_442 = tpu.vector_load %arg13[%get3A_441] {strides = array<i32>} : memref<4096xi32, #tpu.memory_space<vmem>>, vector<16xi32>,
        %min3A_443 = arith.constant 50047 : i32
        %min3A_444 = vector.broadcast %min3A_443 : i32 to vector<16xi32>
        %min3A_445 = arith.minsi %get3A_442, %min3A_444 : vector<16xi32>
        %broadcast_in_dim3A_446 = arith.constant 0 : i32
        %broadcast_in_dim3A_447 = vector.broadcast %broadcast_in_dim3A_446 : i32 to vector<16xi32>
        %gather3A_448 = tpu.vector_load_idx %arg7[%broadcast_in_dim3A_447, %min3A_445] : memref<1x50048xf32, #tpu.memory_space<vmem>>[vector<16xi32>, vector<16xi32>], vector<16xf32>,
        %swap3A_449 = arith.index_cast %add3A_440 : i32 to index
        %swap3A_450 = tpu.vector_load %arg9[%swap3A_449] {strides = array<i32>} : memref<4096xf32, #tpu.memory_space<vmem>>, vector<16xf32>,
        tpu.vector_store %arg9[%swap3A_449], %gather3A_448 {strides = array<i32>} : memref<4096xf32, #tpu.memory_space<vmem>>, vector<16xf32>,
        %mul3A_451 = arith.constant 64 : i32
        %mul3A_452 = arith.muli %add3A_411, %mul3A_451 : i32
        %add3A_453 = arith.constant 48 : i32
        %add3A_454 = arith.addi %mul3A_452, %add3A_453 : i32
        %get3A_455 = arith.index_cast %add3A_454 : i32 to index
        %get3A_456 = tpu.vector_load %arg13[%get3A_455] {strides = array<i32>} : memref<4096xi32, #tpu.memory_space<vmem>>, vector<16xi32>,
        %min3A_457 = arith.constant 50047 : i32
        %min3A_458 = vector.broadcast %min3A_457 : i32 to vector<16xi32>
        %min3A_459 = arith.minsi %get3A_456, %min3A_458 : vector<16xi32>
        %broadcast_in_dim3A_460 = arith.constant 0 : i32
        %broadcast_in_dim3A_461 = vector.broadcast %broadcast_in_dim3A_460 : i32 to vector<16xi32>
        %gather3A_462 = tpu.vector_load_idx %arg7[%broadcast_in_dim3A_461, %min3A_459] : memref<1x50048xf32, #tpu.memory_space<vmem>>[vector<16xi32>, vector<16xi32>], vector<16xf32>,
        %swap3A_463 = arith.index_cast %add3A_454 : i32 to index
        %swap3A_464 = tpu.vector_load %arg9[%swap3A_463] {strides = array<i32>} : memref<4096xf32, #tpu.memory_space<vmem>>, vector<16xf32>,
        tpu.vector_store %arg9[%swap3A_463], %gather3A_462 {strides = array<i32>} : memref<4096xf32, #tpu.memory_space<vmem>>, vector<16xf32>,
      }
      %scan3A_377 = arith.constant 64 : i32
      %add3A_378 = arith.constant 1 : i32
      %add3A_379 = arith.addi %add3A_101, %add3A_378 : i32
      %lt3A_380 = arith.constant 26 : i32
      %lt3A_381 = arith.cmpi slt, %add3A_379, %lt3A_380 : i32
      %convert_element_type3A_382 = arith.extui %lt3A_381 : i1 to i32
      %cond3A_383 = arith.constant 0 : i32
      %cond3A_384 = arith.cmpi ne, %convert_element_type3A_382, %cond3A_383 : i32
      scf.if %cond3A_384 {
        %add3A_407 = arith.constant 1 : i32
        %add3A_408 = arith.addi %add3A_104, %add3A_407 : i32
        %dma_start3A_409 = arith.constant 0 : i32
        %dma_start3A_410 = tpu.memref_slice %arg2[%add3A_408, %dma_start3A_409] : memref<832x100000xf32, #tpu.memory_space<hbm>> -> memref<1x50048xf32, #tpu.memory_space<hbm>>
        %dma_start3A_411 = arith.constant 0 : i32
        %dma_start3A_412 = tpu.memref_slice %arg2[%add3A_408, %dma_start3A_411] : memref<832x100000xf32, #tpu.memory_space<hbm>> -> memref<1x50048xf32, #tpu.memory_space<hbm>>
        tpu.enqueue_dma source(%dma_start3A_412 : memref<1x50048xf32, #tpu.memory_space<hbm>>) target(%arg7 : memref<1x50048xf32, #tpu.memory_space<vmem>>) target_semaphore(%arg17 : memref<!tpu.dma_semaphore, #tpu.memory_space<semaphore_mem>>)
      } else {
      }
      %scan3A_385 = arith.constant 0 : i32
      %scan3A_386 = arith.constant 64 : i32
      %scan3A_387 = arith.addi %scan3A_385, %scan3A_386 : i32
      %scan3A_388 = arith.constant 1 : i32
      scf.for %scan3A_407 = %scan3A_385 to %scan3A_387 step %scan3A_388  : i32 {
        %mul3A_408 = arith.constant 1 : i32
        %mul3A_409 = arith.muli %scan3A_407, %mul3A_408 : i32
        %add3A_410 = arith.constant 0 : i32
        %add3A_411 = arith.addi %add3A_410, %mul3A_409 : i32
        %mul3A_412 = arith.constant 64 : i32
        %mul3A_413 = arith.muli %add3A_411, %mul3A_412 : i32
        %add3A_414 = arith.constant 0 : i32
        %add3A_415 = arith.addi %mul3A_413, %add3A_414 : i32
        %get3A = arith.index_cast %add3A_415 : i32 to index
        %get3A_416 = tpu.vector_load %arg12[%get3A] {strides = array<i32>} : memref<4096xi32, #tpu.memory_space<vmem>>, vector<16xi32>,
        %ge3A_417 = arith.constant 49920 : i32
        %ge3A_418 = vector.broadcast %ge3A_417 : i32 to vector<16xi32>
        %ge3A_419 = arith.cmpi sge, %get3A_416, %ge3A_418 : vector<16xi32>
        %sub3A_420 = arith.constant 49920 : i32
        %sub3A_421 = vector.broadcast %sub3A_420 : i32 to vector<16xi32>
        %sub3A_422 = arith.subi %get3A_416, %sub3A_421 : vector<16xi32>
        %max3A = arith.constant 0 : i32
        %max3A_423 = vector.broadcast %max3A : i32 to vector<16xi32>
        %max3A_424 = arith.maxsi %sub3A_422, %max3A_423 : vector<16xi32>
        %broadcast_in_dim3A_425 = arith.constant 0 : i32
        %broadcast_in_dim3A_426 = vector.broadcast %broadcast_in_dim3A_425 : i32 to vector<16xi32>
        %gather3A_427 = tpu.vector_load_idx %arg8[%broadcast_in_dim3A_426, %max3A_424] : memref<1x50080xf32, #tpu.memory_space<vmem>>[vector<16xi32>, vector<16xi32>], vector<16xf32>,
        %get3A_428 = arith.index_cast %add3A_415 : i32 to index
        %get3A_429 = tpu.vector_load %arg11[%get3A_428] {strides = array<i32>} : memref<4096xf32, #tpu.memory_space<vmem>>, vector<16xf32>,
        %select_n3A_430 = arith.select %ge3A_419, %gather3A_427, %get3A_429 : vector<16xi1>, vector<16xf32>
        %swap3A = arith.index_cast %add3A_415 : i32 to index
        %swap3A_431 = tpu.vector_load %arg11[%swap3A] {strides = array<i32>} : memref<4096xf32, #tpu.memory_space<vmem>>, vector<16xf32>,
        tpu.vector_store %arg11[%swap3A], %select_n3A_430 {strides = array<i32>} : memref<4096xf32, #tpu.memory_space<vmem>>, vector<16xf32>,
        %mul3A_432 = arith.constant 64 : i32
        %mul3A_433 = arith.muli %add3A_411, %mul3A_432 : i32
        %add3A_434 = arith.constant 16 : i32
        %add3A_435 = arith.addi %mul3A_433, %add3A_434 : i32
        %get3A_436 = arith.index_cast %add3A_435 : i32 to index
        %get3A_437 = tpu.vector_load %arg12[%get3A_436] {strides = array<i32>} : memref<4096xi32, #tpu.memory_space<vmem>>, vector<16xi32>,
        %ge3A_438 = arith.constant 49920 : i32
        %ge3A_439 = vector.broadcast %ge3A_438 : i32 to vector<16xi32>
        %ge3A_440 = arith.cmpi sge, %get3A_437, %ge3A_439 : vector<16xi32>
        %sub3A_441 = arith.constant 49920 : i32
        %sub3A_442 = vector.broadcast %sub3A_441 : i32 to vector<16xi32>
        %sub3A_443 = arith.subi %get3A_437, %sub3A_442 : vector<16xi32>
        %max3A_444 = arith.constant 0 : i32
        %max3A_445 = vector.broadcast %max3A_444 : i32 to vector<16xi32>
        %max3A_446 = arith.maxsi %sub3A_443, %max3A_445 : vector<16xi32>
        %broadcast_in_dim3A_447 = arith.constant 0 : i32
        %broadcast_in_dim3A_448 = vector.broadcast %broadcast_in_dim3A_447 : i32 to vector<16xi32>
        %gather3A_449 = tpu.vector_load_idx %arg8[%broadcast_in_dim3A_448, %max3A_446] : memref<1x50080xf32, #tpu.memory_space<vmem>>[vector<16xi32>, vector<16xi32>], vector<16xf32>,
        %get3A_450 = arith.index_cast %add3A_435 : i32 to index
        %get3A_451 = tpu.vector_load %arg11[%get3A_450] {strides = array<i32>} : memref<4096xf32, #tpu.memory_space<vmem>>, vector<16xf32>,
        %select_n3A_452 = arith.select %ge3A_440, %gather3A_449, %get3A_451 : vector<16xi1>, vector<16xf32>
        %swap3A_453 = arith.index_cast %add3A_435 : i32 to index
        %swap3A_454 = tpu.vector_load %arg11[%swap3A_453] {strides = array<i32>} : memref<4096xf32, #tpu.memory_space<vmem>>, vector<16xf32>,
        tpu.vector_store %arg11[%swap3A_453], %select_n3A_452 {strides = array<i32>} : memref<4096xf32, #tpu.memory_space<vmem>>, vector<16xf32>,
        %mul3A_455 = arith.constant 64 : i32
        %mul3A_456 = arith.muli %add3A_411, %mul3A_455 : i32
        %add3A_457 = arith.constant 32 : i32
        %add3A_458 = arith.addi %mul3A_456, %add3A_457 : i32
        %get3A_459 = arith.index_cast %add3A_458 : i32 to index
        %get3A_460 = tpu.vector_load %arg12[%get3A_459] {strides = array<i32>} : memref<4096xi32, #tpu.memory_space<vmem>>, vector<16xi32>,
        %ge3A_461 = arith.constant 49920 : i32
        %ge3A_462 = vector.broadcast %ge3A_461 : i32 to vector<16xi32>
        %ge3A_463 = arith.cmpi sge, %get3A_460, %ge3A_462 : vector<16xi32>
        %sub3A_464 = arith.constant 49920 : i32
        %sub3A_465 = vector.broadcast %sub3A_464 : i32 to vector<16xi32>
        %sub3A_466 = arith.subi %get3A_460, %sub3A_465 : vector<16xi32>
        %max3A_467 = arith.constant 0 : i32
        %max3A_468 = vector.broadcast %max3A_467 : i32 to vector<16xi32>
        %max3A_469 = arith.maxsi %sub3A_466, %max3A_468 : vector<16xi32>
        %broadcast_in_dim3A_470 = arith.constant 0 : i32
        %broadcast_in_dim3A_471 = vector.broadcast %broadcast_in_dim3A_470 : i32 to vector<16xi32>
        %gather3A_472 = tpu.vector_load_idx %arg8[%broadcast_in_dim3A_471, %max3A_469] : memref<1x50080xf32, #tpu.memory_space<vmem>>[vector<16xi32>, vector<16xi32>], vector<16xf32>,
        %get3A_473 = arith.index_cast %add3A_458 : i32 to index
        %get3A_474 = tpu.vector_load %arg11[%get3A_473] {strides = array<i32>} : memref<4096xf32, #tpu.memory_space<vmem>>, vector<16xf32>,
        %select_n3A_475 = arith.select %ge3A_463, %gather3A_472, %get3A_474 : vector<16xi1>, vector<16xf32>
        %swap3A_476 = arith.index_cast %add3A_458 : i32 to index
        %swap3A_477 = tpu.vector_load %arg11[%swap3A_476] {strides = array<i32>} : memref<4096xf32, #tpu.memory_space<vmem>>, vector<16xf32>,
        tpu.vector_store %arg11[%swap3A_476], %select_n3A_475 {strides = array<i32>} : memref<4096xf32, #tpu.memory_space<vmem>>, vector<16xf32>,
        %mul3A_478 = arith.constant 64 : i32
        %mul3A_479 = arith.muli %add3A_411, %mul3A_478 : i32
        %add3A_480 = arith.constant 48 : i32
        %add3A_481 = arith.addi %mul3A_479, %add3A_480 : i32
        %get3A_482 = arith.index_cast %add3A_481 : i32 to index
        %get3A_483 = tpu.vector_load %arg12[%get3A_482] {strides = array<i32>} : memref<4096xi32, #tpu.memory_space<vmem>>, vector<16xi32>,
        %ge3A_484 = arith.constant 49920 : i32
        %ge3A_485 = vector.broadcast %ge3A_484 : i32 to vector<16xi32>
        %ge3A_486 = arith.cmpi sge, %get3A_483, %ge3A_485 : vector<16xi32>
        %sub3A_487 = arith.constant 49920 : i32
        %sub3A_488 = vector.broadcast %sub3A_487 : i32 to vector<16xi32>
        %sub3A_489 = arith.subi %get3A_483, %sub3A_488 : vector<16xi32>
        %max3A_490 = arith.constant 0 : i32
        %max3A_491 = vector.broadcast %max3A_490 : i32 to vector<16xi32>
        %max3A_492 = arith.maxsi %sub3A_489, %max3A_491 : vector<16xi32>
        %broadcast_in_dim3A_493 = arith.constant 0 : i32
        %broadcast_in_dim3A_494 = vector.broadcast %broadcast_in_dim3A_493 : i32 to vector<16xi32>
        %gather3A_495 = tpu.vector_load_idx %arg8[%broadcast_in_dim3A_494, %max3A_492] : memref<1x50080xf32, #tpu.memory_space<vmem>>[vector<16xi32>, vector<16xi32>], vector<16xf32>,
        %get3A_496 = arith.index_cast %add3A_481 : i32 to index
        %get3A_497 = tpu.vector_load %arg11[%get3A_496] {strides = array<i32>} : memref<4096xf32, #tpu.memory_space<vmem>>, vector<16xf32>,
        %select_n3A_498 = arith.select %ge3A_486, %gather3A_495, %get3A_497 : vector<16xi1>, vector<16xf32>
        %swap3A_499 = arith.index_cast %add3A_481 : i32 to index
        %swap3A_500 = tpu.vector_load %arg11[%swap3A_499] {strides = array<i32>} : memref<4096xf32, #tpu.memory_space<vmem>>, vector<16xf32>,
        tpu.vector_store %arg11[%swap3A_499], %select_n3A_498 {strides = array<i32>} : memref<4096xf32, #tpu.memory_space<vmem>>, vector<16xf32>,
      }
      %scan3A_389 = arith.constant 64 : i32
      %scan3A_390 = arith.constant 0 : i32
      %scan3A_391 = arith.constant 64 : i32
      %scan3A_392 = arith.addi %scan3A_390, %scan3A_391 : i32
      %scan3A_393 = arith.constant 1 : i32
      scf.for %scan3A_407 = %scan3A_390 to %scan3A_392 step %scan3A_393  : i32 {
        %mul3A_408 = arith.constant 1 : i32
        %mul3A_409 = arith.muli %scan3A_407, %mul3A_408 : i32
        %add3A_410 = arith.constant 0 : i32
        %add3A_411 = arith.addi %add3A_410, %mul3A_409 : i32
        %mul3A_412 = arith.constant 64 : i32
        %mul3A_413 = arith.muli %add3A_411, %mul3A_412 : i32
        %add3A_414 = arith.constant 0 : i32
        %add3A_415 = arith.addi %mul3A_413, %add3A_414 : i32
        %get3A = arith.index_cast %add3A_415 : i32 to index
        %get3A_416 = tpu.vector_load %arg13[%get3A] {strides = array<i32>} : memref<4096xi32, #tpu.memory_space<vmem>>, vector<16xi32>,
        %ge3A_417 = arith.constant 49920 : i32
        %ge3A_418 = vector.broadcast %ge3A_417 : i32 to vector<16xi32>
        %ge3A_419 = arith.cmpi sge, %get3A_416, %ge3A_418 : vector<16xi32>
        %sub3A_420 = arith.constant 49920 : i32
        %sub3A_421 = vector.broadcast %sub3A_420 : i32 to vector<16xi32>
        %sub3A_422 = arith.subi %get3A_416, %sub3A_421 : vector<16xi32>
        %max3A = arith.constant 0 : i32
        %max3A_423 = vector.broadcast %max3A : i32 to vector<16xi32>
        %max3A_424 = arith.maxsi %sub3A_422, %max3A_423 : vector<16xi32>
        %broadcast_in_dim3A_425 = arith.constant 0 : i32
        %broadcast_in_dim3A_426 = vector.broadcast %broadcast_in_dim3A_425 : i32 to vector<16xi32>
        %gather3A_427 = tpu.vector_load_idx %arg8[%broadcast_in_dim3A_426, %max3A_424] : memref<1x50080xf32, #tpu.memory_space<vmem>>[vector<16xi32>, vector<16xi32>], vector<16xf32>,
        %get3A_428 = arith.index_cast %add3A_415 : i32 to index
        %get3A_429 = tpu.vector_load %arg9[%get3A_428] {strides = array<i32>} : memref<4096xf32, #tpu.memory_space<vmem>>, vector<16xf32>,
        %select_n3A_430 = arith.select %ge3A_419, %gather3A_427, %get3A_429 : vector<16xi1>, vector<16xf32>
        %swap3A = arith.index_cast %add3A_415 : i32 to index
        %swap3A_431 = tpu.vector_load %arg9[%swap3A] {strides = array<i32>} : memref<4096xf32, #tpu.memory_space<vmem>>, vector<16xf32>,
        tpu.vector_store %arg9[%swap3A], %select_n3A_430 {strides = array<i32>} : memref<4096xf32, #tpu.memory_space<vmem>>, vector<16xf32>,
        %mul3A_432 = arith.constant 64 : i32
        %mul3A_433 = arith.muli %add3A_411, %mul3A_432 : i32
        %add3A_434 = arith.constant 16 : i32
        %add3A_435 = arith.addi %mul3A_433, %add3A_434 : i32
        %get3A_436 = arith.index_cast %add3A_435 : i32 to index
        %get3A_437 = tpu.vector_load %arg13[%get3A_436] {strides = array<i32>} : memref<4096xi32, #tpu.memory_space<vmem>>, vector<16xi32>,
        %ge3A_438 = arith.constant 49920 : i32
        %ge3A_439 = vector.broadcast %ge3A_438 : i32 to vector<16xi32>
        %ge3A_440 = arith.cmpi sge, %get3A_437, %ge3A_439 : vector<16xi32>
        %sub3A_441 = arith.constant 49920 : i32
        %sub3A_442 = vector.broadcast %sub3A_441 : i32 to vector<16xi32>
        %sub3A_443 = arith.subi %get3A_437, %sub3A_442 : vector<16xi32>
        %max3A_444 = arith.constant 0 : i32
        %max3A_445 = vector.broadcast %max3A_444 : i32 to vector<16xi32>
        %max3A_446 = arith.maxsi %sub3A_443, %max3A_445 : vector<16xi32>
        %broadcast_in_dim3A_447 = arith.constant 0 : i32
        %broadcast_in_dim3A_448 = vector.broadcast %broadcast_in_dim3A_447 : i32 to vector<16xi32>
        %gather3A_449 = tpu.vector_load_idx %arg8[%broadcast_in_dim3A_448, %max3A_446] : memref<1x50080xf32, #tpu.memory_space<vmem>>[vector<16xi32>, vector<16xi32>], vector<16xf32>,
        %get3A_450 = arith.index_cast %add3A_435 : i32 to index
        %get3A_451 = tpu.vector_load %arg9[%get3A_450] {strides = array<i32>} : memref<4096xf32, #tpu.memory_space<vmem>>, vector<16xf32>,
        %select_n3A_452 = arith.select %ge3A_440, %gather3A_449, %get3A_451 : vector<16xi1>, vector<16xf32>
        %swap3A_453 = arith.index_cast %add3A_435 : i32 to index
        %swap3A_454 = tpu.vector_load %arg9[%swap3A_453] {strides = array<i32>} : memref<4096xf32, #tpu.memory_space<vmem>>, vector<16xf32>,
        tpu.vector_store %arg9[%swap3A_453], %select_n3A_452 {strides = array<i32>} : memref<4096xf32, #tpu.memory_space<vmem>>, vector<16xf32>,
        %mul3A_455 = arith.constant 64 : i32
        %mul3A_456 = arith.muli %add3A_411, %mul3A_455 : i32
        %add3A_457 = arith.constant 32 : i32
        %add3A_458 = arith.addi %mul3A_456, %add3A_457 : i32
        %get3A_459 = arith.index_cast %add3A_458 : i32 to index
        %get3A_460 = tpu.vector_load %arg13[%get3A_459] {strides = array<i32>} : memref<4096xi32, #tpu.memory_space<vmem>>, vector<16xi32>,
        %ge3A_461 = arith.constant 49920 : i32
        %ge3A_462 = vector.broadcast %ge3A_461 : i32 to vector<16xi32>
        %ge3A_463 = arith.cmpi sge, %get3A_460, %ge3A_462 : vector<16xi32>
        %sub3A_464 = arith.constant 49920 : i32
        %sub3A_465 = vector.broadcast %sub3A_464 : i32 to vector<16xi32>
        %sub3A_466 = arith.subi %get3A_460, %sub3A_465 : vector<16xi32>
        %max3A_467 = arith.constant 0 : i32
        %max3A_468 = vector.broadcast %max3A_467 : i32 to vector<16xi32>
        %max3A_469 = arith.maxsi %sub3A_466, %max3A_468 : vector<16xi32>
        %broadcast_in_dim3A_470 = arith.constant 0 : i32
        %broadcast_in_dim3A_471 = vector.broadcast %broadcast_in_dim3A_470 : i32 to vector<16xi32>
        %gather3A_472 = tpu.vector_load_idx %arg8[%broadcast_in_dim3A_471, %max3A_469] : memref<1x50080xf32, #tpu.memory_space<vmem>>[vector<16xi32>, vector<16xi32>], vector<16xf32>,
        %get3A_473 = arith.index_cast %add3A_458 : i32 to index
        %get3A_474 = tpu.vector_load %arg9[%get3A_473] {strides = array<i32>} : memref<4096xf32, #tpu.memory_space<vmem>>, vector<16xf32>,
        %select_n3A_475 = arith.select %ge3A_463, %gather3A_472, %get3A_474 : vector<16xi1>, vector<16xf32>
        %swap3A_476 = arith.index_cast %add3A_458 : i32 to index
        %swap3A_477 = tpu.vector_load %arg9[%swap3A_476] {strides = array<i32>} : memref<4096xf32, #tpu.memory_space<vmem>>, vector<16xf32>,
        tpu.vector_store %arg9[%swap3A_476], %select_n3A_475 {strides = array<i32>} : memref<4096xf32, #tpu.memory_space<vmem>>, vector<16xf32>,
        %mul3A_478 = arith.constant 64 : i32
        %mul3A_479 = arith.muli %add3A_411, %mul3A_478 : i32
        %add3A_480 = arith.constant 48 : i32
        %add3A_481 = arith.addi %mul3A_479, %add3A_480 : i32
        %get3A_482 = arith.index_cast %add3A_481 : i32 to index
        %get3A_483 = tpu.vector_load %arg13[%get3A_482] {strides = array<i32>} : memref<4096xi32, #tpu.memory_space<vmem>>, vector<16xi32>,
        %ge3A_484 = arith.constant 49920 : i32
        %ge3A_485 = vector.broadcast %ge3A_484 : i32 to vector<16xi32>
        %ge3A_486 = arith.cmpi sge, %get3A_483, %ge3A_485 : vector<16xi32>
        %sub3A_487 = arith.constant 49920 : i32
        %sub3A_488 = vector.broadcast %sub3A_487 : i32 to vector<16xi32>
        %sub3A_489 = arith.subi %get3A_483, %sub3A_488 : vector<16xi32>
        %max3A_490 = arith.constant 0 : i32
        %max3A_491 = vector.broadcast %max3A_490 : i32 to vector<16xi32>
        %max3A_492 = arith.maxsi %sub3A_489, %max3A_491 : vector<16xi32>
        %broadcast_in_dim3A_493 = arith.constant 0 : i32
        %broadcast_in_dim3A_494 = vector.broadcast %broadcast_in_dim3A_493 : i32 to vector<16xi32>
        %gather3A_495 = tpu.vector_load_idx %arg8[%broadcast_in_dim3A_494, %max3A_492] : memref<1x50080xf32, #tpu.memory_space<vmem>>[vector<16xi32>, vector<16xi32>], vector<16xf32>,
        %get3A_496 = arith.index_cast %add3A_481 : i32 to index
        %get3A_497 = tpu.vector_load %arg9[%get3A_496] {strides = array<i32>} : memref<4096xf32, #tpu.memory_space<vmem>>, vector<16xf32>,
        %select_n3A_498 = arith.select %ge3A_486, %gather3A_495, %get3A_497 : vector<16xi1>, vector<16xf32>
        %swap3A_499 = arith.index_cast %add3A_481 : i32 to index
        %swap3A_500 = tpu.vector_load %arg9[%swap3A_499] {strides = array<i32>} : memref<4096xf32, #tpu.memory_space<vmem>>, vector<16xf32>,
        tpu.vector_store %arg9[%swap3A_499], %select_n3A_498 {strides = array<i32>} : memref<4096xf32, #tpu.memory_space<vmem>>, vector<16xf32>,
      }
      %scan3A_394 = arith.constant 64 : i32
      %dma_start3A_395 = arith.constant 8192 : i32
      %dma_start3A_396 = tpu.memref_slice %arg6[%select_n3A, %select_n3A_134, %dma_start3A_395] : memref<40x64x16384xf32, #tpu.memory_space<hbm>> -> memref<1x1x4096xf32, #tpu.memory_space<hbm>>
      %dma_start3A_397 = tpu.memref_squeeze %dma_start3A_396 : memref<1x1x4096xf32, #tpu.memory_space<hbm>> -> memref<4096xf32, #tpu.memory_space<hbm>>
      %dma_start3A_398 = arith.constant 8192 : i32
      %dma_start3A_399 = tpu.memref_slice %arg6[%select_n3A, %select_n3A_134, %dma_start3A_398] : memref<40x64x16384xf32, #tpu.memory_space<hbm>> -> memref<1x1x4096xf32, #tpu.memory_space<hbm>>
      %dma_start3A_400 = tpu.memref_squeeze %dma_start3A_399 : memref<1x1x4096xf32, #tpu.memory_space<hbm>> -> memref<4096xf32, #tpu.memory_space<hbm>>
      tpu.enqueue_dma source(%arg11 : memref<4096xf32, #tpu.memory_space<vmem>>) target(%dma_start3A_400 : memref<4096xf32, #tpu.memory_space<hbm>>) target_semaphore(%arg19 : memref<!tpu.dma_semaphore, #tpu.memory_space<semaphore_mem>>)
      %dma_start3A_401 = arith.constant 12288 : i32
      %dma_start3A_402 = tpu.memref_slice %arg6[%select_n3A, %select_n3A_134, %dma_start3A_401] : memref<40x64x16384xf32, #tpu.memory_space<hbm>> -> memref<1x1x4096xf32, #tpu.memory_space<hbm>>
      %dma_start3A_403 = tpu.memref_squeeze %dma_start3A_402 : memref<1x1x4096xf32, #tpu.memory_space<hbm>> -> memref<4096xf32, #tpu.memory_space<hbm>>
      %dma_start3A_404 = arith.constant 12288 : i32
      %dma_start3A_405 = tpu.memref_slice %arg6[%select_n3A, %select_n3A_134, %dma_start3A_404] : memref<40x64x16384xf32, #tpu.memory_space<hbm>> -> memref<1x1x4096xf32, #tpu.memory_space<hbm>>
      %dma_start3A_406 = tpu.memref_squeeze %dma_start3A_405 : memref<1x1x4096xf32, #tpu.memory_space<hbm>> -> memref<4096xf32, #tpu.memory_space<hbm>>
      tpu.enqueue_dma source(%arg9 : memref<4096xf32, #tpu.memory_space<vmem>>) target(%dma_start3A_406 : memref<4096xf32, #tpu.memory_space<hbm>>) target_semaphore(%arg19 : memref<!tpu.dma_semaphore, #tpu.memory_space<semaphore_mem>>)
    }
    %scan3A_9 = arith.constant 26 : i32
    %dma_wait3A = arith.constant 0 : i32
    %dma_wait3A_10 = arith.constant 0 : i32
    %dma_wait3A_11 = arith.constant 0 : i32
    %dma_wait3A_12 = tpu.memref_slice %arg6[%dma_wait3A, %dma_wait3A_10, %dma_wait3A_11] : memref<40x64x16384xf32, #tpu.memory_space<hbm>> -> memref<1x1x4096xf32, #tpu.memory_space<hbm>>
    %dma_wait3A_13 = tpu.memref_squeeze %dma_wait3A_12 : memref<1x1x4096xf32, #tpu.memory_space<hbm>> -> memref<4096xf32, #tpu.memory_space<hbm>>
    %dma_wait3A_14 = arith.constant 0 : i32
    %dma_wait3A_15 = tpu.memref_slice %arg6[%dma_wait3A, %dma_wait3A_10, %dma_wait3A_14] : memref<40x64x16384xf32, #tpu.memory_space<hbm>> -> memref<1x1x4096xf32, #tpu.memory_space<hbm>>
    %dma_wait3A_16 = tpu.memref_squeeze %dma_wait3A_15 : memref<1x1x4096xf32, #tpu.memory_space<hbm>> -> memref<4096xf32, #tpu.memory_space<hbm>>
    tpu.wait_dma2 semaphore(%arg19 : memref<!tpu.dma_semaphore, #tpu.memory_space<semaphore_mem>>) src(%arg9 : memref<4096xf32, #tpu.memory_space<vmem>>) dst(%dma_wait3A_16 : memref<4096xf32, #tpu.memory_space<hbm>>)
    %dma_wait3A_17 = arith.constant 0 : i32
    %dma_wait3A_18 = arith.constant 0 : i32
    %dma_wait3A_19 = arith.constant 0 : i32
    %dma_wait3A_20 = tpu.memref_slice %arg6[%dma_wait3A_17, %dma_wait3A_18, %dma_wait3A_19] : memref<40x64x16384xf32, #tpu.memory_space<hbm>> -> memref<1x1x4096xf32, #tpu.memory_space<hbm>>
    %dma_wait3A_21 = tpu.memref_squeeze %dma_wait3A_20 : memref<1x1x4096xf32, #tpu.memory_space<hbm>> -> memref<4096xf32, #tpu.memory_space<hbm>>
    %dma_wait3A_22 = arith.constant 0 : i32
    %dma_wait3A_23 = tpu.memref_slice %arg6[%dma_wait3A_17, %dma_wait3A_18, %dma_wait3A_22] : memref<40x64x16384xf32, #tpu.memory_space<hbm>> -> memref<1x1x4096xf32, #tpu.memory_space<hbm>>
    %dma_wait3A_24 = tpu.memref_squeeze %dma_wait3A_23 : memref<1x1x4096xf32, #tpu.memory_space<hbm>> -> memref<4096xf32, #tpu.memory_space<hbm>>
    tpu.wait_dma2 semaphore(%arg19 : memref<!tpu.dma_semaphore, #tpu.memory_space<semaphore_mem>>) src(%arg9 : memref<4096xf32, #tpu.memory_space<vmem>>) dst(%dma_wait3A_24 : memref<4096xf32, #tpu.memory_space<hbm>>)
    %dma_wait3A_25 = arith.constant 0 : i32
    %dma_wait3A_26 = arith.constant 0 : i32
    %dma_wait3A_27 = arith.constant 0 : i32
    %dma_wait3A_28 = tpu.memref_slice %arg6[%dma_wait3A_25, %dma_wait3A_26, %dma_wait3A_27] : memref<40x64x16384xf32, #tpu.memory_space<hbm>> -> memref<1x1x2048xf32, #tpu.memory_space<hbm>>
    %dma_wait3A_29 = tpu.memref_squeeze %dma_wait3A_28 : memref<1x1x2048xf32, #tpu.memory_space<hbm>> -> memref<2048xf32, #tpu.memory_space<hbm>>
    %dma_wait3A_30 = arith.constant 0 : i32
    %dma_wait3A_31 = tpu.memref_slice %arg6[%dma_wait3A_25, %dma_wait3A_26, %dma_wait3A_30] : memref<40x64x16384xf32, #tpu.memory_space<hbm>> -> memref<1x1x2048xf32, #tpu.memory_space<hbm>>
    %dma_wait3A_32 = tpu.memref_squeeze %dma_wait3A_31 : memref<1x1x2048xf32, #tpu.memory_space<hbm>> -> memref<2048xf32, #tpu.memory_space<hbm>>
    tpu.wait_dma2 semaphore(%arg20 : memref<!tpu.dma_semaphore, #tpu.memory_space<semaphore_mem>>) src(%arg14 : memref<2048xf32, #tpu.memory_space<vmem>>) dst(%dma_wait3A_32 : memref<2048xf32, #tpu.memory_space<hbm>>)
    %dma_wait3A_33 = arith.constant 0 : i32
    %dma_wait3A_34 = arith.constant 0 : i32
    %dma_wait3A_35 = arith.constant 0 : i32
    %dma_wait3A_36 = tpu.memref_slice %arg6[%dma_wait3A_33, %dma_wait3A_34, %dma_wait3A_35] : memref<40x64x16384xf32, #tpu.memory_space<hbm>> -> memref<1x1x2048xf32, #tpu.memory_space<hbm>>
    %dma_wait3A_37 = tpu.memref_squeeze %dma_wait3A_36 : memref<1x1x2048xf32, #tpu.memory_space<hbm>> -> memref<2048xf32, #tpu.memory_space<hbm>>
    %dma_wait3A_38 = arith.constant 0 : i32
    %dma_wait3A_39 = tpu.memref_slice %arg6[%dma_wait3A_33, %dma_wait3A_34, %dma_wait3A_38] : memref<40x64x16384xf32, #tpu.memory_space<hbm>> -> memref<1x1x2048xf32, #tpu.memory_space<hbm>>
    %dma_wait3A_40 = tpu.memref_squeeze %dma_wait3A_39 : memref<1x1x2048xf32, #tpu.memory_space<hbm>> -> memref<2048xf32, #tpu.memory_space<hbm>>
    tpu.wait_dma2 semaphore(%arg20 : memref<!tpu.dma_semaphore, #tpu.memory_space<semaphore_mem>>) src(%arg14 : memref<2048xf32, #tpu.memory_space<vmem>>) dst(%dma_wait3A_40 : memref<2048xf32, #tpu.memory_space<hbm>>)
    %dma_wait3A_41 = arith.constant 0 : i32
    %dma_wait3A_42 = arith.constant 0 : i32
    %dma_wait3A_43 = arith.constant 0 : i32
    %dma_wait3A_44 = tpu.memref_slice %arg6[%dma_wait3A_41, %dma_wait3A_42, %dma_wait3A_43] : memref<40x64x16384xf32, #tpu.memory_space<hbm>> -> memref<1x1x2048xf32, #tpu.memory_space<hbm>>
    %dma_wait3A_45 = tpu.memref_squeeze %dma_wait3A_44 : memref<1x1x2048xf32, #tpu.memory_space<hbm>> -> memref<2048xf32, #tpu.memory_space<hbm>>
    %dma_wait3A_46 = arith.constant 0 : i32
    %dma_wait3A_47 = tpu.memref_slice %arg6[%dma_wait3A_41, %dma_wait3A_42, %dma_wait3A_46] : memref<40x64x16384xf32, #tpu.memory_space<hbm>> -> memref<1x1x2048xf32, #tpu.memory_space<hbm>>
    %dma_wait3A_48 = tpu.memref_squeeze %dma_wait3A_47 : memref<1x1x2048xf32, #tpu.memory_space<hbm>> -> memref<2048xf32, #tpu.memory_space<hbm>>
    tpu.wait_dma2 semaphore(%arg20 : memref<!tpu.dma_semaphore, #tpu.memory_space<semaphore_mem>>) src(%arg14 : memref<2048xf32, #tpu.memory_space<vmem>>) dst(%dma_wait3A_48 : memref<2048xf32, #tpu.memory_space<hbm>>)
    %dma_wait3A_49 = arith.constant 0 : i32
    %dma_wait3A_50 = arith.constant 0 : i32
    %dma_wait3A_51 = arith.constant 0 : i32
    %dma_wait3A_52 = tpu.memref_slice %arg6[%dma_wait3A_49, %dma_wait3A_50, %dma_wait3A_51] : memref<40x64x16384xf32, #tpu.memory_space<hbm>> -> memref<1x1x2048xf32, #tpu.memory_space<hbm>>
    %dma_wait3A_53 = tpu.memref_squeeze %dma_wait3A_52 : memref<1x1x2048xf32, #tpu.memory_space<hbm>> -> memref<2048xf32, #tpu.memory_space<hbm>>
    %dma_wait3A_54 = arith.constant 0 : i32
    %dma_wait3A_55 = tpu.memref_slice %arg6[%dma_wait3A_49, %dma_wait3A_50, %dma_wait3A_54] : memref<40x64x16384xf32, #tpu.memory_space<hbm>> -> memref<1x1x2048xf32, #tpu.memory_space<hbm>>
    %dma_wait3A_56 = tpu.memref_squeeze %dma_wait3A_55 : memref<1x1x2048xf32, #tpu.memory_space<hbm>> -> memref<2048xf32, #tpu.memory_space<hbm>>
    tpu.wait_dma2 semaphore(%arg20 : memref<!tpu.dma_semaphore, #tpu.memory_space<semaphore_mem>>) src(%arg14 : memref<2048xf32, #tpu.memory_space<vmem>>) dst(%dma_wait3A_56 : memref<2048xf32, #tpu.memory_space<hbm>>)
    %dma_wait3A_57 = arith.constant 0 : i32
    %dma_wait3A_58 = arith.constant 0 : i32
    %dma_wait3A_59 = arith.constant 0 : i32
    %dma_wait3A_60 = tpu.memref_slice %arg6[%dma_wait3A_57, %dma_wait3A_58, %dma_wait3A_59] : memref<40x64x16384xf32, #tpu.memory_space<hbm>> -> memref<1x1x2048xf32, #tpu.memory_space<hbm>>
    %dma_wait3A_61 = tpu.memref_squeeze %dma_wait3A_60 : memref<1x1x2048xf32, #tpu.memory_space<hbm>> -> memref<2048xf32, #tpu.memory_space<hbm>>
    %dma_wait3A_62 = arith.constant 0 : i32
    %dma_wait3A_63 = tpu.memref_slice %arg6[%dma_wait3A_57, %dma_wait3A_58, %dma_wait3A_62] : memref<40x64x16384xf32, #tpu.memory_space<hbm>> -> memref<1x1x2048xf32, #tpu.memory_space<hbm>>
    %dma_wait3A_64 = tpu.memref_squeeze %dma_wait3A_63 : memref<1x1x2048xf32, #tpu.memory_space<hbm>> -> memref<2048xf32, #tpu.memory_space<hbm>>
    tpu.wait_dma2 semaphore(%arg20 : memref<!tpu.dma_semaphore, #tpu.memory_space<semaphore_mem>>) src(%arg14 : memref<2048xf32, #tpu.memory_space<vmem>>) dst(%dma_wait3A_64 : memref<2048xf32, #tpu.memory_space<hbm>>)
    %dma_wait3A_65 = arith.constant 0 : i32
    %dma_wait3A_66 = arith.constant 0 : i32
    %dma_wait3A_67 = arith.constant 0 : i32
    %dma_wait3A_68 = tpu.memref_slice %arg6[%dma_wait3A_65, %dma_wait3A_66, %dma_wait3A_67] : memref<40x64x16384xf32, #tpu.memory_space<hbm>> -> memref<1x1x2048xf32, #tpu.memory_space<hbm>>
    %dma_wait3A_69 = tpu.memref_squeeze %dma_wait3A_68 : memref<1x1x2048xf32, #tpu.memory_space<hbm>> -> memref<2048xf32, #tpu.memory_space<hbm>>
    %dma_wait3A_70 = arith.constant 0 : i32
    %dma_wait3A_71 = tpu.memref_slice %arg6[%dma_wait3A_65, %dma_wait3A_66, %dma_wait3A_70] : memref<40x64x16384xf32, #tpu.memory_space<hbm>> -> memref<1x1x2048xf32, #tpu.memory_space<hbm>>
    %dma_wait3A_72 = tpu.memref_squeeze %dma_wait3A_71 : memref<1x1x2048xf32, #tpu.memory_space<hbm>> -> memref<2048xf32, #tpu.memory_space<hbm>>
    tpu.wait_dma2 semaphore(%arg20 : memref<!tpu.dma_semaphore, #tpu.memory_space<semaphore_mem>>) src(%arg14 : memref<2048xf32, #tpu.memory_space<vmem>>) dst(%dma_wait3A_72 : memref<2048xf32, #tpu.memory_space<hbm>>)
    %dma_wait3A_73 = arith.constant 0 : i32
    %dma_wait3A_74 = arith.constant 0 : i32
    %dma_wait3A_75 = arith.constant 0 : i32
    %dma_wait3A_76 = tpu.memref_slice %arg6[%dma_wait3A_73, %dma_wait3A_74, %dma_wait3A_75] : memref<40x64x16384xf32, #tpu.memory_space<hbm>> -> memref<1x1x2048xf32, #tpu.memory_space<hbm>>
    %dma_wait3A_77 = tpu.memref_squeeze %dma_wait3A_76 : memref<1x1x2048xf32, #tpu.memory_space<hbm>> -> memref<2048xf32, #tpu.memory_space<hbm>>
    %dma_wait3A_78 = arith.constant 0 : i32
    %dma_wait3A_79 = tpu.memref_slice %arg6[%dma_wait3A_73, %dma_wait3A_74, %dma_wait3A_78] : memref<40x64x16384xf32, #tpu.memory_space<hbm>> -> memref<1x1x2048xf32, #tpu.memory_space<hbm>>
    %dma_wait3A_80 = tpu.memref_squeeze %dma_wait3A_79 : memref<1x1x2048xf32, #tpu.memory_space<hbm>> -> memref<2048xf32, #tpu.memory_space<hbm>>
    tpu.wait_dma2 semaphore(%arg20 : memref<!tpu.dma_semaphore, #tpu.memory_space<semaphore_mem>>) src(%arg14 : memref<2048xf32, #tpu.memory_space<vmem>>) dst(%dma_wait3A_80 : memref<2048xf32, #tpu.memory_space<hbm>>)
    %dma_wait3A_81 = arith.constant 0 : i32
    %dma_wait3A_82 = arith.constant 0 : i32
    %dma_wait3A_83 = arith.constant 0 : i32
    %dma_wait3A_84 = tpu.memref_slice %arg6[%dma_wait3A_81, %dma_wait3A_82, %dma_wait3A_83] : memref<40x64x16384xf32, #tpu.memory_space<hbm>> -> memref<1x1x2048xf32, #tpu.memory_space<hbm>>
    %dma_wait3A_85 = tpu.memref_squeeze %dma_wait3A_84 : memref<1x1x2048xf32, #tpu.memory_space<hbm>> -> memref<2048xf32, #tpu.memory_space<hbm>>
    %dma_wait3A_86 = arith.constant 0 : i32
    %dma_wait3A_87 = tpu.memref_slice %arg6[%dma_wait3A_81, %dma_wait3A_82, %dma_wait3A_86] : memref<40x64x16384xf32, #tpu.memory_space<hbm>> -> memref<1x1x2048xf32, #tpu.memory_space<hbm>>
    %dma_wait3A_88 = tpu.memref_squeeze %dma_wait3A_87 : memref<1x1x2048xf32, #tpu.memory_space<hbm>> -> memref<2048xf32, #tpu.memory_space<hbm>>
    tpu.wait_dma2 semaphore(%arg20 : memref<!tpu.dma_semaphore, #tpu.memory_space<semaphore_mem>>) src(%arg14 : memref<2048xf32, #tpu.memory_space<vmem>>) dst(%dma_wait3A_88 : memref<2048xf32, #tpu.memory_space<hbm>>)
    %dma_wait3A_89 = arith.constant 0 : i32
    %dma_wait3A_90 = arith.constant 0 : i32
    %dma_wait3A_91 = arith.constant 0 : i32
    %dma_wait3A_92 = tpu.memref_slice %arg6[%dma_wait3A_89, %dma_wait3A_90, %dma_wait3A_91] : memref<40x64x16384xf32, #tpu.memory_space<hbm>> -> memref<1x1x4096xf32, #tpu.memory_space<hbm>>
    %dma_wait3A_93 = tpu.memref_squeeze %dma_wait3A_92 : memref<1x1x4096xf32, #tpu.memory_space<hbm>> -> memref<4096xf32, #tpu.memory_space<hbm>>
    %dma_wait3A_94 = arith.constant 0 : i32
    %dma_wait3A_95 = tpu.memref_slice %arg6[%dma_wait3A_89, %dma_wait3A_90, %dma_wait3A_94] : memref<40x64x16384xf32, #tpu.memory_space<hbm>> -> memref<1x1x4096xf32, #tpu.memory_space<hbm>>
    %dma_wait3A_96 = tpu.memref_squeeze %dma_wait3A_95 : memref<1x1x4096xf32, #tpu.memory_space<hbm>> -> memref<4096xf32, #tpu.memory_space<hbm>>
    tpu.wait_dma2 semaphore(%arg21 : memref<!tpu.dma_semaphore, #tpu.memory_space<semaphore_mem>>) src(%arg15 : memref<4096xf32, #tpu.memory_space<vmem>>) dst(%dma_wait3A_96 : memref<4096xf32, #tpu.memory_space<hbm>>)
    return
  }
}

module attributes {stable_mosaic.version = 14 : i64} {
  func.func @_num_mlp_body(%arg0: i32, %arg1: memref<13x2048xf32, #tpu.memory_space<vmem>>, %arg2: memref<13x32xf32, #tpu.memory_space<vmem>>, %arg3: memref<13x32xf32, #tpu.memory_space<vmem>>, %arg4: memref<13x32x32xf32, #tpu.memory_space<vmem>>, %arg5: memref<13x32xf32, #tpu.memory_space<vmem>>, %arg6: memref<13x32x2048xf32, #tpu.memory_space<vmem>>) attributes {dimension_semantics = [#tpu.dimension_semantics<arbitrary>], iteration_bounds = array<i64: 8>, scalar_prefetch = 0 : i64, scratch_operands = 0 : i64, tpu.core_type = #tpu.core_type<tc>, window_params = [{transform_indices = @transform_0, window_bounds = array<i64: 13, 2048>}, {pipeline_mode = #tpu.pipeline_mode<synchronous>, transform_indices = @transform_1, window_bounds = array<i64: 13, 32>}, {pipeline_mode = #tpu.pipeline_mode<synchronous>, transform_indices = @transform_2, window_bounds = array<i64: 13, 32>}, {pipeline_mode = #tpu.pipeline_mode<synchronous>, transform_indices = @transform_3, window_bounds = array<i64: 13, 32, 32>}, {pipeline_mode = #tpu.pipeline_mode<synchronous>, transform_indices = @transform_4, window_bounds = array<i64: 13, 32>}, {transform_indices = @transform_5, window_bounds = array<i64: 13, 32, 2048>}]} {
    %get3A = arith.constant 0 : index
    %get3A_0 = arith.constant 0 : index
    %get3A_1 = vector.load %arg2[%get3A, %get3A_0] : memref<13x32xf32, #tpu.memory_space<vmem>>, vector<1x32xf32>
    %get3A_2 = vector.shape_cast %get3A_1 : vector<1x32xf32> to vector<32xf32>
    %broadcast_in_dim3A = vector.shape_cast %get3A_2 : vector<32xf32> to vector<32x1xf32>
    %get3A_3 = arith.constant 0 : index
    %get3A_4 = arith.constant 0 : index
    %get3A_5 = vector.load %arg1[%get3A_3, %get3A_4] : memref<13x2048xf32, #tpu.memory_space<vmem>>, vector<1x2048xf32>
    %get3A_6 = vector.shape_cast %get3A_5 : vector<1x2048xf32> to vector<2048xf32>
    %broadcast_in_dim3A_7 = vector.shape_cast %get3A_6 : vector<2048xf32> to vector<1x2048xf32>
    %mul3A = vector.broadcast %broadcast_in_dim3A : vector<32x1xf32> to vector<32x2048xf32>
    %mul3A_8 = vector.broadcast %broadcast_in_dim3A_7 : vector<1x2048xf32> to vector<32x2048xf32>
    %mul3A_9 = arith.mulf %mul3A, %mul3A_8 : vector<32x2048xf32>
    %get3A_10 = arith.constant 0 : index
    %get3A_11 = arith.constant 0 : index
    %get3A_12 = vector.load %arg3[%get3A_10, %get3A_11] : memref<13x32xf32, #tpu.memory_space<vmem>>, vector<1x32xf32>
    %get3A_13 = vector.shape_cast %get3A_12 : vector<1x32xf32> to vector<32xf32>
    %broadcast_in_dim3A_14 = vector.shape_cast %get3A_13 : vector<32xf32> to vector<32x1xf32>
    %add3A = vector.broadcast %broadcast_in_dim3A_14 : vector<32x1xf32> to vector<32x2048xf32>
    %add3A_15 = arith.addf %mul3A_9, %add3A : vector<32x2048xf32>
    %get3A_16 = arith.constant 0 : index
    %get3A_17 = arith.constant 0 : index
    %get3A_18 = arith.constant 0 : index
    %get3A_19 = vector.load %arg4[%get3A_16, %get3A_17, %get3A_18] : memref<13x32x32xf32, #tpu.memory_space<vmem>>, vector<1x32x32xf32>
    %get3A_20 = vector.shape_cast %get3A_19 : vector<1x32x32xf32> to vector<32x32xf32>
    %dot_general3A = arith.constant dense<0.000000e+00> : vector<32x2048xf32>
    %dot_general3A_21 = tpu.matmul %get3A_20, %add3A_15, %dot_general3A {dimension_numbers = #tpu.dot_dimension_numbers<[1], [0], [0], [1], [0, 0, 1, 1], [], []>, transpose_lhs_hint = false} : vector<32x32xf32>, vector<32x2048xf32>, vector<32x2048xf32> -> vector<32x2048xf32>
    %get3A_22 = arith.constant 0 : index
    %get3A_23 = arith.constant 0 : index
    %get3A_24 = vector.load %arg5[%get3A_22, %get3A_23] : memref<13x32xf32, #tpu.memory_space<vmem>>, vector<1x32xf32>
    %get3A_25 = vector.shape_cast %get3A_24 : vector<1x32xf32> to vector<32xf32>
    %broadcast_in_dim3A_26 = vector.shape_cast %get3A_25 : vector<32xf32> to vector<32x1xf32>
    %add3A_27 = vector.broadcast %broadcast_in_dim3A_26 : vector<32x1xf32> to vector<32x2048xf32>
    %add3A_28 = arith.addf %dot_general3A_21, %add3A_27 : vector<32x2048xf32>
    %tanh3A = math.tanh %add3A_28 : vector<32x2048xf32>
    %swap3A = arith.constant 0 : index
    %swap3A_29 = arith.constant 0 : index
    %swap3A_30 = arith.constant 0 : index
    %swap3A_31 = vector.load %arg6[%swap3A, %swap3A_29, %swap3A_30] : memref<13x32x2048xf32, #tpu.memory_space<vmem>>, vector<1x32x2048xf32>
    %swap3A_32 = vector.shape_cast %swap3A_31 : vector<1x32x2048xf32> to vector<32x2048xf32>
    %swap3A_33 = vector.shape_cast %tanh3A : vector<32x2048xf32> to vector<1x32x2048xf32>
    tpu.vector_store %arg6[%swap3A, %swap3A_29, %swap3A_30], %swap3A_33 {strides = array<i32>} : memref<13x32x2048xf32, #tpu.memory_space<vmem>>, vector<1x32x2048xf32>,
    %get3A_34 = arith.constant 1 : index
    %get3A_35 = arith.constant 0 : index
    %get3A_36 = vector.load %arg2[%get3A_34, %get3A_35] : memref<13x32xf32, #tpu.memory_space<vmem>>, vector<1x32xf32>
    %get3A_37 = vector.shape_cast %get3A_36 : vector<1x32xf32> to vector<32xf32>
    %broadcast_in_dim3A_38 = vector.shape_cast %get3A_37 : vector<32xf32> to vector<32x1xf32>
    %get3A_39 = arith.constant 1 : index
    %get3A_40 = arith.constant 0 : index
    %get3A_41 = vector.load %arg1[%get3A_39, %get3A_40] : memref<13x2048xf32, #tpu.memory_space<vmem>>, vector<1x2048xf32>
    %get3A_42 = vector.shape_cast %get3A_41 : vector<1x2048xf32> to vector<2048xf32>
    %broadcast_in_dim3A_43 = vector.shape_cast %get3A_42 : vector<2048xf32> to vector<1x2048xf32>
    %mul3A_44 = vector.broadcast %broadcast_in_dim3A_38 : vector<32x1xf32> to vector<32x2048xf32>
    %mul3A_45 = vector.broadcast %broadcast_in_dim3A_43 : vector<1x2048xf32> to vector<32x2048xf32>
    %mul3A_46 = arith.mulf %mul3A_44, %mul3A_45 : vector<32x2048xf32>
    %get3A_47 = arith.constant 1 : index
    %get3A_48 = arith.constant 0 : index
    %get3A_49 = vector.load %arg3[%get3A_47, %get3A_48] : memref<13x32xf32, #tpu.memory_space<vmem>>, vector<1x32xf32>
    %get3A_50 = vector.shape_cast %get3A_49 : vector<1x32xf32> to vector<32xf32>
    %broadcast_in_dim3A_51 = vector.shape_cast %get3A_50 : vector<32xf32> to vector<32x1xf32>
    %add3A_52 = vector.broadcast %broadcast_in_dim3A_51 : vector<32x1xf32> to vector<32x2048xf32>
    %add3A_53 = arith.addf %mul3A_46, %add3A_52 : vector<32x2048xf32>
    %get3A_54 = arith.constant 1 : index
    %get3A_55 = arith.constant 0 : index
    %get3A_56 = arith.constant 0 : index
    %get3A_57 = vector.load %arg4[%get3A_54, %get3A_55, %get3A_56] : memref<13x32x32xf32, #tpu.memory_space<vmem>>, vector<1x32x32xf32>
    %get3A_58 = vector.shape_cast %get3A_57 : vector<1x32x32xf32> to vector<32x32xf32>
    %dot_general3A_59 = arith.constant dense<0.000000e+00> : vector<32x2048xf32>
    %dot_general3A_60 = tpu.matmul %get3A_58, %add3A_53, %dot_general3A_59 {dimension_numbers = #tpu.dot_dimension_numbers<[1], [0], [0], [1], [0, 0, 1, 1], [], []>, transpose_lhs_hint = false} : vector<32x32xf32>, vector<32x2048xf32>, vector<32x2048xf32> -> vector<32x2048xf32>
    %get3A_61 = arith.constant 1 : index
    %get3A_62 = arith.constant 0 : index
    %get3A_63 = vector.load %arg5[%get3A_61, %get3A_62] : memref<13x32xf32, #tpu.memory_space<vmem>>, vector<1x32xf32>
    %get3A_64 = vector.shape_cast %get3A_63 : vector<1x32xf32> to vector<32xf32>
    %broadcast_in_dim3A_65 = vector.shape_cast %get3A_64 : vector<32xf32> to vector<32x1xf32>
    %add3A_66 = vector.broadcast %broadcast_in_dim3A_65 : vector<32x1xf32> to vector<32x2048xf32>
    %add3A_67 = arith.addf %dot_general3A_60, %add3A_66 : vector<32x2048xf32>
    %tanh3A_68 = math.tanh %add3A_67 : vector<32x2048xf32>
    %swap3A_69 = arith.constant 1 : index
    %swap3A_70 = arith.constant 0 : index
    %swap3A_71 = arith.constant 0 : index
    %swap3A_72 = vector.load %arg6[%swap3A_69, %swap3A_70, %swap3A_71] : memref<13x32x2048xf32, #tpu.memory_space<vmem>>, vector<1x32x2048xf32>
    %swap3A_73 = vector.shape_cast %swap3A_72 : vector<1x32x2048xf32> to vector<32x2048xf32>
    %swap3A_74 = vector.shape_cast %tanh3A_68 : vector<32x2048xf32> to vector<1x32x2048xf32>
    tpu.vector_store %arg6[%swap3A_69, %swap3A_70, %swap3A_71], %swap3A_74 {strides = array<i32>} : memref<13x32x2048xf32, #tpu.memory_space<vmem>>, vector<1x32x2048xf32>,
    %get3A_75 = arith.constant 2 : index
    %get3A_76 = arith.constant 0 : index
    %get3A_77 = vector.load %arg2[%get3A_75, %get3A_76] : memref<13x32xf32, #tpu.memory_space<vmem>>, vector<1x32xf32>
    %get3A_78 = vector.shape_cast %get3A_77 : vector<1x32xf32> to vector<32xf32>
    %broadcast_in_dim3A_79 = vector.shape_cast %get3A_78 : vector<32xf32> to vector<32x1xf32>
    %get3A_80 = arith.constant 2 : index
    %get3A_81 = arith.constant 0 : index
    %get3A_82 = vector.load %arg1[%get3A_80, %get3A_81] : memref<13x2048xf32, #tpu.memory_space<vmem>>, vector<1x2048xf32>
    %get3A_83 = vector.shape_cast %get3A_82 : vector<1x2048xf32> to vector<2048xf32>
    %broadcast_in_dim3A_84 = vector.shape_cast %get3A_83 : vector<2048xf32> to vector<1x2048xf32>
    %mul3A_85 = vector.broadcast %broadcast_in_dim3A_79 : vector<32x1xf32> to vector<32x2048xf32>
    %mul3A_86 = vector.broadcast %broadcast_in_dim3A_84 : vector<1x2048xf32> to vector<32x2048xf32>
    %mul3A_87 = arith.mulf %mul3A_85, %mul3A_86 : vector<32x2048xf32>
    %get3A_88 = arith.constant 2 : index
    %get3A_89 = arith.constant 0 : index
    %get3A_90 = vector.load %arg3[%get3A_88, %get3A_89] : memref<13x32xf32, #tpu.memory_space<vmem>>, vector<1x32xf32>
    %get3A_91 = vector.shape_cast %get3A_90 : vector<1x32xf32> to vector<32xf32>
    %broadcast_in_dim3A_92 = vector.shape_cast %get3A_91 : vector<32xf32> to vector<32x1xf32>
    %add3A_93 = vector.broadcast %broadcast_in_dim3A_92 : vector<32x1xf32> to vector<32x2048xf32>
    %add3A_94 = arith.addf %mul3A_87, %add3A_93 : vector<32x2048xf32>
    %get3A_95 = arith.constant 2 : index
    %get3A_96 = arith.constant 0 : index
    %get3A_97 = arith.constant 0 : index
    %get3A_98 = vector.load %arg4[%get3A_95, %get3A_96, %get3A_97] : memref<13x32x32xf32, #tpu.memory_space<vmem>>, vector<1x32x32xf32>
    %get3A_99 = vector.shape_cast %get3A_98 : vector<1x32x32xf32> to vector<32x32xf32>
    %dot_general3A_100 = arith.constant dense<0.000000e+00> : vector<32x2048xf32>
    %dot_general3A_101 = tpu.matmul %get3A_99, %add3A_94, %dot_general3A_100 {dimension_numbers = #tpu.dot_dimension_numbers<[1], [0], [0], [1], [0, 0, 1, 1], [], []>, transpose_lhs_hint = false} : vector<32x32xf32>, vector<32x2048xf32>, vector<32x2048xf32> -> vector<32x2048xf32>
    %get3A_102 = arith.constant 2 : index
    %get3A_103 = arith.constant 0 : index
    %get3A_104 = vector.load %arg5[%get3A_102, %get3A_103] : memref<13x32xf32, #tpu.memory_space<vmem>>, vector<1x32xf32>
    %get3A_105 = vector.shape_cast %get3A_104 : vector<1x32xf32> to vector<32xf32>
    %broadcast_in_dim3A_106 = vector.shape_cast %get3A_105 : vector<32xf32> to vector<32x1xf32>
    %add3A_107 = vector.broadcast %broadcast_in_dim3A_106 : vector<32x1xf32> to vector<32x2048xf32>
    %add3A_108 = arith.addf %dot_general3A_101, %add3A_107 : vector<32x2048xf32>
    %tanh3A_109 = math.tanh %add3A_108 : vector<32x2048xf32>
    %swap3A_110 = arith.constant 2 : index
    %swap3A_111 = arith.constant 0 : index
    %swap3A_112 = arith.constant 0 : index
    %swap3A_113 = vector.load %arg6[%swap3A_110, %swap3A_111, %swap3A_112] : memref<13x32x2048xf32, #tpu.memory_space<vmem>>, vector<1x32x2048xf32>
    %swap3A_114 = vector.shape_cast %swap3A_113 : vector<1x32x2048xf32> to vector<32x2048xf32>
    %swap3A_115 = vector.shape_cast %tanh3A_109 : vector<32x2048xf32> to vector<1x32x2048xf32>
    tpu.vector_store %arg6[%swap3A_110, %swap3A_111, %swap3A_112], %swap3A_115 {strides = array<i32>} : memref<13x32x2048xf32, #tpu.memory_space<vmem>>, vector<1x32x2048xf32>,
    %get3A_116 = arith.constant 3 : index
    %get3A_117 = arith.constant 0 : index
    %get3A_118 = vector.load %arg2[%get3A_116, %get3A_117] : memref<13x32xf32, #tpu.memory_space<vmem>>, vector<1x32xf32>
    %get3A_119 = vector.shape_cast %get3A_118 : vector<1x32xf32> to vector<32xf32>
    %broadcast_in_dim3A_120 = vector.shape_cast %get3A_119 : vector<32xf32> to vector<32x1xf32>
    %get3A_121 = arith.constant 3 : index
    %get3A_122 = arith.constant 0 : index
    %get3A_123 = vector.load %arg1[%get3A_121, %get3A_122] : memref<13x2048xf32, #tpu.memory_space<vmem>>, vector<1x2048xf32>
    %get3A_124 = vector.shape_cast %get3A_123 : vector<1x2048xf32> to vector<2048xf32>
    %broadcast_in_dim3A_125 = vector.shape_cast %get3A_124 : vector<2048xf32> to vector<1x2048xf32>
    %mul3A_126 = vector.broadcast %broadcast_in_dim3A_120 : vector<32x1xf32> to vector<32x2048xf32>
    %mul3A_127 = vector.broadcast %broadcast_in_dim3A_125 : vector<1x2048xf32> to vector<32x2048xf32>
    %mul3A_128 = arith.mulf %mul3A_126, %mul3A_127 : vector<32x2048xf32>
    %get3A_129 = arith.constant 3 : index
    %get3A_130 = arith.constant 0 : index
    %get3A_131 = vector.load %arg3[%get3A_129, %get3A_130] : memref<13x32xf32, #tpu.memory_space<vmem>>, vector<1x32xf32>
    %get3A_132 = vector.shape_cast %get3A_131 : vector<1x32xf32> to vector<32xf32>
    %broadcast_in_dim3A_133 = vector.shape_cast %get3A_132 : vector<32xf32> to vector<32x1xf32>
    %add3A_134 = vector.broadcast %broadcast_in_dim3A_133 : vector<32x1xf32> to vector<32x2048xf32>
    %add3A_135 = arith.addf %mul3A_128, %add3A_134 : vector<32x2048xf32>
    %get3A_136 = arith.constant 3 : index
    %get3A_137 = arith.constant 0 : index
    %get3A_138 = arith.constant 0 : index
    %get3A_139 = vector.load %arg4[%get3A_136, %get3A_137, %get3A_138] : memref<13x32x32xf32, #tpu.memory_space<vmem>>, vector<1x32x32xf32>
    %get3A_140 = vector.shape_cast %get3A_139 : vector<1x32x32xf32> to vector<32x32xf32>
    %dot_general3A_141 = arith.constant dense<0.000000e+00> : vector<32x2048xf32>
    %dot_general3A_142 = tpu.matmul %get3A_140, %add3A_135, %dot_general3A_141 {dimension_numbers = #tpu.dot_dimension_numbers<[1], [0], [0], [1], [0, 0, 1, 1], [], []>, transpose_lhs_hint = false} : vector<32x32xf32>, vector<32x2048xf32>, vector<32x2048xf32> -> vector<32x2048xf32>
    %get3A_143 = arith.constant 3 : index
    %get3A_144 = arith.constant 0 : index
    %get3A_145 = vector.load %arg5[%get3A_143, %get3A_144] : memref<13x32xf32, #tpu.memory_space<vmem>>, vector<1x32xf32>
    %get3A_146 = vector.shape_cast %get3A_145 : vector<1x32xf32> to vector<32xf32>
    %broadcast_in_dim3A_147 = vector.shape_cast %get3A_146 : vector<32xf32> to vector<32x1xf32>
    %add3A_148 = vector.broadcast %broadcast_in_dim3A_147 : vector<32x1xf32> to vector<32x2048xf32>
    %add3A_149 = arith.addf %dot_general3A_142, %add3A_148 : vector<32x2048xf32>
    %tanh3A_150 = math.tanh %add3A_149 : vector<32x2048xf32>
    %swap3A_151 = arith.constant 3 : index
    %swap3A_152 = arith.constant 0 : index
    %swap3A_153 = arith.constant 0 : index
    %swap3A_154 = vector.load %arg6[%swap3A_151, %swap3A_152, %swap3A_153] : memref<13x32x2048xf32, #tpu.memory_space<vmem>>, vector<1x32x2048xf32>
    %swap3A_155 = vector.shape_cast %swap3A_154 : vector<1x32x2048xf32> to vector<32x2048xf32>
    %swap3A_156 = vector.shape_cast %tanh3A_150 : vector<32x2048xf32> to vector<1x32x2048xf32>
    tpu.vector_store %arg6[%swap3A_151, %swap3A_152, %swap3A_153], %swap3A_156 {strides = array<i32>} : memref<13x32x2048xf32, #tpu.memory_space<vmem>>, vector<1x32x2048xf32>,
    %get3A_157 = arith.constant 4 : index
    %get3A_158 = arith.constant 0 : index
    %get3A_159 = vector.load %arg2[%get3A_157, %get3A_158] : memref<13x32xf32, #tpu.memory_space<vmem>>, vector<1x32xf32>
    %get3A_160 = vector.shape_cast %get3A_159 : vector<1x32xf32> to vector<32xf32>
    %broadcast_in_dim3A_161 = vector.shape_cast %get3A_160 : vector<32xf32> to vector<32x1xf32>
    %get3A_162 = arith.constant 4 : index
    %get3A_163 = arith.constant 0 : index
    %get3A_164 = vector.load %arg1[%get3A_162, %get3A_163] : memref<13x2048xf32, #tpu.memory_space<vmem>>, vector<1x2048xf32>
    %get3A_165 = vector.shape_cast %get3A_164 : vector<1x2048xf32> to vector<2048xf32>
    %broadcast_in_dim3A_166 = vector.shape_cast %get3A_165 : vector<2048xf32> to vector<1x2048xf32>
    %mul3A_167 = vector.broadcast %broadcast_in_dim3A_161 : vector<32x1xf32> to vector<32x2048xf32>
    %mul3A_168 = vector.broadcast %broadcast_in_dim3A_166 : vector<1x2048xf32> to vector<32x2048xf32>
    %mul3A_169 = arith.mulf %mul3A_167, %mul3A_168 : vector<32x2048xf32>
    %get3A_170 = arith.constant 4 : index
    %get3A_171 = arith.constant 0 : index
    %get3A_172 = vector.load %arg3[%get3A_170, %get3A_171] : memref<13x32xf32, #tpu.memory_space<vmem>>, vector<1x32xf32>
    %get3A_173 = vector.shape_cast %get3A_172 : vector<1x32xf32> to vector<32xf32>
    %broadcast_in_dim3A_174 = vector.shape_cast %get3A_173 : vector<32xf32> to vector<32x1xf32>
    %add3A_175 = vector.broadcast %broadcast_in_dim3A_174 : vector<32x1xf32> to vector<32x2048xf32>
    %add3A_176 = arith.addf %mul3A_169, %add3A_175 : vector<32x2048xf32>
    %get3A_177 = arith.constant 4 : index
    %get3A_178 = arith.constant 0 : index
    %get3A_179 = arith.constant 0 : index
    %get3A_180 = vector.load %arg4[%get3A_177, %get3A_178, %get3A_179] : memref<13x32x32xf32, #tpu.memory_space<vmem>>, vector<1x32x32xf32>
    %get3A_181 = vector.shape_cast %get3A_180 : vector<1x32x32xf32> to vector<32x32xf32>
    %dot_general3A_182 = arith.constant dense<0.000000e+00> : vector<32x2048xf32>
    %dot_general3A_183 = tpu.matmul %get3A_181, %add3A_176, %dot_general3A_182 {dimension_numbers = #tpu.dot_dimension_numbers<[1], [0], [0], [1], [0, 0, 1, 1], [], []>, transpose_lhs_hint = false} : vector<32x32xf32>, vector<32x2048xf32>, vector<32x2048xf32> -> vector<32x2048xf32>
    %get3A_184 = arith.constant 4 : index
    %get3A_185 = arith.constant 0 : index
    %get3A_186 = vector.load %arg5[%get3A_184, %get3A_185] : memref<13x32xf32, #tpu.memory_space<vmem>>, vector<1x32xf32>
    %get3A_187 = vector.shape_cast %get3A_186 : vector<1x32xf32> to vector<32xf32>
    %broadcast_in_dim3A_188 = vector.shape_cast %get3A_187 : vector<32xf32> to vector<32x1xf32>
    %add3A_189 = vector.broadcast %broadcast_in_dim3A_188 : vector<32x1xf32> to vector<32x2048xf32>
    %add3A_190 = arith.addf %dot_general3A_183, %add3A_189 : vector<32x2048xf32>
    %tanh3A_191 = math.tanh %add3A_190 : vector<32x2048xf32>
    %swap3A_192 = arith.constant 4 : index
    %swap3A_193 = arith.constant 0 : index
    %swap3A_194 = arith.constant 0 : index
    %swap3A_195 = vector.load %arg6[%swap3A_192, %swap3A_193, %swap3A_194] : memref<13x32x2048xf32, #tpu.memory_space<vmem>>, vector<1x32x2048xf32>
    %swap3A_196 = vector.shape_cast %swap3A_195 : vector<1x32x2048xf32> to vector<32x2048xf32>
    %swap3A_197 = vector.shape_cast %tanh3A_191 : vector<32x2048xf32> to vector<1x32x2048xf32>
    tpu.vector_store %arg6[%swap3A_192, %swap3A_193, %swap3A_194], %swap3A_197 {strides = array<i32>} : memref<13x32x2048xf32, #tpu.memory_space<vmem>>, vector<1x32x2048xf32>,
    %get3A_198 = arith.constant 5 : index
    %get3A_199 = arith.constant 0 : index
    %get3A_200 = vector.load %arg2[%get3A_198, %get3A_199] : memref<13x32xf32, #tpu.memory_space<vmem>>, vector<1x32xf32>
    %get3A_201 = vector.shape_cast %get3A_200 : vector<1x32xf32> to vector<32xf32>
    %broadcast_in_dim3A_202 = vector.shape_cast %get3A_201 : vector<32xf32> to vector<32x1xf32>
    %get3A_203 = arith.constant 5 : index
    %get3A_204 = arith.constant 0 : index
    %get3A_205 = vector.load %arg1[%get3A_203, %get3A_204] : memref<13x2048xf32, #tpu.memory_space<vmem>>, vector<1x2048xf32>
    %get3A_206 = vector.shape_cast %get3A_205 : vector<1x2048xf32> to vector<2048xf32>
    %broadcast_in_dim3A_207 = vector.shape_cast %get3A_206 : vector<2048xf32> to vector<1x2048xf32>
    %mul3A_208 = vector.broadcast %broadcast_in_dim3A_202 : vector<32x1xf32> to vector<32x2048xf32>
    %mul3A_209 = vector.broadcast %broadcast_in_dim3A_207 : vector<1x2048xf32> to vector<32x2048xf32>
    %mul3A_210 = arith.mulf %mul3A_208, %mul3A_209 : vector<32x2048xf32>
    %get3A_211 = arith.constant 5 : index
    %get3A_212 = arith.constant 0 : index
    %get3A_213 = vector.load %arg3[%get3A_211, %get3A_212] : memref<13x32xf32, #tpu.memory_space<vmem>>, vector<1x32xf32>
    %get3A_214 = vector.shape_cast %get3A_213 : vector<1x32xf32> to vector<32xf32>
    %broadcast_in_dim3A_215 = vector.shape_cast %get3A_214 : vector<32xf32> to vector<32x1xf32>
    %add3A_216 = vector.broadcast %broadcast_in_dim3A_215 : vector<32x1xf32> to vector<32x2048xf32>
    %add3A_217 = arith.addf %mul3A_210, %add3A_216 : vector<32x2048xf32>
    %get3A_218 = arith.constant 5 : index
    %get3A_219 = arith.constant 0 : index
    %get3A_220 = arith.constant 0 : index
    %get3A_221 = vector.load %arg4[%get3A_218, %get3A_219, %get3A_220] : memref<13x32x32xf32, #tpu.memory_space<vmem>>, vector<1x32x32xf32>
    %get3A_222 = vector.shape_cast %get3A_221 : vector<1x32x32xf32> to vector<32x32xf32>
    %dot_general3A_223 = arith.constant dense<0.000000e+00> : vector<32x2048xf32>
    %dot_general3A_224 = tpu.matmul %get3A_222, %add3A_217, %dot_general3A_223 {dimension_numbers = #tpu.dot_dimension_numbers<[1], [0], [0], [1], [0, 0, 1, 1], [], []>, transpose_lhs_hint = false} : vector<32x32xf32>, vector<32x2048xf32>, vector<32x2048xf32> -> vector<32x2048xf32>
    %get3A_225 = arith.constant 5 : index
    %get3A_226 = arith.constant 0 : index
    %get3A_227 = vector.load %arg5[%get3A_225, %get3A_226] : memref<13x32xf32, #tpu.memory_space<vmem>>, vector<1x32xf32>
    %get3A_228 = vector.shape_cast %get3A_227 : vector<1x32xf32> to vector<32xf32>
    %broadcast_in_dim3A_229 = vector.shape_cast %get3A_228 : vector<32xf32> to vector<32x1xf32>
    %add3A_230 = vector.broadcast %broadcast_in_dim3A_229 : vector<32x1xf32> to vector<32x2048xf32>
    %add3A_231 = arith.addf %dot_general3A_224, %add3A_230 : vector<32x2048xf32>
    %tanh3A_232 = math.tanh %add3A_231 : vector<32x2048xf32>
    %swap3A_233 = arith.constant 5 : index
    %swap3A_234 = arith.constant 0 : index
    %swap3A_235 = arith.constant 0 : index
    %swap3A_236 = vector.load %arg6[%swap3A_233, %swap3A_234, %swap3A_235] : memref<13x32x2048xf32, #tpu.memory_space<vmem>>, vector<1x32x2048xf32>
    %swap3A_237 = vector.shape_cast %swap3A_236 : vector<1x32x2048xf32> to vector<32x2048xf32>
    %swap3A_238 = vector.shape_cast %tanh3A_232 : vector<32x2048xf32> to vector<1x32x2048xf32>
    tpu.vector_store %arg6[%swap3A_233, %swap3A_234, %swap3A_235], %swap3A_238 {strides = array<i32>} : memref<13x32x2048xf32, #tpu.memory_space<vmem>>, vector<1x32x2048xf32>,
    %get3A_239 = arith.constant 6 : index
    %get3A_240 = arith.constant 0 : index
    %get3A_241 = vector.load %arg2[%get3A_239, %get3A_240] : memref<13x32xf32, #tpu.memory_space<vmem>>, vector<1x32xf32>
    %get3A_242 = vector.shape_cast %get3A_241 : vector<1x32xf32> to vector<32xf32>
    %broadcast_in_dim3A_243 = vector.shape_cast %get3A_242 : vector<32xf32> to vector<32x1xf32>
    %get3A_244 = arith.constant 6 : index
    %get3A_245 = arith.constant 0 : index
    %get3A_246 = vector.load %arg1[%get3A_244, %get3A_245] : memref<13x2048xf32, #tpu.memory_space<vmem>>, vector<1x2048xf32>
    %get3A_247 = vector.shape_cast %get3A_246 : vector<1x2048xf32> to vector<2048xf32>
    %broadcast_in_dim3A_248 = vector.shape_cast %get3A_247 : vector<2048xf32> to vector<1x2048xf32>
    %mul3A_249 = vector.broadcast %broadcast_in_dim3A_243 : vector<32x1xf32> to vector<32x2048xf32>
    %mul3A_250 = vector.broadcast %broadcast_in_dim3A_248 : vector<1x2048xf32> to vector<32x2048xf32>
    %mul3A_251 = arith.mulf %mul3A_249, %mul3A_250 : vector<32x2048xf32>
    %get3A_252 = arith.constant 6 : index
    %get3A_253 = arith.constant 0 : index
    %get3A_254 = vector.load %arg3[%get3A_252, %get3A_253] : memref<13x32xf32, #tpu.memory_space<vmem>>, vector<1x32xf32>
    %get3A_255 = vector.shape_cast %get3A_254 : vector<1x32xf32> to vector<32xf32>
    %broadcast_in_dim3A_256 = vector.shape_cast %get3A_255 : vector<32xf32> to vector<32x1xf32>
    %add3A_257 = vector.broadcast %broadcast_in_dim3A_256 : vector<32x1xf32> to vector<32x2048xf32>
    %add3A_258 = arith.addf %mul3A_251, %add3A_257 : vector<32x2048xf32>
    %get3A_259 = arith.constant 6 : index
    %get3A_260 = arith.constant 0 : index
    %get3A_261 = arith.constant 0 : index
    %get3A_262 = vector.load %arg4[%get3A_259, %get3A_260, %get3A_261] : memref<13x32x32xf32, #tpu.memory_space<vmem>>, vector<1x32x32xf32>
    %get3A_263 = vector.shape_cast %get3A_262 : vector<1x32x32xf32> to vector<32x32xf32>
    %dot_general3A_264 = arith.constant dense<0.000000e+00> : vector<32x2048xf32>
    %dot_general3A_265 = tpu.matmul %get3A_263, %add3A_258, %dot_general3A_264 {dimension_numbers = #tpu.dot_dimension_numbers<[1], [0], [0], [1], [0, 0, 1, 1], [], []>, transpose_lhs_hint = false} : vector<32x32xf32>, vector<32x2048xf32>, vector<32x2048xf32> -> vector<32x2048xf32>
    %get3A_266 = arith.constant 6 : index
    %get3A_267 = arith.constant 0 : index
    %get3A_268 = vector.load %arg5[%get3A_266, %get3A_267] : memref<13x32xf32, #tpu.memory_space<vmem>>, vector<1x32xf32>
    %get3A_269 = vector.shape_cast %get3A_268 : vector<1x32xf32> to vector<32xf32>
    %broadcast_in_dim3A_270 = vector.shape_cast %get3A_269 : vector<32xf32> to vector<32x1xf32>
    %add3A_271 = vector.broadcast %broadcast_in_dim3A_270 : vector<32x1xf32> to vector<32x2048xf32>
    %add3A_272 = arith.addf %dot_general3A_265, %add3A_271 : vector<32x2048xf32>
    %tanh3A_273 = math.tanh %add3A_272 : vector<32x2048xf32>
    %swap3A_274 = arith.constant 6 : index
    %swap3A_275 = arith.constant 0 : index
    %swap3A_276 = arith.constant 0 : index
    %swap3A_277 = vector.load %arg6[%swap3A_274, %swap3A_275, %swap3A_276] : memref<13x32x2048xf32, #tpu.memory_space<vmem>>, vector<1x32x2048xf32>
    %swap3A_278 = vector.shape_cast %swap3A_277 : vector<1x32x2048xf32> to vector<32x2048xf32>
    %swap3A_279 = vector.shape_cast %tanh3A_273 : vector<32x2048xf32> to vector<1x32x2048xf32>
    tpu.vector_store %arg6[%swap3A_274, %swap3A_275, %swap3A_276], %swap3A_279 {strides = array<i32>} : memref<13x32x2048xf32, #tpu.memory_space<vmem>>, vector<1x32x2048xf32>,
    %get3A_280 = arith.constant 7 : index
    %get3A_281 = arith.constant 0 : index
    %get3A_282 = vector.load %arg2[%get3A_280, %get3A_281] : memref<13x32xf32, #tpu.memory_space<vmem>>, vector<1x32xf32>
    %get3A_283 = vector.shape_cast %get3A_282 : vector<1x32xf32> to vector<32xf32>
    %broadcast_in_dim3A_284 = vector.shape_cast %get3A_283 : vector<32xf32> to vector<32x1xf32>
    %get3A_285 = arith.constant 7 : index
    %get3A_286 = arith.constant 0 : index
    %get3A_287 = vector.load %arg1[%get3A_285, %get3A_286] : memref<13x2048xf32, #tpu.memory_space<vmem>>, vector<1x2048xf32>
    %get3A_288 = vector.shape_cast %get3A_287 : vector<1x2048xf32> to vector<2048xf32>
    %broadcast_in_dim3A_289 = vector.shape_cast %get3A_288 : vector<2048xf32> to vector<1x2048xf32>
    %mul3A_290 = vector.broadcast %broadcast_in_dim3A_284 : vector<32x1xf32> to vector<32x2048xf32>
    %mul3A_291 = vector.broadcast %broadcast_in_dim3A_289 : vector<1x2048xf32> to vector<32x2048xf32>
    %mul3A_292 = arith.mulf %mul3A_290, %mul3A_291 : vector<32x2048xf32>
    %get3A_293 = arith.constant 7 : index
    %get3A_294 = arith.constant 0 : index
    %get3A_295 = vector.load %arg3[%get3A_293, %get3A_294] : memref<13x32xf32, #tpu.memory_space<vmem>>, vector<1x32xf32>
    %get3A_296 = vector.shape_cast %get3A_295 : vector<1x32xf32> to vector<32xf32>
    %broadcast_in_dim3A_297 = vector.shape_cast %get3A_296 : vector<32xf32> to vector<32x1xf32>
    %add3A_298 = vector.broadcast %broadcast_in_dim3A_297 : vector<32x1xf32> to vector<32x2048xf32>
    %add3A_299 = arith.addf %mul3A_292, %add3A_298 : vector<32x2048xf32>
    %get3A_300 = arith.constant 7 : index
    %get3A_301 = arith.constant 0 : index
    %get3A_302 = arith.constant 0 : index
    %get3A_303 = vector.load %arg4[%get3A_300, %get3A_301, %get3A_302] : memref<13x32x32xf32, #tpu.memory_space<vmem>>, vector<1x32x32xf32>
    %get3A_304 = vector.shape_cast %get3A_303 : vector<1x32x32xf32> to vector<32x32xf32>
    %dot_general3A_305 = arith.constant dense<0.000000e+00> : vector<32x2048xf32>
    %dot_general3A_306 = tpu.matmul %get3A_304, %add3A_299, %dot_general3A_305 {dimension_numbers = #tpu.dot_dimension_numbers<[1], [0], [0], [1], [0, 0, 1, 1], [], []>, transpose_lhs_hint = false} : vector<32x32xf32>, vector<32x2048xf32>, vector<32x2048xf32> -> vector<32x2048xf32>
    %get3A_307 = arith.constant 7 : index
    %get3A_308 = arith.constant 0 : index
    %get3A_309 = vector.load %arg5[%get3A_307, %get3A_308] : memref<13x32xf32, #tpu.memory_space<vmem>>, vector<1x32xf32>
    %get3A_310 = vector.shape_cast %get3A_309 : vector<1x32xf32> to vector<32xf32>
    %broadcast_in_dim3A_311 = vector.shape_cast %get3A_310 : vector<32xf32> to vector<32x1xf32>
    %add3A_312 = vector.broadcast %broadcast_in_dim3A_311 : vector<32x1xf32> to vector<32x2048xf32>
    %add3A_313 = arith.addf %dot_general3A_306, %add3A_312 : vector<32x2048xf32>
    %tanh3A_314 = math.tanh %add3A_313 : vector<32x2048xf32>
    %swap3A_315 = arith.constant 7 : index
    %swap3A_316 = arith.constant 0 : index
    %swap3A_317 = arith.constant 0 : index
    %swap3A_318 = vector.load %arg6[%swap3A_315, %swap3A_316, %swap3A_317] : memref<13x32x2048xf32, #tpu.memory_space<vmem>>, vector<1x32x2048xf32>
    %swap3A_319 = vector.shape_cast %swap3A_318 : vector<1x32x2048xf32> to vector<32x2048xf32>
    %swap3A_320 = vector.shape_cast %tanh3A_314 : vector<32x2048xf32> to vector<1x32x2048xf32>
    tpu.vector_store %arg6[%swap3A_315, %swap3A_316, %swap3A_317], %swap3A_320 {strides = array<i32>} : memref<13x32x2048xf32, #tpu.memory_space<vmem>>, vector<1x32x2048xf32>,
    %get3A_321 = arith.constant 8 : index
    %get3A_322 = arith.constant 0 : index
    %get3A_323 = vector.load %arg2[%get3A_321, %get3A_322] : memref<13x32xf32, #tpu.memory_space<vmem>>, vector<1x32xf32>
    %get3A_324 = vector.shape_cast %get3A_323 : vector<1x32xf32> to vector<32xf32>
    %broadcast_in_dim3A_325 = vector.shape_cast %get3A_324 : vector<32xf32> to vector<32x1xf32>
    %get3A_326 = arith.constant 8 : index
    %get3A_327 = arith.constant 0 : index
    %get3A_328 = vector.load %arg1[%get3A_326, %get3A_327] : memref<13x2048xf32, #tpu.memory_space<vmem>>, vector<1x2048xf32>
    %get3A_329 = vector.shape_cast %get3A_328 : vector<1x2048xf32> to vector<2048xf32>
    %broadcast_in_dim3A_330 = vector.shape_cast %get3A_329 : vector<2048xf32> to vector<1x2048xf32>
    %mul3A_331 = vector.broadcast %broadcast_in_dim3A_325 : vector<32x1xf32> to vector<32x2048xf32>
    %mul3A_332 = vector.broadcast %broadcast_in_dim3A_330 : vector<1x2048xf32> to vector<32x2048xf32>
    %mul3A_333 = arith.mulf %mul3A_331, %mul3A_332 : vector<32x2048xf32>
    %get3A_334 = arith.constant 8 : index
    %get3A_335 = arith.constant 0 : index
    %get3A_336 = vector.load %arg3[%get3A_334, %get3A_335] : memref<13x32xf32, #tpu.memory_space<vmem>>, vector<1x32xf32>
    %get3A_337 = vector.shape_cast %get3A_336 : vector<1x32xf32> to vector<32xf32>
    %broadcast_in_dim3A_338 = vector.shape_cast %get3A_337 : vector<32xf32> to vector<32x1xf32>
    %add3A_339 = vector.broadcast %broadcast_in_dim3A_338 : vector<32x1xf32> to vector<32x2048xf32>
    %add3A_340 = arith.addf %mul3A_333, %add3A_339 : vector<32x2048xf32>
    %get3A_341 = arith.constant 8 : index
    %get3A_342 = arith.constant 0 : index
    %get3A_343 = arith.constant 0 : index
    %get3A_344 = vector.load %arg4[%get3A_341, %get3A_342, %get3A_343] : memref<13x32x32xf32, #tpu.memory_space<vmem>>, vector<1x32x32xf32>
    %get3A_345 = vector.shape_cast %get3A_344 : vector<1x32x32xf32> to vector<32x32xf32>
    %dot_general3A_346 = arith.constant dense<0.000000e+00> : vector<32x2048xf32>
    %dot_general3A_347 = tpu.matmul %get3A_345, %add3A_340, %dot_general3A_346 {dimension_numbers = #tpu.dot_dimension_numbers<[1], [0], [0], [1], [0, 0, 1, 1], [], []>, transpose_lhs_hint = false} : vector<32x32xf32>, vector<32x2048xf32>, vector<32x2048xf32> -> vector<32x2048xf32>
    %get3A_348 = arith.constant 8 : index
    %get3A_349 = arith.constant 0 : index
    %get3A_350 = vector.load %arg5[%get3A_348, %get3A_349] : memref<13x32xf32, #tpu.memory_space<vmem>>, vector<1x32xf32>
    %get3A_351 = vector.shape_cast %get3A_350 : vector<1x32xf32> to vector<32xf32>
    %broadcast_in_dim3A_352 = vector.shape_cast %get3A_351 : vector<32xf32> to vector<32x1xf32>
    %add3A_353 = vector.broadcast %broadcast_in_dim3A_352 : vector<32x1xf32> to vector<32x2048xf32>
    %add3A_354 = arith.addf %dot_general3A_347, %add3A_353 : vector<32x2048xf32>
    %tanh3A_355 = math.tanh %add3A_354 : vector<32x2048xf32>
    %swap3A_356 = arith.constant 8 : index
    %swap3A_357 = arith.constant 0 : index
    %swap3A_358 = arith.constant 0 : index
    %swap3A_359 = vector.load %arg6[%swap3A_356, %swap3A_357, %swap3A_358] : memref<13x32x2048xf32, #tpu.memory_space<vmem>>, vector<1x32x2048xf32>
    %swap3A_360 = vector.shape_cast %swap3A_359 : vector<1x32x2048xf32> to vector<32x2048xf32>
    %swap3A_361 = vector.shape_cast %tanh3A_355 : vector<32x2048xf32> to vector<1x32x2048xf32>
    tpu.vector_store %arg6[%swap3A_356, %swap3A_357, %swap3A_358], %swap3A_361 {strides = array<i32>} : memref<13x32x2048xf32, #tpu.memory_space<vmem>>, vector<1x32x2048xf32>,
    %get3A_362 = arith.constant 9 : index
    %get3A_363 = arith.constant 0 : index
    %get3A_364 = vector.load %arg2[%get3A_362, %get3A_363] : memref<13x32xf32, #tpu.memory_space<vmem>>, vector<1x32xf32>
    %get3A_365 = vector.shape_cast %get3A_364 : vector<1x32xf32> to vector<32xf32>
    %broadcast_in_dim3A_366 = vector.shape_cast %get3A_365 : vector<32xf32> to vector<32x1xf32>
    %get3A_367 = arith.constant 9 : index
    %get3A_368 = arith.constant 0 : index
    %get3A_369 = vector.load %arg1[%get3A_367, %get3A_368] : memref<13x2048xf32, #tpu.memory_space<vmem>>, vector<1x2048xf32>
    %get3A_370 = vector.shape_cast %get3A_369 : vector<1x2048xf32> to vector<2048xf32>
    %broadcast_in_dim3A_371 = vector.shape_cast %get3A_370 : vector<2048xf32> to vector<1x2048xf32>
    %mul3A_372 = vector.broadcast %broadcast_in_dim3A_366 : vector<32x1xf32> to vector<32x2048xf32>
    %mul3A_373 = vector.broadcast %broadcast_in_dim3A_371 : vector<1x2048xf32> to vector<32x2048xf32>
    %mul3A_374 = arith.mulf %mul3A_372, %mul3A_373 : vector<32x2048xf32>
    %get3A_375 = arith.constant 9 : index
    %get3A_376 = arith.constant 0 : index
    %get3A_377 = vector.load %arg3[%get3A_375, %get3A_376] : memref<13x32xf32, #tpu.memory_space<vmem>>, vector<1x32xf32>
    %get3A_378 = vector.shape_cast %get3A_377 : vector<1x32xf32> to vector<32xf32>
    %broadcast_in_dim3A_379 = vector.shape_cast %get3A_378 : vector<32xf32> to vector<32x1xf32>
    %add3A_380 = vector.broadcast %broadcast_in_dim3A_379 : vector<32x1xf32> to vector<32x2048xf32>
    %add3A_381 = arith.addf %mul3A_374, %add3A_380 : vector<32x2048xf32>
    %get3A_382 = arith.constant 9 : index
    %get3A_383 = arith.constant 0 : index
    %get3A_384 = arith.constant 0 : index
    %get3A_385 = vector.load %arg4[%get3A_382, %get3A_383, %get3A_384] : memref<13x32x32xf32, #tpu.memory_space<vmem>>, vector<1x32x32xf32>
    %get3A_386 = vector.shape_cast %get3A_385 : vector<1x32x32xf32> to vector<32x32xf32>
    %dot_general3A_387 = arith.constant dense<0.000000e+00> : vector<32x2048xf32>
    %dot_general3A_388 = tpu.matmul %get3A_386, %add3A_381, %dot_general3A_387 {dimension_numbers = #tpu.dot_dimension_numbers<[1], [0], [0], [1], [0, 0, 1, 1], [], []>, transpose_lhs_hint = false} : vector<32x32xf32>, vector<32x2048xf32>, vector<32x2048xf32> -> vector<32x2048xf32>
    %get3A_389 = arith.constant 9 : index
    %get3A_390 = arith.constant 0 : index
    %get3A_391 = vector.load %arg5[%get3A_389, %get3A_390] : memref<13x32xf32, #tpu.memory_space<vmem>>, vector<1x32xf32>
    %get3A_392 = vector.shape_cast %get3A_391 : vector<1x32xf32> to vector<32xf32>
    %broadcast_in_dim3A_393 = vector.shape_cast %get3A_392 : vector<32xf32> to vector<32x1xf32>
    %add3A_394 = vector.broadcast %broadcast_in_dim3A_393 : vector<32x1xf32> to vector<32x2048xf32>
    %add3A_395 = arith.addf %dot_general3A_388, %add3A_394 : vector<32x2048xf32>
    %tanh3A_396 = math.tanh %add3A_395 : vector<32x2048xf32>
    %swap3A_397 = arith.constant 9 : index
    %swap3A_398 = arith.constant 0 : index
    %swap3A_399 = arith.constant 0 : index
    %swap3A_400 = vector.load %arg6[%swap3A_397, %swap3A_398, %swap3A_399] : memref<13x32x2048xf32, #tpu.memory_space<vmem>>, vector<1x32x2048xf32>
    %swap3A_401 = vector.shape_cast %swap3A_400 : vector<1x32x2048xf32> to vector<32x2048xf32>
    %swap3A_402 = vector.shape_cast %tanh3A_396 : vector<32x2048xf32> to vector<1x32x2048xf32>
    tpu.vector_store %arg6[%swap3A_397, %swap3A_398, %swap3A_399], %swap3A_402 {strides = array<i32>} : memref<13x32x2048xf32, #tpu.memory_space<vmem>>, vector<1x32x2048xf32>,
    %get3A_403 = arith.constant 10 : index
    %get3A_404 = arith.constant 0 : index
    %get3A_405 = vector.load %arg2[%get3A_403, %get3A_404] : memref<13x32xf32, #tpu.memory_space<vmem>>, vector<1x32xf32>
    %get3A_406 = vector.shape_cast %get3A_405 : vector<1x32xf32> to vector<32xf32>
    %broadcast_in_dim3A_407 = vector.shape_cast %get3A_406 : vector<32xf32> to vector<32x1xf32>
    %get3A_408 = arith.constant 10 : index
    %get3A_409 = arith.constant 0 : index
    %get3A_410 = vector.load %arg1[%get3A_408, %get3A_409] : memref<13x2048xf32, #tpu.memory_space<vmem>>, vector<1x2048xf32>
    %get3A_411 = vector.shape_cast %get3A_410 : vector<1x2048xf32> to vector<2048xf32>
    %broadcast_in_dim3A_412 = vector.shape_cast %get3A_411 : vector<2048xf32> to vector<1x2048xf32>
    %mul3A_413 = vector.broadcast %broadcast_in_dim3A_407 : vector<32x1xf32> to vector<32x2048xf32>
    %mul3A_414 = vector.broadcast %broadcast_in_dim3A_412 : vector<1x2048xf32> to vector<32x2048xf32>
    %mul3A_415 = arith.mulf %mul3A_413, %mul3A_414 : vector<32x2048xf32>
    %get3A_416 = arith.constant 10 : index
    %get3A_417 = arith.constant 0 : index
    %get3A_418 = vector.load %arg3[%get3A_416, %get3A_417] : memref<13x32xf32, #tpu.memory_space<vmem>>, vector<1x32xf32>
    %get3A_419 = vector.shape_cast %get3A_418 : vector<1x32xf32> to vector<32xf32>
    %broadcast_in_dim3A_420 = vector.shape_cast %get3A_419 : vector<32xf32> to vector<32x1xf32>
    %add3A_421 = vector.broadcast %broadcast_in_dim3A_420 : vector<32x1xf32> to vector<32x2048xf32>
    %add3A_422 = arith.addf %mul3A_415, %add3A_421 : vector<32x2048xf32>
    %get3A_423 = arith.constant 10 : index
    %get3A_424 = arith.constant 0 : index
    %get3A_425 = arith.constant 0 : index
    %get3A_426 = vector.load %arg4[%get3A_423, %get3A_424, %get3A_425] : memref<13x32x32xf32, #tpu.memory_space<vmem>>, vector<1x32x32xf32>
    %get3A_427 = vector.shape_cast %get3A_426 : vector<1x32x32xf32> to vector<32x32xf32>
    %dot_general3A_428 = arith.constant dense<0.000000e+00> : vector<32x2048xf32>
    %dot_general3A_429 = tpu.matmul %get3A_427, %add3A_422, %dot_general3A_428 {dimension_numbers = #tpu.dot_dimension_numbers<[1], [0], [0], [1], [0, 0, 1, 1], [], []>, transpose_lhs_hint = false} : vector<32x32xf32>, vector<32x2048xf32>, vector<32x2048xf32> -> vector<32x2048xf32>
    %get3A_430 = arith.constant 10 : index
    %get3A_431 = arith.constant 0 : index
    %get3A_432 = vector.load %arg5[%get3A_430, %get3A_431] : memref<13x32xf32, #tpu.memory_space<vmem>>, vector<1x32xf32>
    %get3A_433 = vector.shape_cast %get3A_432 : vector<1x32xf32> to vector<32xf32>
    %broadcast_in_dim3A_434 = vector.shape_cast %get3A_433 : vector<32xf32> to vector<32x1xf32>
    %add3A_435 = vector.broadcast %broadcast_in_dim3A_434 : vector<32x1xf32> to vector<32x2048xf32>
    %add3A_436 = arith.addf %dot_general3A_429, %add3A_435 : vector<32x2048xf32>
    %tanh3A_437 = math.tanh %add3A_436 : vector<32x2048xf32>
    %swap3A_438 = arith.constant 10 : index
    %swap3A_439 = arith.constant 0 : index
    %swap3A_440 = arith.constant 0 : index
    %swap3A_441 = vector.load %arg6[%swap3A_438, %swap3A_439, %swap3A_440] : memref<13x32x2048xf32, #tpu.memory_space<vmem>>, vector<1x32x2048xf32>
    %swap3A_442 = vector.shape_cast %swap3A_441 : vector<1x32x2048xf32> to vector<32x2048xf32>
    %swap3A_443 = vector.shape_cast %tanh3A_437 : vector<32x2048xf32> to vector<1x32x2048xf32>
    tpu.vector_store %arg6[%swap3A_438, %swap3A_439, %swap3A_440], %swap3A_443 {strides = array<i32>} : memref<13x32x2048xf32, #tpu.memory_space<vmem>>, vector<1x32x2048xf32>,
    %get3A_444 = arith.constant 11 : index
    %get3A_445 = arith.constant 0 : index
    %get3A_446 = vector.load %arg2[%get3A_444, %get3A_445] : memref<13x32xf32, #tpu.memory_space<vmem>>, vector<1x32xf32>
    %get3A_447 = vector.shape_cast %get3A_446 : vector<1x32xf32> to vector<32xf32>
    %broadcast_in_dim3A_448 = vector.shape_cast %get3A_447 : vector<32xf32> to vector<32x1xf32>
    %get3A_449 = arith.constant 11 : index
    %get3A_450 = arith.constant 0 : index
    %get3A_451 = vector.load %arg1[%get3A_449, %get3A_450] : memref<13x2048xf32, #tpu.memory_space<vmem>>, vector<1x2048xf32>
    %get3A_452 = vector.shape_cast %get3A_451 : vector<1x2048xf32> to vector<2048xf32>
    %broadcast_in_dim3A_453 = vector.shape_cast %get3A_452 : vector<2048xf32> to vector<1x2048xf32>
    %mul3A_454 = vector.broadcast %broadcast_in_dim3A_448 : vector<32x1xf32> to vector<32x2048xf32>
    %mul3A_455 = vector.broadcast %broadcast_in_dim3A_453 : vector<1x2048xf32> to vector<32x2048xf32>
    %mul3A_456 = arith.mulf %mul3A_454, %mul3A_455 : vector<32x2048xf32>
    %get3A_457 = arith.constant 11 : index
    %get3A_458 = arith.constant 0 : index
    %get3A_459 = vector.load %arg3[%get3A_457, %get3A_458] : memref<13x32xf32, #tpu.memory_space<vmem>>, vector<1x32xf32>
    %get3A_460 = vector.shape_cast %get3A_459 : vector<1x32xf32> to vector<32xf32>
    %broadcast_in_dim3A_461 = vector.shape_cast %get3A_460 : vector<32xf32> to vector<32x1xf32>
    %add3A_462 = vector.broadcast %broadcast_in_dim3A_461 : vector<32x1xf32> to vector<32x2048xf32>
    %add3A_463 = arith.addf %mul3A_456, %add3A_462 : vector<32x2048xf32>
    %get3A_464 = arith.constant 11 : index
    %get3A_465 = arith.constant 0 : index
    %get3A_466 = arith.constant 0 : index
    %get3A_467 = vector.load %arg4[%get3A_464, %get3A_465, %get3A_466] : memref<13x32x32xf32, #tpu.memory_space<vmem>>, vector<1x32x32xf32>
    %get3A_468 = vector.shape_cast %get3A_467 : vector<1x32x32xf32> to vector<32x32xf32>
    %dot_general3A_469 = arith.constant dense<0.000000e+00> : vector<32x2048xf32>
    %dot_general3A_470 = tpu.matmul %get3A_468, %add3A_463, %dot_general3A_469 {dimension_numbers = #tpu.dot_dimension_numbers<[1], [0], [0], [1], [0, 0, 1, 1], [], []>, transpose_lhs_hint = false} : vector<32x32xf32>, vector<32x2048xf32>, vector<32x2048xf32> -> vector<32x2048xf32>
    %get3A_471 = arith.constant 11 : index
    %get3A_472 = arith.constant 0 : index
    %get3A_473 = vector.load %arg5[%get3A_471, %get3A_472] : memref<13x32xf32, #tpu.memory_space<vmem>>, vector<1x32xf32>
    %get3A_474 = vector.shape_cast %get3A_473 : vector<1x32xf32> to vector<32xf32>
    %broadcast_in_dim3A_475 = vector.shape_cast %get3A_474 : vector<32xf32> to vector<32x1xf32>
    %add3A_476 = vector.broadcast %broadcast_in_dim3A_475 : vector<32x1xf32> to vector<32x2048xf32>
    %add3A_477 = arith.addf %dot_general3A_470, %add3A_476 : vector<32x2048xf32>
    %tanh3A_478 = math.tanh %add3A_477 : vector<32x2048xf32>
    %swap3A_479 = arith.constant 11 : index
    %swap3A_480 = arith.constant 0 : index
    %swap3A_481 = arith.constant 0 : index
    %swap3A_482 = vector.load %arg6[%swap3A_479, %swap3A_480, %swap3A_481] : memref<13x32x2048xf32, #tpu.memory_space<vmem>>, vector<1x32x2048xf32>
    %swap3A_483 = vector.shape_cast %swap3A_482 : vector<1x32x2048xf32> to vector<32x2048xf32>
    %swap3A_484 = vector.shape_cast %tanh3A_478 : vector<32x2048xf32> to vector<1x32x2048xf32>
    tpu.vector_store %arg6[%swap3A_479, %swap3A_480, %swap3A_481], %swap3A_484 {strides = array<i32>} : memref<13x32x2048xf32, #tpu.memory_space<vmem>>, vector<1x32x2048xf32>,
    %get3A_485 = arith.constant 12 : index
    %get3A_486 = arith.constant 0 : index
    %get3A_487 = vector.load %arg2[%get3A_485, %get3A_486] : memref<13x32xf32, #tpu.memory_space<vmem>>, vector<1x32xf32>
    %get3A_488 = vector.shape_cast %get3A_487 : vector<1x32xf32> to vector<32xf32>
    %broadcast_in_dim3A_489 = vector.shape_cast %get3A_488 : vector<32xf32> to vector<32x1xf32>
    %get3A_490 = arith.constant 12 : index
    %get3A_491 = arith.constant 0 : index
    %get3A_492 = vector.load %arg1[%get3A_490, %get3A_491] : memref<13x2048xf32, #tpu.memory_space<vmem>>, vector<1x2048xf32>
    %get3A_493 = vector.shape_cast %get3A_492 : vector<1x2048xf32> to vector<2048xf32>
    %broadcast_in_dim3A_494 = vector.shape_cast %get3A_493 : vector<2048xf32> to vector<1x2048xf32>
    %mul3A_495 = vector.broadcast %broadcast_in_dim3A_489 : vector<32x1xf32> to vector<32x2048xf32>
    %mul3A_496 = vector.broadcast %broadcast_in_dim3A_494 : vector<1x2048xf32> to vector<32x2048xf32>
    %mul3A_497 = arith.mulf %mul3A_495, %mul3A_496 : vector<32x2048xf32>
    %get3A_498 = arith.constant 12 : index
    %get3A_499 = arith.constant 0 : index
    %get3A_500 = vector.load %arg3[%get3A_498, %get3A_499] : memref<13x32xf32, #tpu.memory_space<vmem>>, vector<1x32xf32>
    %get3A_501 = vector.shape_cast %get3A_500 : vector<1x32xf32> to vector<32xf32>
    %broadcast_in_dim3A_502 = vector.shape_cast %get3A_501 : vector<32xf32> to vector<32x1xf32>
    %add3A_503 = vector.broadcast %broadcast_in_dim3A_502 : vector<32x1xf32> to vector<32x2048xf32>
    %add3A_504 = arith.addf %mul3A_497, %add3A_503 : vector<32x2048xf32>
    %get3A_505 = arith.constant 12 : index
    %get3A_506 = arith.constant 0 : index
    %get3A_507 = arith.constant 0 : index
    %get3A_508 = vector.load %arg4[%get3A_505, %get3A_506, %get3A_507] : memref<13x32x32xf32, #tpu.memory_space<vmem>>, vector<1x32x32xf32>
    %get3A_509 = vector.shape_cast %get3A_508 : vector<1x32x32xf32> to vector<32x32xf32>
    %dot_general3A_510 = arith.constant dense<0.000000e+00> : vector<32x2048xf32>
    %dot_general3A_511 = tpu.matmul %get3A_509, %add3A_504, %dot_general3A_510 {dimension_numbers = #tpu.dot_dimension_numbers<[1], [0], [0], [1], [0, 0, 1, 1], [], []>, transpose_lhs_hint = false} : vector<32x32xf32>, vector<32x2048xf32>, vector<32x2048xf32> -> vector<32x2048xf32>
    %get3A_512 = arith.constant 12 : index
    %get3A_513 = arith.constant 0 : index
    %get3A_514 = vector.load %arg5[%get3A_512, %get3A_513] : memref<13x32xf32, #tpu.memory_space<vmem>>, vector<1x32xf32>
    %get3A_515 = vector.shape_cast %get3A_514 : vector<1x32xf32> to vector<32xf32>
    %broadcast_in_dim3A_516 = vector.shape_cast %get3A_515 : vector<32xf32> to vector<32x1xf32>
    %add3A_517 = vector.broadcast %broadcast_in_dim3A_516 : vector<32x1xf32> to vector<32x2048xf32>
    %add3A_518 = arith.addf %dot_general3A_511, %add3A_517 : vector<32x2048xf32>
    %tanh3A_519 = math.tanh %add3A_518 : vector<32x2048xf32>
    %swap3A_520 = arith.constant 12 : index
    %swap3A_521 = arith.constant 0 : index
    %swap3A_522 = arith.constant 0 : index
    %swap3A_523 = vector.load %arg6[%swap3A_520, %swap3A_521, %swap3A_522] : memref<13x32x2048xf32, #tpu.memory_space<vmem>>, vector<1x32x2048xf32>
    %swap3A_524 = vector.shape_cast %swap3A_523 : vector<1x32x2048xf32> to vector<32x2048xf32>
    %swap3A_525 = vector.shape_cast %tanh3A_519 : vector<32x2048xf32> to vector<1x32x2048xf32>
    tpu.vector_store %arg6[%swap3A_520, %swap3A_521, %swap3A_522], %swap3A_525 {strides = array<i32>} : memref<13x32x2048xf32, #tpu.memory_space<vmem>>, vector<1x32x2048xf32>,
    return
  }
  func.func @transform_0(%arg0: i32) -> (i32, i32) {
    %c0_i32 = arith.constant 0 : i32
    %c0_i32_0 = arith.constant 0 : i32
    return %c0_i32, %arg0 : i32, i32
  }
  func.func @transform_1(%arg0: i32) -> (i32, i32) {
    %c0_i32 = arith.constant 0 : i32
    %c0_i32_0 = arith.constant 0 : i32
    %c0_i32_1 = arith.constant 0 : i32
    return %c0_i32, %c0_i32_0 : i32, i32
  }
  func.func @transform_2(%arg0: i32) -> (i32, i32) {
    %c0_i32 = arith.constant 0 : i32
    %c0_i32_0 = arith.constant 0 : i32
    %c0_i32_1 = arith.constant 0 : i32
    return %c0_i32, %c0_i32_0 : i32, i32
  }
  func.func @transform_3(%arg0: i32) -> (i32, i32, i32) {
    %c0_i32 = arith.constant 0 : i32
    %c0_i32_0 = arith.constant 0 : i32
    %c0_i32_1 = arith.constant 0 : i32
    %c0_i32_2 = arith.constant 0 : i32
    return %c0_i32, %c0_i32_0, %c0_i32_1 : i32, i32, i32
  }
  func.func @transform_4(%arg0: i32) -> (i32, i32) {
    %c0_i32 = arith.constant 0 : i32
    %c0_i32_0 = arith.constant 0 : i32
    %c0_i32_1 = arith.constant 0 : i32
    return %c0_i32, %c0_i32_0 : i32, i32
  }
  func.func @transform_5(%arg0: i32) -> (i32, i32, i32) {
    %c0_i32 = arith.constant 0 : i32
    %c0_i32_0 = arith.constant 0 : i32
    %c0_i32_1 = arith.constant 0 : i32
    return %c0_i32, %c0_i32_0, %arg0 : i32, i32, i32
  }
}

</mosaic_0001>

<sc_bundles>
// kernel: kernel.4.cloned.1.call-start
scs
__scs_entry_jumppad:
0x0: {  	(pc) =	sbr.rel $0x88, $3  }
0x1: {  	(tag) =	ssettag $0x0;
	lr =	simm.s32 $0x1  }
0x2: {  	[smem:$0x3F98] =	sst lr;
	_ =	strace $0xD0000000  }
0x3: {  	_ = 	snop  }
0x4: {  	_ = 	snop  }
0x5: {  	_ = 	snop  }
0x6: {  	_ = 	snop  }
0x7: {  	_ = 	snop  }
__scs_overlays_trampoline_lowered:
0x8: {  	[smem:$0x3FA7] =	sst s0  }
0x9: {  	[smem:$0x3FA8] =	sst s1  }
0xa: {  	[smem:$0x3FA9] =	sst s2  }
0xb: {  	[smem:$0x3FAA] =	sst s3  }
0xc: {  	[smem:$0x3FAB] =	sst s4  }
0xd: {  	[smem:$0x3FAC] =	sst s5  }
0xe: {  	[smem:$0x3FAD] =	sst s6  }
0xf: {  	[smem:$0x3FAE] =	sst s7  }
0x10: {  	[smem:$0x3FAF] =	sst s8  }
0x11: {  	[smem:$0x3FB0] =	sst s9;
	s0 =	simm.s32 @!p0 $0x0  }
0x12: {  	s1 =	sld [smem:$0x3F96];
	s0 =	simm.s32 @p0 $0x1  }
0x13: {  	[smem:$0x3FB1] =	sst s0;
	s0 =	simm.s32 @!p1 $0x0  }
0x14: {  	s2 =	sld [smem:$0x3F95];
	s0 =	simm.s32 @p1 $0x1  }
0x15: {  	[smem:$0x3FB2] =	sst s0;
	s0 =	simm.s32 @!p2 $0x0  }
0x16: {  	s3 =	sld [smem:$0x3FDB];
	s0 =	simm.s32 @p2 $0x1  }
0x17: {  	s4 =	simm.s32 $0x1BF5;
	[smem:$0x3FB4] =	sst s0  }
0x18: {  	s0 =	sld [smem:$0x3F97];
	_ =	swait.ge [sflag:s4], $0x0  }
0x19: {  	s7 =	sld [smem:$0x3F98]  }
0x1a: {  	s8 =	sadd.s32 $0xFFFFE003, lr  }
0x1b: {  	s9 =	sadd.s32 $0xFFFFFEF7, lr;
	s5 =	simm.s32 $0xFFFFFFFF;
	p2 =	slt.u32 s8, $0xFFFFF086  }
0x1c: {  	p1 =	slt.u32 s9, $0xF7A;
	s5 =	simm.s32 @!p2 $0x0  }
0x1d: {  	s5 =	simm.s32 @p1 $0x1;
	p0 =	seq.s32 s7, s2  }
0x1e: {  	s7 =	smul.u32 @!p0 $0xF7A, s2;
	p2 =	seq.s32 @!p0 s5, $0x0  }
0x1f: {  	s9 =	smul.u32 $0xF7A, s1;
	s8 =	simm.s32 @!p0 $0x1BF5;
	p2 =	por !p2, p0  }
0x20: {  	[sflag:s8] =	ssyncset.s32 @!p0 $0xFFFFF086;
	s6 =	sadd.s32 @!p0 s3, s7;
	s7 =	simm.s32 @!p0 $0x108  }
0x21: {  	s3 =	sadd.s32 s3, s9;
	s6 =	sadd.s32 @!p0 $0x88, s6;
	s7 =	simm.s32 @p2 $0x1082  }
0x22: {  	[simem:s7], [sflag:s8] =	dma.local @!p0 [hbm:s6], $0xF7A  }
0x23: {  	s9 =	sor.u32 $0xD0000000, s2;
	s6 =	simm.s32 $0x108;
	_ =	swait.ge @!p0 [sflag:s8], $0x0  }
0x24: {  	s3 =	sadd.s32 $0x88, s3;
	s6 =	simm.s32 @!p1 $0x1082;
	[sflag:s4] =	ssyncset.s32 $0xFFFFF086  }
0x25: {  	[simem:s6], [sflag:s4] =	dma.local [hbm:s3], $0xF7A  }
0x26: {  	[smem:$0x3F98] =	sst s1;
	(tag) =	ssettag s2;
	_ =	strace s9  }
0x27: {  	s1 =	sld [smem:$0x3FA8]  }
0x28: {  	s2 =	sld [smem:$0x3FA9]  }
0x29: {  	s4 =	sld [smem:$0x3FAB]  }
0x2a: {  	p0 =	seq.s32 s5, $0x0;
	s5 =	sld [smem:$0x3FAC]  }
0x2b: {  	s6 =	sld [smem:$0x3FAD]  }
0x2c: {  	s7 =	sld [smem:$0x3FAE]  }
0x2d: {  	s3 =	simm.s32 $0x108;
	s8 =	sld [smem:$0x3FAF]  }
0x2e: {  	s3 =	simm.s32 @!p0 $0x1082;
	s9 =	sld [smem:$0x3FB0]  }
0x2f: {  	lr =	sadd.s32 s0, s3;
	s0 =	sld [smem:$0x3FA7]  }
0x30: {  	s3 =	sld [smem:$0x3FAA]  }
0x31: {  	[smem:$0x3FB3] =	sst s10  }
0x32: {  	s10 =	sld [smem:$0x3FB1];
	_ =	sdelay $0x3  }
0x33: {  	p0 =	seq.s32 s10, $0x1;
	s10 =	sld [smem:$0x3FB3];
	_ =	sdelay $0x3  }
0x34: {  	[smem:$0x3FB3] =	sst s10  }
0x35: {  	s10 =	sld [smem:$0x3FB2];
	_ =	sdelay $0x3  }
0x36: {  	p1 =	seq.s32 s10, $0x1;
	s10 =	sld [smem:$0x3FB3];
	_ =	sdelay $0x3  }
0x37: {  	[smem:$0x3FB3] =	sst s10  }
0x38: {  	s10 =	sld [smem:$0x3FB4]  }
0x39: {  	_ = 	snop;
	(pc) =	sbr.ind lr, $3  }
0x3a: {  	_ = 	snop  }
0x3b: {  	_ = 	snop  }
0x3c: {  	p2 =	seq.s32 s10, $0x1;
	s10 =	sld [smem:$0x3FB3]  }
0x3d: {  	_ =	shalt  }
0x3e: {  	_ =	shalt  }
0x3f: {  	_ =	shalt  }
0x40: {  	_ =	shalt  }
0x41: {  	_ =	shalt  }
0x42: {  	_ =	shalt  }
0x43: {  	_ =	shalt  }
0x44: {  	_ =	shalt  }
0x45: {  	_ =	shalt  }
0x46: {  	_ =	shalt  }
0x47: {  	_ =	shalt  }
0x48: {  	_ =	shalt  }
0x49: {  	_ =	shalt  }
0x4a: {  	_ =	shalt  }
0x4b: {  	_ =	shalt  }
0x4c: {  	_ =	shalt  }
0x4d: {  	_ =	shalt  }
0x4e: {  	_ =	shalt  }
0x4f: {  	_ =	shalt  }
0x50: {  	_ =	shalt  }
0x51: {  	_ =	shalt  }
0x52: {  	_ =	shalt  }
0x53: {  	_ =	shalt  }
0x54: {  	_ =	shalt  }
0x55: {  	_ =	shalt  }
0x56: {  	_ =	shalt  }
0x57: {  	_ =	shalt  }
0x58: {  	_ =	shalt  }
0x59: {  	_ =	shalt  }
0x5a: {  	_ =	shalt  }
0x5b: {  	_ =	shalt  }
0x5c: {  	_ =	shalt  }
0x5d: {  	_ =	shalt  }
0x5e: {  	_ =	shalt  }
0x5f: {  	_ =	shalt  }
0x60: {  	_ =	shalt  }
0x61: {  	_ =	shalt  }
0x62: {  	_ =	shalt  }
0x63: {  	_ =	shalt  }
0x64: {  	_ =	shalt  }
0x65: {  	_ =	shalt  }
0x66: {  	_ =	shalt  }
0x67: {  	_ =	shalt  }
0x68: {  	_ =	shalt  }
0x69: {  	_ =	shalt  }
0x6a: {  	_ =	shalt  }
0x6b: {  	_ =	shalt  }
0x6c: {  	_ =	shalt  }
0x6d: {  	_ =	shalt  }
0x6e: {  	_ =	shalt  }
0x6f: {  	_ =	shalt  }
0x70: {  	_ =	shalt  }
0x71: {  	_ =	shalt  }
0x72: {  	_ =	shalt  }
0x73: {  	_ =	shalt  }
0x74: {  	_ =	shalt  }
0x75: {  	_ =	shalt  }
0x76: {  	_ =	shalt  }
0x77: {  	_ =	shalt  }
0x78: {  	_ =	shalt  }
0x79: {  	_ =	shalt  }
0x7a: {  	_ =	shalt  }
0x7b: {  	_ =	shalt  }
0x7c: {  	_ =	shalt  }
0x7d: {  	_ =	shalt  }
0x7e: {  	_ =	shalt  }
0x7f: {  	_ =	shalt  }
0x80: {  	_ =	shalt  }
0x81: {  	_ =	shalt  }
0x82: {  	_ =	shalt  }
0x83: {  	_ =	shalt  }
0x84: {  	_ =	shalt  }
0x85: {  	_ =	shalt  }
0x86: {  	_ =	shalt  }
0x87: {  	_ =	shalt  }
.Lfunc_end0:
.L_simem_size_0:
called_computation_lowered:
.L_overlay_start_0:
0x88: {  	s2 =	sld [smem:$0x3FD9]  }
0x89: {  	s3 =	sld [smem:$0x3FFE];
	_ =	sdelay $0x1  }
0x8a: {  	s1 =	srdreg.scid  }
0x8b: {  	s0 =	sand.u32 $0x1, s1  }
0x8c: {  	s17 =	sshll.u32 s0, $0xA;
	s2 =	sadd.s32 s3, s2  }
0x8d: {  	s2 =	sadd.s32 s2, s17  }
0x8e: {  	[smem:$0x3FBF] =	sst s2  }
0x8f: {  	_ = 	snop  }
0x90: {  	s2 =	sld [smem:$0x3FC9]  }
0x91: {  	s18 =	sld [smem:$0x3FC7]  }
0x92: {  	s4 =	sld [smem:$0x3FD0];
	(tm) =	ssettm $0x1  }
0x93: {  	s5 =	sld [smem:$0x3FFB];
	_ =	sdelay $0x3  }
0x94: {  	_ =	strace s5  }
0x95: {  	s5 =	sld [smem:$0x3FFC];
	_ =	sdelay $0x3  }
0x96: {  	_ =	strace s5  }
0x97: {  	s5 =	sld [smem:$0x3FFD];
	_ =	sdelay $0x3  }
0x98: {  	_ =	strace s5  }
0x99: {  	_ =	strace $0x8FFFFFFF  }
0x9a: {  	s19 =	sld [smem:$0x3FDB];
	_ =	sdelay $0x1  }
0x9b: {  	s6 =	simm.s32 $_scs_section_size  }
0x9c: {  	s7 =	simm.s32 $_size__tile_overlayer_lowered;
	s8 =	simm.s32 $_tile_overlayer_lowered  }
0x9d: {  	s22 =	simm.s32 $0x1BFF;
	s21 =	sshll.u32 s8, $0x1;
	s5 =	sadd.s32 s6, s19  }
0x9e: {  	s9 =	simm.s32 $0x0;
	s20 =	sshll.u32 s7, $0x1;
	s7 =	sadd.s32 s21, s5  }
0x9f: {  	[timem:s9], [sflag:s22] =	dma.local [hbm:s7], s20  }
0xa0: {  	_ =	swait.ge [sflag:s22], s20  }
0xa1: {  	s6 =	ssub.s32 $0x0, s20;
	[sflag:s22] =	ssyncset.done $0x0  }
0xa2: {  	[sflag:s22] =	ssyncadd.s32 s6;
	_ =	sdelay $0x1  }
0xa3: {  	s23 =	simm.s32 $0x1B8B  }
0xa4: {  	_ =	swait.ge [sflag:s23], $0x1  }
0xa5: {  	[sflag:s23] =	ssyncset.done $0x0  }
0xa6: {  	s25 =	simm.s32 $0x1B8E;
	s24 =	sld [smem:$0x3FFE];
	[sflag:s23] =	ssyncadd.s32 $0xFFFFFFFF  }
0xa7: {  	s26 =	simm.s32 $execute0_lowered;
	[smem:$0x3FD2] =	sst s25  }
0xa8: {  	s7 =	sshll.u32 s26, $0x1;
	_ =	strace $0x80000046;
	[dreg:$0x1] =	wrdreg $0xFFFFFFFF  }
0xa9: {  	s28 =	simm.s32 $_size_execute0_lowered;
	s5 =	sadd.s32 s5, s7;
	[dreg:$0x0] =	wrdreg $0x0  }
0xaa: {  	s7 =	sshll.u32 s28, $0x1;
	[dreg:$0x2] =	wrdreg s5  }
0xab: {  	[dreg:$0x3] =	wrdreg s7  }
0xac: {  	[dreg:$0x4] =	wrdreg $0xC0  }
0xad: {  	_ =	task [dreg:s9], $0x5FFFF  }
0xae: {  	[dreg:$0x1] =	wrdreg $0xFFFFFFFF  }
0xaf: {  	[dreg:$0x0] =	wrdreg $0x60  }
0xb0: {  	[dreg:$0x2] =	wrdreg s18  }
0xb1: {  	[dreg:$0x3] =	wrdreg s2  }
0xb2: {  	[dreg:$0x4] =	wrdreg s24  }
0xb3: {  	[dreg:$0x5] =	wrdreg s4  }
0xb4: {  	[dreg:$0x6] =	wrdreg $0x9  }
0xb5: {  	_ =	task.clear_ibuf [dreg:s9], $0x7FFFF;
	_ =	strace $0x90000046  }
0xb6: {  	s29 =	simm.s32 $0x9;
	_ =	strace $0x80000048  }
0xb7: {  	_ =	swait.ge [sflag:s29], $0x1  }
0xb8: {  	[sflag:s29] =	ssyncadd.s32 $0xFFFFFFFF  }
0xb9: {  	_ =	strace $0x90000048  }
0xba: {  	_ =	sfence  }
0xbb: {  	s30 =	sld [smem:$0x0];
	_ =	sdelay $0x2  }
0xbc: {  	s31 =	sshll.u32 s1, $0xD;
	s1 =	sshrl.u32 s1, $0x2  }
0xbd: {  	s3 =	sand.u32 $0x4000, s31;
	s1 =	sadd.s32 s1, s30  }
0xbe: {  	s0 =	sor.u32 s3, s0;
	s1 =	sshll.u32 s1, $0x11  }
0xbf: {  	s0 =	sor.u32 s1, s0  }
0xc0: {  	s0 =	sadd.s32 $0x8F2B, s0  }
0xc1: {  	[sflag:s0] =	ssyncadd.remote.s32 $0x1  }
0xc2: {  	_ =	sfence.sel $0xFFFF  }
0xc3: {  	[dreg:$0x0] =	wrdreg $0xFFFFFFFF;
	(pc) =	sbr.abs _section_cstart, $3  }
0xc4: {  	[dreg:$0x1] =	wrdreg $0xFFFFFFFF  }
0xc5: {  	_ =	task.clear_ibuf [dreg:s9], $0x2FFFF;
	_ =	strace $0x9FFFFFFF  }
0xc6: {  	(tm) =	ssettm $0x7FFFFFFF  }
0xc7: {  	_ =	shalt  }
tec
execute0_lowered:
.L_overlay_start_1:
0x0: {  	(tag) =	ssettag $0x1  }
0x1: {  	s16 =	rddreg [dreg:$0x0]  }
0x2: {  	s0 =	srdreg.scid;
	s4 =	rddreg [dreg:$0x1]  }
0x3: {  	s1 =	stileid.u32;
	s2 =	rddreg [dreg:$0x2]  }
0x4: {  	s23 =	rddreg [dreg:$0x3];
	s6 =	simm.s32 $0x0;
	s29 =	simm.s32 $0x7  }
0x5: {  	s30 =	simm.s32 $0x80;
	s31 =	simm.s32 $0x400;
	s8 =	simm.s32 $0x5  }
0x6: {  	s10 =	simm.s32 $0x1D780;
	s0 =	sand.u32 $0x1, s0;
	s1 =	sshll.u32 s1, $0x1  }
0x7: {  	s12 =	simm.s32 $0x6;
	s14 =	simm.s32 $0x2;
	s1 =	sor.u32 s0, s1  }
0x8: {  	[smem:$0x7FF] =	sst s6;
	s7 =	sadd.s32 $0xE00, s2;
	s3 =	smul.u32 $0x1A, s1  }
0x9: {  	s15 =	sadd.s32 $0xC00, s2;
	s19 =	sadd.s32 $0x1E00, s2;
	s13 =	sadd.s32 $0x1000, s23  }
0xa: {  	s5 =	sshll.u32 s1, $0x8;
	s18 =	smul.u32 $0x29, s1;
	[dreg:$0x5] =	wrdreg s3  }
0xb: {  	s1 =	smul.u32 $0xD, s1;
	_ =	strace $0x80000047;
	[dreg:$0x6] =	wrdreg s7  }
0xc: {  	s20 =	sadd.s32 $0x2E00, s2;
	s21 =	sadd.s32 $0x3E00, s2;
	[dreg:$0x7] =	wrdreg s15  }
0xd: {  	s22 =	sadd.s32 $0x800, s23;
	s24 =	sadd.s32 $0x1000, s4;
	[dreg:$0xa] =	wrdreg s1  }
0xe: {  	s25 =	sadd.s32 $0x2000, s4;
	s26 =	sadd.s32 $0x3000, s4;
	[dreg:$0xb] =	wrdreg s19  }
0xf: {  	s2 =	simm.s32 $0x1;
	s0 =	ssub.s32 $0x2, s0;
	[dreg:$0xc] =	wrdreg s20  }
0x10: {  	s4 =	simm.s32 $0x0;
	s17 =	sshrl.u32 s0, $0x1;
	[dreg:$0xd] =	wrdreg s21  }
0x11: {  	s5 =	sand.u32 $0x300, s5;
	s0 =	ssub.s32 s0, s17;
	[dreg:$0xe] =	wrdreg s22  }
0x12: {  	s17 =	sadd.s32 $0x3000, s23;
	s3 =	sshrl.u32 s3, $0x3;
	[dreg:$0xf] =	wrdreg s24  }
0x13: {  	s0 =	smax.u32 s0, $0x1;
	s28 =	sadd.s32 $0x1A, s18;
	[dreg:$0x10] =	wrdreg s25  }
0x14: {  	s3 =	smul.u32 $0xC3800, s3;
	s15 =	sadd.s32 $0x2000, s23;
	[dreg:$0x11] =	wrdreg s26  }
0x15: {  	s19 =	sadd.s32 $0x1800, s23;
	s20 =	sadd.s32 $0x2800, s23;
	[dreg:$0x12] =	wrdreg s0  }
0x16: {  	s21 =	sadd.s32 $0x3800, s23;
	[dreg:$0x8] =	wrdreg s18;
	s3 =	sor.u32 s5, s3  }
0x17: {  	[dreg:$0x13] =	wrdreg s28;
	s0 =	simm.s32 $0x1DF80;
	s3 =	sshrl.u32 s3, $0x3  }
0x18: {  	s25 =	simm.s32 $0x4;
	s24 =	simm.s32 $0x1B780;
	s3 =	sadd.s32 s16, s3  }
0x19: {  	s26 =	simm.s32 $0x3;
	[dreg:$0x9] =	wrdreg s3;
	s3 =	simm.s32 $0xC380  }
.LBB2_1:
0x1a: {  	[dreg:$0x14] =	wrdreg s4  }
0x1b: {  	s1 =	rddreg [dreg:$0x7];
	s18 =	simm.s32 $0x1EF80  }
0x1c: {  	[tilespmem:s18], [sflag:$0x7] =	stream.linear.gather [hbm4b:s1+s6], $0xA00, $0x38;
	[tilespmem:$0x1F980] =	vst v63  }
0x1d: {  	_ =	swait.ge [sflag:s29], $0xA00  }
0x1e: {  	[sflag:s29] =	ssyncset.done $0x0  }
0x1f: {  	s28 =	simm.s32 $0x0;
	s22 =	rddreg [dreg:$0x9];
	[sflag:s29] =	ssyncadd.s32 $0xFFFFF600  }
0x20: {  	[tilespmem:s6], [sflag:$0x1] =	stream.strided.gather [hbm4b:s22+s30], $0xC380, s31, s30, $0x38;
	[tilespmem:$0x1F980] =	vst v63  }
.LBB2_2:
0x21: {  	s1 =	rddreg [dreg:$0x5]  }
0x22: {  	s1 =	sadd.s32 s1, s28  }
0x23: {  	s5 =	sshrl.u32 s1, $0x3  }
0x24: {  	s7 =	sshll.u32 s1, $0x7;
	s5 =	smul.u32 $0xC3800, s5  }
0x25: {  	p0 =	slt.u32 s28, $0xD;
	s7 =	sand.u32 $0x380, s7  }
.Ltmp0:
0x26: {  	s5 =	sor.u32 s7, s5;
	(pc) =	sbr.rel @!p0 .LBB2_3-.Ltmp0, $4  }
0x27: {  	s5 =	sadd.s32 $0x61800, s5  }
0x28: {  	s5 =	sshrl.u32 s5, $0x3  }
0x29: {  	s4 =	smov.u32 s16;
	s5 =	sadd.s32 s16, s5  }
0x2a: {  	[tilespmem:s3], [sflag:$0x2] =	stream.strided.gather [hbm4b:s5+s30], $0xC400, s31, s30, $0x38;
	[tilespmem:$0x1F980] =	vst v63  }
0x2b: {  	s5 =	rddreg [dreg:$0xa]  }
0x2c: {  	s5 =	sadd.s32 s5, s28  }
0x2d: {  	p0 =	seq.s32 s28, $0x0;
	s7 =	sand.u32 $0x1F, s5  }
0x2e: {  	s16 =	simm.s32 @!p0 $0x5;
	s5 =	sshrl.u32 s5, $0x5;
	s9 =	sshll.u32 s7, $0xE  }
0x2f: {  	s11 =	sshll.u32 s5, $0x13;
	s7 =	sshll.u32 s7, $0x7;
	s9 =	sand.u32 $0x60000, s9  }
0x30: {  	_ =	swait.ge @!p0 [sflag:s16], $0x1000;
	s7 =	sand.u32 $0x380, s7;
	s11 =	sor.u32 s11, s9  }
0x31: {  	[sflag:s16] =	ssyncset.done @!p0 $0x0;
	s5 =	sshll.u32 s5, $0x14;
	s11 =	sor.u32 s7, s11  }
0x32: {  	s22 =	rddreg [dreg:$0x6];
	s5 =	sor.u32 s9, s5;
	s11 =	sshrl.u32 s11, $0x3  }
0x33: {  	[sflag:s16] =	ssyncadd.s32 @!p0 $0xFFFFF000;
	s5 =	sor.u32 s7, s5;
	s16 =	sadd.s32 s22, s11  }
0x34: {  	[tilespmem:s0], [sflag:$0x7] =	stream.strided.gather [hbm4b:s16+s30], $0x1000, s31, s30, $0x38;
	[tilespmem:$0x1F980] =	vst v63  }
0x35: {  	s5 =	sadd.s32 $0x1A00000, s5;
	_ =	swait.ge [sflag:s29], $0x1000  }
0x36: {  	s5 =	sshrl.u32 s5, $0x3;
	[sflag:s29] =	ssyncset.done $0x0  }
0x37: {  	s16 =	sadd.s32 s23, s5;
	[sflag:s29] =	ssyncadd.s32 $0xFFFFF000  }
0x38: {  	[hbm4b:s16+s30] =	stream.strided.scatter [tilespmem:s0], [sflag:$0x5], $0x1000, s31, s30, $0x38;
	[tilespmem:$0x1F980] =	vst v63  }
0x39: {  	_ =	swait.ge [sflag:s8], $0x1000  }
0x3a: {  	[sflag:s8] =	ssyncset.done $0x0;
	s18 =	rddreg [dreg:$0xb]  }
0x3b: {  	[sflag:s8] =	ssyncadd.s32 $0xFFFFF000;
	s7 =	sadd.s32 s11, s18  }
0x3c: {  	[tilespmem:s0], [sflag:$0x7] =	stream.strided.gather [hbm4b:s7+s30], $0x1000, s31, s30, $0x38;
	[tilespmem:$0x1F980] =	vst v63  }
0x3d: {  	_ =	swait.ge [sflag:s29], $0x1000  }
0x3e: {  	[sflag:s29] =	ssyncset.done $0x0  }
0x3f: {  	s22 =	sadd.s32 s5, s13;
	[sflag:s29] =	ssyncadd.s32 $0xFFFFF000  }
0x40: {  	[hbm4b:s22+s30] =	stream.strided.scatter [tilespmem:s0], [sflag:$0x5], $0x1000, s31, s30, $0x38;
	[tilespmem:$0x1F980] =	vst v63  }
0x41: {  	_ =	swait.ge [sflag:s8], $0x1000  }
0x42: {  	[sflag:s8] =	ssyncset.done $0x0;
	s9 =	rddreg [dreg:$0xc]  }
0x43: {  	[sflag:s8] =	ssyncadd.s32 $0xFFFFF000;
	s7 =	sadd.s32 s11, s9  }
0x44: {  	[tilespmem:s0], [sflag:$0x7] =	stream.strided.gather [hbm4b:s7+s30], $0x1000, s31, s30, $0x38;
	[tilespmem:$0x1F980] =	vst v63  }
0x45: {  	_ =	swait.ge [sflag:s29], $0x1000  }
0x46: {  	[sflag:s29] =	ssyncset.done $0x0  }
0x47: {  	s16 =	sadd.s32 s5, s15;
	[sflag:s29] =	ssyncadd.s32 $0xFFFFF000  }
0x48: {  	[hbm4b:s16+s30] =	stream.strided.scatter [tilespmem:s0], [sflag:$0x5], $0x1000, s31, s30, $0x38;
	[tilespmem:$0x1F980] =	vst v63  }
0x49: {  	_ =	swait.ge [sflag:s8], $0x1000  }
0x4a: {  	[sflag:s8] =	ssyncset.done $0x0;
	s18 =	rddreg [dreg:$0xd]  }
0x4b: {  	[sflag:s8] =	ssyncadd.s32 $0xFFFFF000;
	s7 =	sadd.s32 s11, s18  }
0x4c: {  	[tilespmem:s0], [sflag:$0x7] =	stream.strided.gather [hbm4b:s7+s30], $0x1000, s31, s30, $0x38;
	[tilespmem:$0x1F980] =	vst v63  }
.Ltmp1:
0x4d: {  	_ =	swait.ge [sflag:s29], $0x1000;
	(pc) =	sbr.rel @!p0 .LBB2_4-.Ltmp1, $4  }
0x4e: {  	[sflag:s29] =	ssyncset.done $0x0  }
0x4f: {  	s5 =	sadd.s32 s5, s17;
	s22 =	rddreg [dreg:$0x8];
	[sflag:s29] =	ssyncadd.s32 $0xFFFFF000  }
0x50: {  	[hbm4b:s5+s30] =	stream.strided.scatter [tilespmem:s0], [sflag:$0x5], $0x1000, s31, s30, $0x38;
	[tilespmem:$0x1F980] =	vst v63  }
0x51: {  	s5 =	sadd.s32 s22, s28  }
.Ltmp2:
0x52: {  	(pc) =	sbr.rel .LBB2_7-.Ltmp2, $2  }
0x53: {  	_ =	sdelay $0x2  }
0x54: {  	p0 =	por $0x1, $0x1  }
.LBB2_3:
0x55: {  	s5 =	rddreg [dreg:$0x8]  }
0x56: {  	s5 =	sadd.s32 s5, s28  }
.LBB2_4:
0x57: {  	_ =	swait.ge [sflag:s25], $0x800  }
0x58: {  	[sflag:s25] =	ssyncset.done $0x0  }
0x59: {  	[sflag:s25] =	ssyncadd.s32 $0xFFFFF800  }
0x5a: {  	_ =	swait.ge [sflag:s25], $0x800  }
0x5b: {  	[sflag:s25] =	ssyncset.done $0x0  }
0x5c: {  	[sflag:s25] =	ssyncadd.s32 $0xFFFFF800  }
0x5d: {  	_ =	swait.ge [sflag:s25], $0x800  }
0x5e: {  	[sflag:s25] =	ssyncset.done $0x0  }
0x5f: {  	[sflag:s25] =	ssyncadd.s32 $0xFFFFF800  }
0x60: {  	_ =	swait.ge [sflag:s25], $0x800  }
0x61: {  	[sflag:s25] =	ssyncset.done $0x0  }
0x62: {  	[sflag:s25] =	ssyncadd.s32 $0xFFFFF800  }
0x63: {  	_ =	swait.ge [sflag:s25], $0x800  }
0x64: {  	[sflag:s25] =	ssyncset.done $0x0  }
0x65: {  	[sflag:s25] =	ssyncadd.s32 $0xFFFFF800  }
0x66: {  	_ =	swait.ge [sflag:s25], $0x800  }
0x67: {  	[sflag:s25] =	ssyncset.done $0x0  }
0x68: {  	[sflag:s25] =	ssyncadd.s32 $0xFFFFF800  }
0x69: {  	_ =	swait.ge [sflag:s25], $0x800  }
0x6a: {  	[sflag:s25] =	ssyncset.done $0x0  }
0x6b: {  	[sflag:s25] =	ssyncadd.s32 $0xFFFFF800  }
0x6c: {  	_ =	swait.ge [sflag:s25], $0x800  }
0x6d: {  	[sflag:s25] =	ssyncset.done $0x0  }
0x6e: {  	p0 =	por $0x0, $0x0;
	[sflag:s25] =	ssyncadd.s32 $0xFFFFF800  }
.LBB2_7:
0x6f: {  	p1 =	sgt.u32 s5, $0x4DF;
	s9 =	sand.u32 $0x1F, s5;
	s7 =	smin.u32 s5, $0x4E0  }
0x70: {  	s5 =	sadd.s32 $0xFFFFFB20, s5;
	s7 =	sshrl.u32 s7, $0x5;
	s11 =	sor.u32 $0x20, s9  }
0x71: {  	s11 =	smov.u32 @p1 s5;
	s22 =	sshll.u32 s7, $0x6  }
0x72: {  	s5 =	sadd.s32 s11, s22  }
0x73: {  	v0 =	vmov s5;
	_ =	sdelay $0x3  }
0x74: {  	s16 =	simm.s32 $0x1EF80  }
0x75: {  	v0 =	vld.idx.msk [tilespmem:v0+s16+$0x0], $0xffff;
	_ =	sdelay $0x2  }
0x76: {  	s9 =	sshrl.u32 s1, $0x5  }
0x77: {  	s22 =	simm.s32 $0x40;
	s5 =	sand.u32 $0x1F, s1;
	s16 =	simm.s32 $0x0  }
.LBB2_8:
0x78: {  	p1 =	sne.s32 s22, $0x1FC0;
	[tilespmem:s16+$0x1D780] =	vst v0;
	s16 =	smov.u32 s22;
	s22 =	sadd.s32 $0x40, s22  }
.Ltmp3:
0x79: {  	(pc) =	sbr.rel @p1 .LBB2_8-.Ltmp3, $2  }
0x7a: {  	_ =	sdelay $0x2  }
0x7b: {  	s16 =	sshra.s32 s16, $0x2  }
0x7c: {  	s22 =	sshll.u32 s11, $0xE  }
0x7d: {  	s7 =	sshll.u32 s7, $0x14;
	s18 =	sshll.u32 s11, $0x7;
	s22 =	sand.u32 $0xFFFE0000, s22  }
0x7e: {  	s11 =	sand.u32 $0x380, s18;
	s7 =	sadd.s32 s7, s22  }
0x7f: {  	s7 =	sor.u32 s11, s7  }
0x80: {  	s7 =	sshrl.u32 s7, $0x3  }
0x81: {  	[tilespmem:s16+$0x1D780] =	vst v0;
	s16 =	rddreg [dreg:$0xe];
	s22 =	sadd.s32 s23, s7  }
0x82: {  	[hbm4b:s22+s30] =	stream.strided.scatter [tilespmem:s10], [sflag:$0x4], $0x800, s31, s30, $0x38;
	[tilespmem:$0x1F980] =	vst v63  }
0x83: {  	s11 =	sadd.s32 s7, s16  }
0x84: {  	[hbm4b:s11+s30] =	stream.strided.scatter [tilespmem:s10], [sflag:$0x4], $0x800, s31, s30, $0x38;
	[tilespmem:$0x1F980] =	vst v63  }
0x85: {  	s18 =	sadd.s32 s7, s13  }
0x86: {  	[hbm4b:s18+s30] =	stream.strided.scatter [tilespmem:s10], [sflag:$0x4], $0x800, s31, s30, $0x38;
	[tilespmem:$0x1F980] =	vst v63  }
0x87: {  	s22 =	sadd.s32 s7, s19  }
0x88: {  	[hbm4b:s22+s30] =	stream.strided.scatter [tilespmem:s10], [sflag:$0x4], $0x800, s31, s30, $0x38;
	[tilespmem:$0x1F980] =	vst v63  }
0x89: {  	s16 =	sadd.s32 s7, s15  }
0x8a: {  	[hbm4b:s16+s30] =	stream.strided.scatter [tilespmem:s10], [sflag:$0x4], $0x800, s31, s30, $0x38;
	[tilespmem:$0x1F980] =	vst v63  }
0x8b: {  	p1 =	sgt.u32 s28, $0xE;
	s18 =	sadd.s32 s7, s20  }
0x8c: {  	[hbm4b:s18+s30] =	stream.strided.scatter [tilespmem:s10], [sflag:$0x4], $0x800, s31, s30, $0x38;
	[tilespmem:$0x1F980] =	vst v63  }
.Ltmp4:
0x8d: {  	_ = 	snop;
	(pc) =	sbr.rel @p1 .LBB2_13-.Ltmp4, $4  }
0x8e: {  	s22 =	sadd.s32 s7, s17  }
0x8f: {  	[hbm4b:s22+s30] =	stream.strided.scatter [tilespmem:s10], [sflag:$0x4], $0x800, s31, s30, $0x38;
	[tilespmem:$0x1F980] =	vst v63  }
0x90: {  	s7 =	sadd.s32 s7, s21  }
0x91: {  	[hbm4b:s7+s30] =	stream.strided.scatter [tilespmem:s10], [sflag:$0x4], $0x800, s31, s30, $0x38;
	[tilespmem:$0x1F980] =	vst v63  }
0x92: {  	_ =	swait.ge [sflag:s25], $0x800  }
0x93: {  	[sflag:s25] =	ssyncset.done $0x0  }
0x94: {  	[sflag:s25] =	ssyncadd.s32 $0xFFFFF800  }
0x95: {  	_ =	swait.ge [sflag:s25], $0x800  }
0x96: {  	[sflag:s25] =	ssyncset.done $0x0  }
0x97: {  	[sflag:s25] =	ssyncadd.s32 $0xFFFFF800  }
0x98: {  	_ =	swait.ge [sflag:s25], $0x800  }
0x99: {  	[sflag:s25] =	ssyncset.done $0x0  }
0x9a: {  	[sflag:s25] =	ssyncadd.s32 $0xFFFFF800  }
0x9b: {  	_ =	swait.ge [sflag:s25], $0x800  }
0x9c: {  	[sflag:s25] =	ssyncset.done $0x0  }
0x9d: {  	[sflag:s25] =	ssyncadd.s32 $0xFFFFF800  }
0x9e: {  	_ =	swait.ge [sflag:s25], $0x800  }
0x9f: {  	[sflag:s25] =	ssyncset.done $0x0  }
0xa0: {  	[sflag:s25] =	ssyncadd.s32 $0xFFFFF800  }
0xa1: {  	_ =	swait.ge [sflag:s25], $0x800  }
0xa2: {  	s7 =	rddreg [dreg:$0x13]  }
0xa3: {  	[sflag:s25] =	ssyncset.done $0x0;
	s11 =	sadd.s32 s7, s28  }
0xa4: {  	p1 =	sgt.u32 s11, $0x4DF;
	s16 =	sand.u32 $0x1F, s11;
	s7 =	smin.u32 s11, $0x4E0  }
0xa5: {  	s22 =	sadd.s32 $0xFFFFFB20, s11;
	s7 =	sshrl.u32 s7, $0x5;
	s11 =	sor.u32 $0x20, s16  }
0xa6: {  	[sflag:s25] =	ssyncadd.s32 $0xFFFFF800;
	s11 =	smov.u32 @p1 s22;
	s18 =	sshll.u32 s7, $0x6  }
0xa7: {  	_ =	swait.ge [sflag:s25], $0x800;
	s16 =	sadd.s32 s11, s18  }
0xa8: {  	[sflag:s25] =	ssyncset.done $0x0;
	v0 =	vmov s16  }
0xa9: {  	[sflag:s25] =	ssyncadd.s32 $0xFFFFF800  }
0xaa: {  	_ =	swait.ge [sflag:s25], $0x800  }
0xab: {  	[sflag:s25] =	ssyncset.done $0x0  }
0xac: {  	s22 =	simm.s32 $0x1EF80;
	[sflag:s25] =	ssyncadd.s32 $0xFFFFF800  }
0xad: {  	v0 =	vld.idx.msk [tilespmem:v0+s22+$0x0], $0xffff;
	_ =	sdelay $0x3  }
0xae: {  	s16 =	simm.s32 $0x0;
	s22 =	simm.s32 $0x40  }
.LBB2_11:
0xaf: {  	p1 =	sne.s32 s22, $0x1FC0;
	[tilespmem:s16+$0x1D780] =	vst v0;
	s16 =	smov.u32 s22;
	s22 =	sadd.s32 $0x40, s22  }
.Ltmp5:
0xb0: {  	(pc) =	sbr.rel @p1 .LBB2_11-.Ltmp5, $2  }
0xb1: {  	_ =	sdelay $0x2  }
0xb2: {  	s16 =	sshra.s32 s16, $0x2  }
0xb3: {  	s22 =	sshll.u32 s11, $0xE  }
0xb4: {  	s7 =	sshll.u32 s7, $0x14;
	s18 =	sshll.u32 s11, $0x7;
	s22 =	sand.u32 $0xFFFE0000, s22  }
0xb5: {  	s11 =	sand.u32 $0x380, s18;
	s7 =	sadd.s32 s7, s22  }
0xb6: {  	s7 =	sor.u32 s11, s7  }
0xb7: {  	s7 =	sshrl.u32 s7, $0x3  }
0xb8: {  	[tilespmem:s16+$0x1D780] =	vst v0;
	s16 =	rddreg [dreg:$0xe];
	s22 =	sadd.s32 s23, s7  }
0xb9: {  	[hbm4b:s22+s30] =	stream.strided.scatter [tilespmem:s10], [sflag:$0x4], $0x800, s31, s30, $0x38;
	[tilespmem:$0x1F980] =	vst v63  }
0xba: {  	s11 =	sadd.s32 s7, s16  }
0xbb: {  	[hbm4b:s11+s30] =	stream.strided.scatter [tilespmem:s10], [sflag:$0x4], $0x800, s31, s30, $0x38;
	[tilespmem:$0x1F980] =	vst v63  }
0xbc: {  	s18 =	sadd.s32 s7, s13  }
0xbd: {  	[hbm4b:s18+s30] =	stream.strided.scatter [tilespmem:s10], [sflag:$0x4], $0x800, s31, s30, $0x38;
	[tilespmem:$0x1F980] =	vst v63  }
0xbe: {  	s22 =	sadd.s32 s7, s19  }
0xbf: {  	[hbm4b:s22+s30] =	stream.strided.scatter [tilespmem:s10], [sflag:$0x4], $0x800, s31, s30, $0x38;
	[tilespmem:$0x1F980] =	vst v63  }
0xc0: {  	s16 =	sadd.s32 s7, s15  }
0xc1: {  	[hbm4b:s16+s30] =	stream.strided.scatter [tilespmem:s10], [sflag:$0x4], $0x800, s31, s30, $0x38;
	[tilespmem:$0x1F980] =	vst v63  }
0xc2: {  	s18 =	sadd.s32 s7, s20  }
0xc3: {  	[hbm4b:s18+s30] =	stream.strided.scatter [tilespmem:s10], [sflag:$0x4], $0x800, s31, s30, $0x38;
	[tilespmem:$0x1F980] =	vst v63  }
0xc4: {  	s22 =	sadd.s32 s7, s17  }
0xc5: {  	[hbm4b:s22+s30] =	stream.strided.scatter [tilespmem:s10], [sflag:$0x4], $0x800, s31, s30, $0x38;
	[tilespmem:$0x1F980] =	vst v63  }
0xc6: {  	s7 =	sadd.s32 s7, s21  }
0xc7: {  	[hbm4b:s7+s30] =	stream.strided.scatter [tilespmem:s10], [sflag:$0x4], $0x800, s31, s30, $0x38;
	[tilespmem:$0x1F980] =	vst v63  }
.LBB2_13:
0xc8: {  	_ =	swait.ge [sflag:s2], $0xC380  }
0xc9: {  	s7 =	sshll.u32 s9, $0xB;
	s11 =	sshll.u32 s9, $0x4;
	[sflag:s2] =	ssyncset.done $0x0  }
0xca: {  	s7 =	sand.u32 $0xFFFC000, s7;
	s11 =	sand.u32 $0x70, s11;
	[sflag:s2] =	ssyncadd.s32 $0xFFFF3C80  }
0xcb: {  	s22 =	sor.u32 s11, s7;
	s16 =	rddreg [dreg:$0x1]  }
0xcc: {  	s18 =	smov.u32 s23;
	s23 =	rddreg [dreg:$0xf];
	s7 =	sadd.s32 s16, s22  }
0xcd: {  	[tilespmem:s24], [sflag:$0x6] =	stream.strided.gather [hbm4b:s7+s30], $0x1000, s31, s30, $0x38;
	[tilespmem:$0x1F980] =	vst v63  }
0xce: {  	s7 =	sadd.s32 s22, s23;
	s24 =	simm.s32 $0x1C780  }
0xcf: {  	[tilespmem:s24], [sflag:$0x6] =	stream.strided.gather [hbm4b:s7+s30], $0x1000, s31, s30, $0x38;
	[tilespmem:$0x1F980] =	vst v63  }
0xd0: {  	s7 =	simm.s32 @!p0 $0x3  }
0xd1: {  	_ =	swait.ge @!p0 [sflag:s7], $0x1000  }
0xd2: {  	[sflag:s7] =	ssyncset.done @!p0 $0x0  }
0xd3: {  	[sflag:s7] =	ssyncadd.s32 @!p0 $0xFFFFF000  }
0xd4: {  	_ =	swait.ge @!p0 [sflag:s7], $0x1000  }
0xd5: {  	[sflag:s7] =	ssyncset.done @!p0 $0x0  }
0xd6: {  	[sflag:s7] =	ssyncadd.s32 @!p0 $0xFFFFF000  }
0xd7: {  	_ =	swait.ge [sflag:s12], $0x1000  }
0xd8: {  	[sflag:s12] =	ssyncset.done $0x0  }
0xd9: {  	[sflag:s12] =	ssyncadd.s32 $0xFFFFF000  }
0xda: {  	_ =	swait.ge [sflag:s12], $0x1000  }
0xdb: {  	[sflag:s12] =	ssyncset.done $0x0  }
0xdc: {  	s23 =	simm.s32 $0x0;
	[sflag:s12] =	ssyncadd.s32 $0xFFFFF000  }
0xdd: {  	v0 =	vld [tilespmem:s23+$0x1B780];
	_ =	sdelay $0x4  }
0xde: {  	vm0 =	vlt.s32 v0, $0xC37F  }
0xdf: {  	v1 =	vld [tilespmem:s23+$0x1B790];
	v0 =	vnsel vm0, $0xC37F, v0;
	_ =	sdelay $0x3  }
0xe0: {  	s24 =	simm.s32 $0x0  }
0xe1: {  	vm13 =	vlt.s32 v1, $0xC37F;
	v0 =	vld.idx.msk [tilespmem:v0+s24+$0x0], $0xffff  }
0xe2: {  	v2 =	vld [tilespmem:s23+$0x1B7A0];
	v1 =	vnsel vm13, $0xC37F, v1;
	_ =	sdelay $0x3  }
0xe3: {  	[tilespmem:s23+$0x18780] =	vst v0  }
0xe4: {  	vm14 =	vlt.s32 v2, $0xC37F;
	v0 =	vld.idx.msk [tilespmem:v1+s24+$0x0], $0xffff  }
0xe5: {  	v2 =	vnsel vm14, $0xC37F, v2;
	v1 =	vld [tilespmem:s23+$0x1B7B0];
	_ =	sdelay $0x3  }
0xe6: {  	[tilespmem:s23+$0x18790] =	vst v0  }
0xe7: {  	vm15 =	vlt.s32 v1, $0xC37F;
	v0 =	vld.idx.msk [tilespmem:v2+s24+$0x0], $0xffff  }
0xe8: {  	s11 =	simm.s32 $0x200;
	s16 =	simm.s32 $0x40;
	s7 =	simm.s32 $0x0;
	v1 =	vnsel vm15, $0xC37F, v1  }
.LBB2_14:
0xe9: {  	p0 =	sne.s32 s11, $0x3F00;
	v2 =	vld [tilespmem:s16+$0x1B780];
	_ =	sdelay $0x2  }
0xea: {  	[tilespmem:s7+$0x187A0] =	vst v0  }
0xeb: {  	v0 =	vld.idx.msk [tilespmem:v1+s24+$0x0], $0xffff  }
0xec: {  	vm0 =	vlt.s32 v2, $0xC37F  }
0xed: {  	v1 =	vnsel vm0, $0xC37F, v2  }
0xee: {  	v2 =	vld [tilespmem:s16+$0x1B790];
	_ =	sdelay $0x2  }
0xef: {  	[tilespmem:s7+$0x187B0] =	vst v0;
	s7 =	smov.u32 s16  }
0xf0: {  	v0 =	vld.idx.msk [tilespmem:v1+s24+$0x0], $0xffff  }
0xf1: {  	vm0 =	vlt.s32 v2, $0xC37F  }
0xf2: {  	v1 =	vnsel vm0, $0xC37F, v2  }
0xf3: {  	v2 =	vld [tilespmem:s7+$0x1B7A0];
	_ =	sdelay $0x2  }
0xf4: {  	[tilespmem:s7+$0x18780] =	vst v0  }
0xf5: {  	v0 =	vld.idx.msk [tilespmem:v1+s24+$0x0], $0xffff  }
0xf6: {  	vm0 =	vlt.s32 v2, $0xC37F  }
0xf7: {  	v1 =	vnsel vm0, $0xC37F, v2  }
0xf8: {  	v2 =	vld [tilespmem:s7+$0x1B7B0];
	_ =	sdelay $0x1  }
.Ltmp6:
0xf9: {  	(pc) =	sbr.rel @p0 .LBB2_14-.Ltmp6, $4  }
0xfa: {  	[tilespmem:s7+$0x18790] =	vst v0  }
0xfb: {  	v0 =	vld.idx.msk [tilespmem:v1+s24+$0x0], $0xffff  }
0xfc: {  	vm0 =	vlt.s32 v2, $0xC37F  }
0xfd: {  	s16 =	sshra.s32 s11, $0x2;
	s11 =	sadd.s32 $0x100, s11;
	v1 =	vnsel vm0, $0xC37F, v2  }
0xfe: {  	v2 =	vld [tilespmem:s16+$0x1B780];
	_ =	sdelay $0x3  }
0xff: {  	[tilespmem:s7+$0x187A0] =	vst v0  }
0x100: {  	v0 =	vld.idx.msk [tilespmem:v1+s24+$0x0], $0xffff;
	vm0 =	vlt.s32 v2, $0xC37F  }
0x101: {  	v1 =	vnsel vm0, $0xC37F, v2;
	v2 =	vld [tilespmem:s16+$0x1B790];
	_ =	sdelay $0x3  }
0x102: {  	[tilespmem:s7+$0x187B0] =	vst v0  }
0x103: {  	v0 =	vld.idx.msk [tilespmem:v1+s24+$0x0], $0xffff;
	vm9 =	vlt.s32 v2, $0xC37F  }
0x104: {  	v1 =	vnsel vm9, $0xC37F, v2;
	v2 =	vld [tilespmem:s16+$0x1B7A0];
	_ =	sdelay $0x3  }
0x105: {  	[tilespmem:s16+$0x18780] =	vst v0  }
0x106: {  	v0 =	vld.idx.msk [tilespmem:v1+s24+$0x0], $0xffff;
	vm10 =	vlt.s32 v2, $0xC37F  }
0x107: {  	v1 =	vnsel vm10, $0xC37F, v2;
	v2 =	vld [tilespmem:s16+$0x1B7B0];
	_ =	sdelay $0x3  }
0x108: {  	[tilespmem:s16+$0x18790] =	vst v0  }
0x109: {  	v0 =	vld.idx.msk [tilespmem:v1+s24+$0x0], $0xffff;
	vm11 =	vlt.s32 v2, $0xC37F  }
0x10a: {  	v1 =	vnsel vm11, $0xC37F, v2;
	_ =	sdelay $0x3  }
0x10b: {  	[tilespmem:s16+$0x187A0] =	vst v0  }
0x10c: {  	v0 =	vld.idx.msk [tilespmem:v1+s24+$0x0], $0xffff;
	_ =	sdelay $0x4  }
0x10d: {  	[tilespmem:s16+$0x187B0] =	vst v0  }
0x10e: {  	v0 =	vld [tilespmem:s23+$0x1C780];
	_ =	sdelay $0x4  }
0x10f: {  	vm12 =	vlt.s32 v0, $0xC37F  }
0x110: {  	v1 =	vld [tilespmem:s23+$0x1C790];
	v0 =	vnsel vm12, $0xC37F, v0;
	_ =	sdelay $0x4  }
0x111: {  	vm13 =	vlt.s32 v1, $0xC37F;
	v0 =	vld.idx.msk [tilespmem:v0+s6+$0x0], $0xffff  }
0x112: {  	v2 =	vld [tilespmem:s23+$0x1C7A0];
	v1 =	vnsel vm13, $0xC37F, v1;
	_ =	sdelay $0x3  }
0x113: {  	[tilespmem:s23+$0x19780] =	vst v0  }
0x114: {  	vm14 =	vlt.s32 v2, $0xC37F;
	v0 =	vld.idx.msk [tilespmem:v1+s6+$0x0], $0xffff  }
0x115: {  	v2 =	vnsel vm14, $0xC37F, v2;
	v1 =	vld [tilespmem:s23+$0x1C7B0];
	_ =	sdelay $0x3  }
0x116: {  	[tilespmem:s23+$0x19790] =	vst v0  }
0x117: {  	vm15 =	vlt.s32 v1, $0xC37F;
	v0 =	vld.idx.msk [tilespmem:v2+s6+$0x0], $0xffff  }
0x118: {  	s11 =	simm.s32 $0x40;
	s7 =	simm.s32 $0x200;
	v1 =	vnsel vm15, $0xC37F, v1  }
.LBB2_16:
0x119: {  	p0 =	sne.s32 s7, $0x3F00;
	v2 =	vld [tilespmem:s11+$0x1C780];
	_ =	sdelay $0x2  }
0x11a: {  	[tilespmem:s23+$0x197A0] =	vst v0  }
0x11b: {  	v0 =	vld.idx.msk [tilespmem:v1+s6+$0x0], $0xffff  }
0x11c: {  	vm0 =	vlt.s32 v2, $0xC37F  }
0x11d: {  	v1 =	vnsel vm0, $0xC37F, v2  }
0x11e: {  	v2 =	vld [tilespmem:s11+$0x1C790];
	_ =	sdelay $0x2  }
0x11f: {  	[tilespmem:s23+$0x197B0] =	vst v0;
	s23 =	smov.u32 s11  }
0x120: {  	v0 =	vld.idx.msk [tilespmem:v1+s6+$0x0], $0xffff  }
0x121: {  	vm0 =	vlt.s32 v2, $0xC37F  }
0x122: {  	v1 =	vnsel vm0, $0xC37F, v2  }
0x123: {  	v2 =	vld [tilespmem:s23+$0x1C7A0];
	_ =	sdelay $0x2  }
0x124: {  	[tilespmem:s23+$0x19780] =	vst v0  }
0x125: {  	v0 =	vld.idx.msk [tilespmem:v1+s6+$0x0], $0xffff  }
0x126: {  	vm0 =	vlt.s32 v2, $0xC37F  }
0x127: {  	v1 =	vnsel vm0, $0xC37F, v2  }
0x128: {  	v2 =	vld [tilespmem:s23+$0x1C7B0];
	_ =	sdelay $0x1  }
.Ltmp7:
0x129: {  	(pc) =	sbr.rel @p0 .LBB2_16-.Ltmp7, $4  }
0x12a: {  	[tilespmem:s23+$0x19790] =	vst v0  }
0x12b: {  	v0 =	vld.idx.msk [tilespmem:v1+s6+$0x0], $0xffff  }
0x12c: {  	vm0 =	vlt.s32 v2, $0xC37F  }
0x12d: {  	s11 =	sshra.s32 s7, $0x2;
	s7 =	sadd.s32 $0x100, s7;
	v1 =	vnsel vm0, $0xC37F, v2  }
0x12e: {  	v2 =	vld [tilespmem:s11+$0x1C780];
	_ =	sdelay $0x3  }
0x12f: {  	[tilespmem:s23+$0x197A0] =	vst v0  }
0x130: {  	v0 =	vld.idx.msk [tilespmem:v1+s6+$0x0], $0xffff;
	vm0 =	vlt.s32 v2, $0xC37F  }
0x131: {  	v1 =	vnsel vm0, $0xC37F, v2;
	v2 =	vld [tilespmem:s11+$0x1C790];
	_ =	sdelay $0x3  }
0x132: {  	[tilespmem:s23+$0x197B0] =	vst v0  }
0x133: {  	v0 =	vld.idx.msk [tilespmem:v1+s6+$0x0], $0xffff;
	vm7 =	vlt.s32 v2, $0xC37F  }
0x134: {  	v1 =	vnsel vm7, $0xC37F, v2;
	v2 =	vld [tilespmem:s11+$0x1C7A0];
	_ =	sdelay $0x3  }
0x135: {  	[tilespmem:s11+$0x19780] =	vst v0  }
0x136: {  	v0 =	vld.idx.msk [tilespmem:v1+s6+$0x0], $0xffff;
	vm8 =	vlt.s32 v2, $0xC37F  }
0x137: {  	v1 =	vnsel vm8, $0xC37F, v2;
	v2 =	vld [tilespmem:s11+$0x1C7B0];
	_ =	sdelay $0x3  }
0x138: {  	[tilespmem:s11+$0x19790] =	vst v0  }
0x139: {  	v0 =	vld.idx.msk [tilespmem:v1+s6+$0x0], $0xffff;
	vm9 =	vlt.s32 v2, $0xC37F  }
0x13a: {  	v1 =	vnsel vm9, $0xC37F, v2;
	_ =	sdelay $0x3  }
0x13b: {  	[tilespmem:s11+$0x197A0] =	vst v0  }
0x13c: {  	v0 =	vld.idx.msk [tilespmem:v1+s6+$0x0], $0xffff;
	_ =	sdelay $0x4  }
0x13d: {  	[tilespmem:s11+$0x197B0] =	vst v0  }
0x13e: {  	_ =	swait.ge [sflag:s14], $0xC400  }
0x13f: {  	[sflag:s14] =	ssyncset.done $0x0  }
0x140: {  	s23 =	simm.s32 $0x0;
	[sflag:s14] =	ssyncadd.s32 $0xFFFF3C00  }
0x141: {  	v0 =	vld [tilespmem:s23+$0x1B780];
	_ =	sdelay $0x4  }
0x142: {  	v1 =	vadd.s32 $0xFFFF3D00, v0  }
0x143: {  	vm10 =	vgt.s32 v1, $0x0  }
0x144: {  	v2 =	vld [tilespmem:s23+$0x1B790];
	v1 =	vnsel vm10, $0x0, v1;
	_ =	sdelay $0x3  }
0x145: {  	v4 =	vld [tilespmem:s23+$0x18780]  }
0x146: {  	v3 =	vld.idx.msk [tilespmem:v1+s3+$0x0], $0xffff;
	v1 =	vadd.s32 $0xFFFF3D00, v2  }
0x147: {  	vm11 =	vgt.s32 v1, $0x0  }
0x148: {  	v5 =	vnsel vm11, $0x0, v1;
	v1 =	vld [tilespmem:s23+$0x1B7A0];
	_ =	sdelay $0x1  }
0x149: {  	vm12 =	vgt.s32 v0, $0xC2FF  }
0x14a: {  	v0 =	vsel vm12, v3, v4  }
0x14b: {  	v4 =	vld [tilespmem:s23+$0x18790];
	[tilespmem:s23+$0x18780] =	vst v0  }
0x14c: {  	v3 =	vld.idx.msk [tilespmem:v5+s3+$0x0], $0xffff;
	v5 =	vadd.s32 $0xFFFF3D00, v1  }
0x14d: {  	vm13 =	vgt.s32 v5, $0x0  }
0x14e: {  	v0 =	vld [tilespmem:s23+$0x1B7B0];
	v5 =	vnsel vm13, $0x0, v5;
	_ =	sdelay $0x1  }
0x14f: {  	vm14 =	vgt.s32 v2, $0xC2FF  }
0x150: {  	v2 =	vsel vm14, v3, v4  }
0x151: {  	v3 =	vld [tilespmem:s23+$0x187A0];
	[tilespmem:s23+$0x18790] =	vst v2  }
0x152: {  	v4 =	vadd.s32 $0xFFFF3D00, v0;
	v2 =	vld.idx.msk [tilespmem:v5+s3+$0x0], $0xffff  }
0x153: {  	vm15 =	vgt.s32 v4, $0x0  }
0x154: {  	s7 =	simm.s32 $0x40;
	s24 =	simm.s32 $0x0;
	s11 =	simm.s32 $0x200;
	v4 =	vnsel vm15, $0x0, v4  }
.LBB2_18:
0x155: {  	p0 =	sne.s32 s11, $0x3F00;
	v5 =	vld [tilespmem:s7+$0x1B780]  }
0x156: {  	vm0 =	vgt.s32 v1, $0xC2FF  }
0x157: {  	v1 =	vsel vm0, v2, v3  }
0x158: {  	[tilespmem:s24+$0x187A0] =	vst v1  }
0x159: {  	v1 =	vld.idx.msk [tilespmem:v4+s3+$0x0], $0xffff  }
0x15a: {  	v2 =	vadd.s32 $0xFFFF3D00, v5;
	v3 =	vld [tilespmem:s24+$0x187B0]  }
0x15b: {  	vm0 =	vgt.s32 v2, $0x0  }
0x15c: {  	v2 =	vnsel vm0, $0x0, v2  }
0x15d: {  	v4 =	vld [tilespmem:s7+$0x1B790]  }
0x15e: {  	vm0 =	vgt.s32 v0, $0xC2FF  }
0x15f: {  	v0 =	vsel vm0, v1, v3  }
0x160: {  	[tilespmem:s24+$0x187B0] =	vst v0;
	s24 =	smov.u32 s7  }
0x161: {  	v0 =	vld.idx.msk [tilespmem:v2+s3+$0x0], $0xffff  }
0x162: {  	v2 =	vld [tilespmem:s24+$0x18780];
	v1 =	vadd.s32 $0xFFFF3D00, v4  }
0x163: {  	vm0 =	vgt.s32 v1, $0x0  }
0x164: {  	v3 =	vnsel vm0, $0x0, v1  }
0x165: {  	v1 =	vld [tilespmem:s24+$0x1B7A0]  }
0x166: {  	vm0 =	vgt.s32 v5, $0xC2FF  }
0x167: {  	v0 =	vsel vm0, v0, v2  }
0x168: {  	[tilespmem:s24+$0x18780] =	vst v0  }
0x169: {  	v2 =	vld.idx.msk [tilespmem:v3+s3+$0x0], $0xffff  }
0x16a: {  	v3 =	vld [tilespmem:s24+$0x18790];
	v0 =	vadd.s32 $0xFFFF3D00, v1  }
0x16b: {  	vm0 =	vgt.s32 v0, $0x0  }
0x16c: {  	v5 =	vnsel vm0, $0x0, v0  }
0x16d: {  	v0 =	vld [tilespmem:s24+$0x1B7B0]  }
0x16e: {  	vm0 =	vgt.s32 v4, $0xC2FF  }
0x16f: {  	v2 =	vsel vm0, v2, v3  }
.Ltmp8:
0x170: {  	[tilespmem:s24+$0x18790] =	vst v2;
	(pc) =	sbr.rel @p0 .LBB2_18-.Ltmp8, $4  }
0x171: {  	v2 =	vld.idx.msk [tilespmem:v5+s3+$0x0], $0xffff  }
0x172: {  	v3 =	vld [tilespmem:s24+$0x187A0];
	v4 =	vadd.s32 $0xFFFF3D00, v0  }
0x173: {  	vm0 =	vgt.s32 v4, $0x0  }
0x174: {  	s7 =	sshra.s32 s11, $0x2;
	s11 =	sadd.s32 $0x100, s11;
	v4 =	vnsel vm0, $0x0, v4  }
0x175: {  	v5 =	vld [tilespmem:s7+$0x1B780]  }
0x176: {  	vm0 =	vgt.s32 v1, $0xC2FF  }
0x177: {  	v1 =	vsel vm0, v2, v3  }
0x178: {  	v3 =	vld [tilespmem:s24+$0x187B0];
	[tilespmem:s24+$0x187A0] =	vst v1  }
0x179: {  	v1 =	vld.idx.msk [tilespmem:v4+s3+$0x0], $0xffff  }
0x17a: {  	v2 =	vadd.s32 $0xFFFF3D00, v5  }
0x17b: {  	vm13 =	vgt.s32 v2, $0x0  }
0x17c: {  	v4 =	vld [tilespmem:s7+$0x1B790];
	v2 =	vnsel vm13, $0x0, v2  }
0x17d: {  	vm14 =	vgt.s32 v0, $0xC2FF  }
0x17e: {  	v0 =	vsel vm14, v1, v3  }
0x17f: {  	[tilespmem:s24+$0x187B0] =	vst v0  }
0x180: {  	v1 =	vld [tilespmem:s7+$0x18780]  }
0x181: {  	v0 =	vld.idx.msk [tilespmem:v2+s3+$0x0], $0xffff;
	v2 =	vadd.s32 $0xFFFF3D00, v4  }
0x182: {  	vm15 =	vgt.s32 v2, $0x0  }
0x183: {  	v3 =	vld [tilespmem:s7+$0x1B7A0];
	v2 =	vnsel vm15, $0x0, v2;
	_ =	sdelay $0x1  }
0x184: {  	vm4 =	vgt.s32 v5, $0xC2FF  }
0x185: {  	v0 =	vsel vm4, v0, v1  }
0x186: {  	v1 =	vld [tilespmem:s7+$0x18790];
	[tilespmem:s7+$0x18780] =	vst v0  }
0x187: {  	v0 =	vld.idx.msk [tilespmem:v2+s3+$0x0], $0xffff;
	v2 =	vadd.s32 $0xFFFF3D00, v3  }
0x188: {  	vm5 =	vgt.s32 v2, $0x0  }
0x189: {  	v5 =	vld [tilespmem:s7+$0x1B7B0];
	v2 =	vnsel vm5, $0x0, v2;
	_ =	sdelay $0x1  }
0x18a: {  	vm6 =	vgt.s32 v4, $0xC2FF  }
0x18b: {  	v0 =	vsel vm6, v0, v1  }
0x18c: {  	v1 =	vld [tilespmem:s7+$0x187A0];
	[tilespmem:s7+$0x18790] =	vst v0  }
0x18d: {  	v0 =	vld.idx.msk [tilespmem:v2+s3+$0x0], $0xffff;
	v2 =	vadd.s32 $0xFFFF3D00, v5  }
0x18e: {  	vm7 =	vgt.s32 v2, $0x0  }
0x18f: {  	v2 =	vnsel vm7, $0x0, v2;
	_ =	sdelay $0x1  }
0x190: {  	vm8 =	vgt.s32 v3, $0xC2FF  }
0x191: {  	v0 =	vsel vm8, v0, v1  }
0x192: {  	v1 =	vld [tilespmem:s7+$0x187B0];
	[tilespmem:s7+$0x187A0] =	vst v0  }
0x193: {  	v0 =	vld.idx.msk [tilespmem:v2+s3+$0x0], $0xffff;
	_ =	sdelay $0x3  }
0x194: {  	vm9 =	vgt.s32 v5, $0xC2FF  }
0x195: {  	v0 =	vsel vm9, v0, v1  }
0x196: {  	[tilespmem:s7+$0x187B0] =	vst v0  }
0x197: {  	v0 =	vld [tilespmem:s23+$0x1C780];
	_ =	sdelay $0x4  }
0x198: {  	v1 =	vadd.s32 $0xFFFF3D00, v0  }
0x199: {  	vm10 =	vgt.s32 v1, $0x0  }
0x19a: {  	v2 =	vld [tilespmem:s23+$0x1C790];
	v1 =	vnsel vm10, $0x0, v1;
	_ =	sdelay $0x3  }
0x19b: {  	v4 =	vld [tilespmem:s23+$0x19780]  }
0x19c: {  	v3 =	vld.idx.msk [tilespmem:v1+s3+$0x0], $0xffff;
	v1 =	vadd.s32 $0xFFFF3D00, v2  }
0x19d: {  	vm11 =	vgt.s32 v1, $0x0  }
0x19e: {  	v5 =	vnsel vm11, $0x0, v1;
	v1 =	vld [tilespmem:s23+$0x1C7A0];
	_ =	sdelay $0x1  }
0x19f: {  	vm12 =	vgt.s32 v0, $0xC2FF  }
0x1a0: {  	v0 =	vsel vm12, v3, v4  }
0x1a1: {  	v4 =	vld [tilespmem:s23+$0x19790];
	[tilespmem:s23+$0x19780] =	vst v0  }
0x1a2: {  	v3 =	vld.idx.msk [tilespmem:v5+s3+$0x0], $0xffff;
	v5 =	vadd.s32 $0xFFFF3D00, v1  }
0x1a3: {  	vm13 =	vgt.s32 v5, $0x0  }
0x1a4: {  	v0 =	vld [tilespmem:s23+$0x1C7B0];
	v5 =	vnsel vm13, $0x0, v5;
	_ =	sdelay $0x1  }
0x1a5: {  	vm14 =	vgt.s32 v2, $0xC2FF  }
0x1a6: {  	v2 =	vsel vm14, v3, v4  }
0x1a7: {  	v3 =	vld [tilespmem:s23+$0x197A0];
	[tilespmem:s23+$0x19790] =	vst v2  }
0x1a8: {  	v4 =	vadd.s32 $0xFFFF3D00, v0;
	v2 =	vld.idx.msk [tilespmem:v5+s3+$0x0], $0xffff  }
0x1a9: {  	vm15 =	vgt.s32 v4, $0x0  }
0x1aa: {  	s24 =	simm.s32 $0x40;
	s7 =	simm.s32 $0x200;
	v4 =	vnsel vm15, $0x0, v4  }
.LBB2_20:
0x1ab: {  	p0 =	sne.s32 s7, $0x3F00;
	v5 =	vld [tilespmem:s24+$0x1C780]  }
0x1ac: {  	vm0 =	vgt.s32 v1, $0xC2FF  }
0x1ad: {  	v1 =	vsel vm0, v2, v3  }
0x1ae: {  	[tilespmem:s23+$0x197A0] =	vst v1  }
0x1af: {  	v1 =	vld.idx.msk [tilespmem:v4+s3+$0x0], $0xffff  }
0x1b0: {  	v2 =	vadd.s32 $0xFFFF3D00, v5;
	v3 =	vld [tilespmem:s23+$0x197B0]  }
0x1b1: {  	vm0 =	vgt.s32 v2, $0x0  }
0x1b2: {  	v2 =	vnsel vm0, $0x0, v2  }
0x1b3: {  	v4 =	vld [tilespmem:s24+$0x1C790]  }
0x1b4: {  	vm0 =	vgt.s32 v0, $0xC2FF  }
0x1b5: {  	v0 =	vsel vm0, v1, v3  }
0x1b6: {  	[tilespmem:s23+$0x197B0] =	vst v0;
	s23 =	smov.u32 s24  }
0x1b7: {  	v0 =	vld.idx.msk [tilespmem:v2+s3+$0x0], $0xffff  }
0x1b8: {  	v2 =	vld [tilespmem:s23+$0x19780];
	v1 =	vadd.s32 $0xFFFF3D00, v4  }
0x1b9: {  	vm0 =	vgt.s32 v1, $0x0  }
0x1ba: {  	v3 =	vnsel vm0, $0x0, v1  }
0x1bb: {  	v1 =	vld [tilespmem:s23+$0x1C7A0]  }
0x1bc: {  	vm0 =	vgt.s32 v5, $0xC2FF  }
0x1bd: {  	v0 =	vsel vm0, v0, v2  }
0x1be: {  	[tilespmem:s23+$0x19780] =	vst v0  }
0x1bf: {  	v2 =	vld.idx.msk [tilespmem:v3+s3+$0x0], $0xffff  }
0x1c0: {  	v3 =	vld [tilespmem:s23+$0x19790];
	v0 =	vadd.s32 $0xFFFF3D00, v1  }
0x1c1: {  	vm0 =	vgt.s32 v0, $0x0  }
0x1c2: {  	v5 =	vnsel vm0, $0x0, v0  }
0x1c3: {  	v0 =	vld [tilespmem:s23+$0x1C7B0]  }
0x1c4: {  	vm0 =	vgt.s32 v4, $0xC2FF  }
0x1c5: {  	v2 =	vsel vm0, v2, v3  }
.Ltmp9:
0x1c6: {  	[tilespmem:s23+$0x19790] =	vst v2;
	(pc) =	sbr.rel @p0 .LBB2_20-.Ltmp9, $4  }
0x1c7: {  	v2 =	vld.idx.msk [tilespmem:v5+s3+$0x0], $0xffff  }
0x1c8: {  	v3 =	vld [tilespmem:s23+$0x197A0];
	v4 =	vadd.s32 $0xFFFF3D00, v0  }
0x1c9: {  	vm0 =	vgt.s32 v4, $0x0  }
0x1ca: {  	s24 =	sshra.s32 s7, $0x2;
	s7 =	sadd.s32 $0x100, s7;
	v4 =	vnsel vm0, $0x0, v4  }
0x1cb: {  	v5 =	vld [tilespmem:s24+$0x1C780]  }
0x1cc: {  	vm0 =	vgt.s32 v1, $0xC2FF  }
0x1cd: {  	v1 =	vsel vm0, v2, v3  }
0x1ce: {  	v3 =	vld [tilespmem:s23+$0x197B0];
	[tilespmem:s23+$0x197A0] =	vst v1  }
0x1cf: {  	v1 =	vld.idx.msk [tilespmem:v4+s3+$0x0], $0xffff  }
0x1d0: {  	v2 =	vadd.s32 $0xFFFF3D00, v5  }
0x1d1: {  	vm15 =	vgt.s32 v2, $0x0  }
0x1d2: {  	v62 =	vld [tilespmem:s24+$0x1C790];
	v2 =	vnsel vm15, $0x0, v2  }
0x1d3: {  	vm4 =	vgt.s32 v0, $0xC2FF  }
0x1d4: {  	v0 =	vsel vm4, v1, v3  }
0x1d5: {  	[tilespmem:s23+$0x197B0] =	vst v0  }
0x1d6: {  	v1 =	vld [tilespmem:s24+$0x19780]  }
0x1d7: {  	v0 =	vld.idx.msk [tilespmem:v2+s3+$0x0], $0xffff;
	v2 =	vadd.s32 $0xFFFF3D00, v62  }
0x1d8: {  	vm5 =	vgt.s32 v2, $0x0  }
0x1d9: {  	v3 =	vld [tilespmem:s24+$0x1C7A0];
	v2 =	vnsel vm5, $0x0, v2;
	_ =	sdelay $0x1  }
0x1da: {  	vm6 =	vgt.s32 v5, $0xC2FF  }
0x1db: {  	v0 =	vsel vm6, v0, v1  }
0x1dc: {  	v1 =	vld [tilespmem:s24+$0x19790];
	[tilespmem:s24+$0x19780] =	vst v0  }
0x1dd: {  	v0 =	vld.idx.msk [tilespmem:v2+s3+$0x0], $0xffff;
	v2 =	vadd.s32 $0xFFFF3D00, v3  }
0x1de: {  	vm7 =	vgt.s32 v2, $0x0  }
0x1df: {  	v63 =	vld [tilespmem:s24+$0x1C7B0];
	v2 =	vnsel vm7, $0x0, v2;
	_ =	sdelay $0x1  }
0x1e0: {  	vm8 =	vgt.s32 v62, $0xC2FF  }
0x1e1: {  	v0 =	vsel vm8, v0, v1  }
0x1e2: {  	v1 =	vld [tilespmem:s24+$0x197A0];
	[tilespmem:s24+$0x19790] =	vst v0  }
0x1e3: {  	v0 =	vld.idx.msk [tilespmem:v2+s3+$0x0], $0xffff;
	v2 =	vadd.s32 $0xFFFF3D00, v63  }
0x1e4: {  	vm9 =	vgt.s32 v2, $0x0  }
0x1e5: {  	v2 =	vnsel vm9, $0x0, v2;
	_ =	sdelay $0x1  }
0x1e6: {  	vm10 =	vgt.s32 v3, $0xC2FF  }
0x1e7: {  	v0 =	vsel vm10, v0, v1  }
0x1e8: {  	v1 =	vld [tilespmem:s24+$0x197B0];
	[tilespmem:s24+$0x197A0] =	vst v0  }
0x1e9: {  	v0 =	vld.idx.msk [tilespmem:v2+s3+$0x0], $0xffff;
	_ =	sdelay $0x1  }
0x1ea: {  	s7 =	sshll.u32 s5, $0xB  }
0x1eb: {  	s9 =	sshll.u32 s9, $0x11;
	s11 =	sshll.u32 s5, $0x4;
	s7 =	sand.u32 $0xC000, s7  }
0x1ec: {  	s5 =	sand.u32 $0x70, s11;
	s7 =	sor.u32 s9, s7;
	vm11 =	vgt.s32 v63, $0xC2FF  }
0x1ed: {  	s5 =	sor.u32 s5, s7;
	v0 =	vsel vm11, v0, v1  }
0x1ee: {  	s7 =	sadd.s32 s18, s5;
	s23 =	smov.u32 s18;
	s18 =	simm.s32 $0x18780;
	[tilespmem:s24+$0x197B0] =	vst v0  }
0x1ef: {  	[hbm4b:s7+s30] =	stream.strided.scatter [tilespmem:s18], [sflag:$0x3], $0x1000, s31, s30, $0x38;
	[tilespmem:$0x1F980] =	vst v63  }
0x1f0: {  	s11 =	rddreg [dreg:$0x10];
	s16 =	sadd.s32 s5, s13;
	s24 =	simm.s32 $0x19780  }
0x1f1: {  	[hbm4b:s16+s30] =	stream.strided.scatter [tilespmem:s24], [sflag:$0x3], $0x1000, s31, s30, $0x38;
	[tilespmem:$0x1F980] =	vst v63  }
0x1f2: {  	s7 =	sadd.s32 s22, s11;
	s24 =	simm.s32 $0x1B780;
	s16 =	rddreg [dreg:$0x11]  }
0x1f3: {  	[tilespmem:s24], [sflag:$0x6] =	stream.strided.gather [hbm4b:s7+s30], $0x1000, s31, s30, $0x38;
	[tilespmem:$0x1F980] =	vst v63  }
0x1f4: {  	s7 =	sadd.s32 s22, s16;
	s22 =	simm.s32 $0x1C780  }
0x1f5: {  	[tilespmem:s22], [sflag:$0x6] =	stream.strided.gather [hbm4b:s7+s30], $0x1000, s31, s30, $0x38;
	[tilespmem:$0x1F980] =	vst v63  }
0x1f6: {  	_ =	swait.ge [sflag:s26], $0x1000  }
0x1f7: {  	[sflag:s26] =	ssyncset.done $0x0  }
0x1f8: {  	[sflag:s26] =	ssyncadd.s32 $0xFFFFF000  }
0x1f9: {  	_ =	swait.ge [sflag:s26], $0x1000  }
0x1fa: {  	[sflag:s26] =	ssyncset.done $0x0  }
0x1fb: {  	[sflag:s26] =	ssyncadd.s32 $0xFFFFF000  }
0x1fc: {  	_ =	swait.ge [sflag:s12], $0x1000  }
0x1fd: {  	[sflag:s12] =	ssyncset.done $0x0  }
0x1fe: {  	[sflag:s12] =	ssyncadd.s32 $0xFFFFF000  }
0x1ff: {  	_ =	swait.ge [sflag:s12], $0x1000  }
0x200: {  	[sflag:s12] =	ssyncset.done $0x0  }
0x201: {  	s9 =	simm.s32 $0x0;
	[sflag:s12] =	ssyncadd.s32 $0xFFFFF000  }
0x202: {  	v0 =	vld [tilespmem:s9+$0x1B780];
	_ =	sdelay $0x4  }
0x203: {  	vm12 =	vlt.s32 v0, $0xC37F  }
0x204: {  	v1 =	vld [tilespmem:s9+$0x1B790];
	v0 =	vnsel vm12, $0xC37F, v0;
	_ =	sdelay $0x3  }
0x205: {  	s22 =	simm.s32 $0x0  }
0x206: {  	vm13 =	vlt.s32 v1, $0xC37F;
	v0 =	vld.idx.msk [tilespmem:v0+s22+$0x0], $0xffff  }
0x207: {  	v2 =	vld [tilespmem:s9+$0x1B7A0];
	v1 =	vnsel vm13, $0xC37F, v1;
	_ =	sdelay $0x3  }
0x208: {  	[tilespmem:s9+$0x1A780] =	vst v0  }
0x209: {  	vm14 =	vlt.s32 v2, $0xC37F;
	v0 =	vld.idx.msk [tilespmem:v1+s22+$0x0], $0xffff  }
0x20a: {  	v2 =	vnsel vm14, $0xC37F, v2;
	v1 =	vld [tilespmem:s9+$0x1B7B0];
	_ =	sdelay $0x3  }
0x20b: {  	[tilespmem:s9+$0x1A790] =	vst v0  }
0x20c: {  	vm15 =	vlt.s32 v1, $0xC37F;
	v0 =	vld.idx.msk [tilespmem:v2+s22+$0x0], $0xffff  }
0x20d: {  	s11 =	simm.s32 $0x200;
	s16 =	simm.s32 $0x40;
	s7 =	simm.s32 $0x0;
	v1 =	vnsel vm15, $0xC37F, v1  }
.LBB2_22:
0x20e: {  	p0 =	sne.s32 s11, $0x3F00;
	v2 =	vld [tilespmem:s16+$0x1B780];
	_ =	sdelay $0x2  }
0x20f: {  	[tilespmem:s7+$0x1A7A0] =	vst v0  }
0x210: {  	v0 =	vld.idx.msk [tilespmem:v1+s22+$0x0], $0xffff  }
0x211: {  	vm0 =	vlt.s32 v2, $0xC37F  }
0x212: {  	v1 =	vnsel vm0, $0xC37F, v2  }
0x213: {  	v2 =	vld [tilespmem:s16+$0x1B790];
	_ =	sdelay $0x2  }
0x214: {  	[tilespmem:s7+$0x1A7B0] =	vst v0;
	s7 =	smov.u32 s16  }
0x215: {  	v0 =	vld.idx.msk [tilespmem:v1+s22+$0x0], $0xffff  }
0x216: {  	vm0 =	vlt.s32 v2, $0xC37F  }
0x217: {  	v1 =	vnsel vm0, $0xC37F, v2  }
0x218: {  	v2 =	vld [tilespmem:s7+$0x1B7A0];
	_ =	sdelay $0x2  }
0x219: {  	[tilespmem:s7+$0x1A780] =	vst v0  }
0x21a: {  	v0 =	vld.idx.msk [tilespmem:v1+s22+$0x0], $0xffff  }
0x21b: {  	vm0 =	vlt.s32 v2, $0xC37F  }
0x21c: {  	v1 =	vnsel vm0, $0xC37F, v2  }
0x21d: {  	v2 =	vld [tilespmem:s7+$0x1B7B0];
	_ =	sdelay $0x1  }
.Ltmp10:
0x21e: {  	(pc) =	sbr.rel @p0 .LBB2_22-.Ltmp10, $4  }
0x21f: {  	[tilespmem:s7+$0x1A790] =	vst v0  }
0x220: {  	v0 =	vld.idx.msk [tilespmem:v1+s22+$0x0], $0xffff  }
0x221: {  	vm0 =	vlt.s32 v2, $0xC37F  }
0x222: {  	s16 =	sshra.s32 s11, $0x2;
	s11 =	sadd.s32 $0x100, s11;
	v1 =	vnsel vm0, $0xC37F, v2  }
0x223: {  	v2 =	vld [tilespmem:s16+$0x1B780];
	_ =	sdelay $0x3  }
0x224: {  	[tilespmem:s7+$0x1A7A0] =	vst v0  }
0x225: {  	v0 =	vld.idx.msk [tilespmem:v1+s22+$0x0], $0xffff;
	vm0 =	vlt.s32 v2, $0xC37F  }
0x226: {  	v1 =	vnsel vm0, $0xC37F, v2;
	v2 =	vld [tilespmem:s16+$0x1B790];
	_ =	sdelay $0x3  }
0x227: {  	[tilespmem:s7+$0x1A7B0] =	vst v0  }
0x228: {  	v0 =	vld.idx.msk [tilespmem:v1+s22+$0x0], $0xffff;
	vm9 =	vlt.s32 v2, $0xC37F  }
0x229: {  	v1 =	vnsel vm9, $0xC37F, v2;
	v2 =	vld [tilespmem:s16+$0x1B7A0];
	_ =	sdelay $0x3  }
0x22a: {  	[tilespmem:s16+$0x1A780] =	vst v0  }
0x22b: {  	v0 =	vld.idx.msk [tilespmem:v1+s22+$0x0], $0xffff;
	vm10 =	vlt.s32 v2, $0xC37F  }
0x22c: {  	v1 =	vnsel vm10, $0xC37F, v2;
	v2 =	vld [tilespmem:s16+$0x1B7B0];
	_ =	sdelay $0x3  }
0x22d: {  	[tilespmem:s16+$0x1A790] =	vst v0  }
0x22e: {  	v0 =	vld.idx.msk [tilespmem:v1+s22+$0x0], $0xffff;
	vm11 =	vlt.s32 v2, $0xC37F  }
0x22f: {  	v1 =	vnsel vm11, $0xC37F, v2;
	_ =	sdelay $0x3  }
0x230: {  	[tilespmem:s16+$0x1A7A0] =	vst v0  }
0x231: {  	v0 =	vld.idx.msk [tilespmem:v1+s22+$0x0], $0xffff;
	_ =	sdelay $0x4  }
0x232: {  	[tilespmem:s16+$0x1A7B0] =	vst v0  }
0x233: {  	v0 =	vld [tilespmem:s9+$0x1C780];
	_ =	sdelay $0x4  }
0x234: {  	vm12 =	vlt.s32 v0, $0xC37F  }
0x235: {  	v1 =	vld [tilespmem:s9+$0x1C790];
	v0 =	vnsel vm12, $0xC37F, v0;
	_ =	sdelay $0x4  }
0x236: {  	vm13 =	vlt.s32 v1, $0xC37F;
	v0 =	vld.idx.msk [tilespmem:v0+s6+$0x0], $0xffff  }
0x237: {  	v2 =	vld [tilespmem:s9+$0x1C7A0];
	v1 =	vnsel vm13, $0xC37F, v1;
	_ =	sdelay $0x3  }
0x238: {  	[tilespmem:s9+$0x18780] =	vst v0  }
0x239: {  	vm14 =	vlt.s32 v2, $0xC37F;
	v0 =	vld.idx.msk [tilespmem:v1+s6+$0x0], $0xffff  }
0x23a: {  	v2 =	vnsel vm14, $0xC37F, v2;
	v1 =	vld [tilespmem:s9+$0x1C7B0];
	_ =	sdelay $0x3  }
0x23b: {  	[tilespmem:s9+$0x18790] =	vst v0  }
0x23c: {  	vm15 =	vlt.s32 v1, $0xC37F;
	v0 =	vld.idx.msk [tilespmem:v2+s6+$0x0], $0xffff  }
0x23d: {  	s11 =	simm.s32 $0x200;
	s7 =	simm.s32 $0x40;
	v1 =	vnsel vm15, $0xC37F, v1  }
.LBB2_24:
0x23e: {  	p0 =	sne.s32 s11, $0x3F00;
	v2 =	vld [tilespmem:s7+$0x1C780];
	_ =	sdelay $0x2  }
0x23f: {  	[tilespmem:s9+$0x187A0] =	vst v0  }
0x240: {  	v0 =	vld.idx.msk [tilespmem:v1+s6+$0x0], $0xffff  }
0x241: {  	vm0 =	vlt.s32 v2, $0xC37F  }
0x242: {  	v1 =	vnsel vm0, $0xC37F, v2  }
0x243: {  	v2 =	vld [tilespmem:s7+$0x1C790];
	_ =	sdelay $0x2  }
0x244: {  	[tilespmem:s9+$0x187B0] =	vst v0;
	s9 =	smov.u32 s7  }
0x245: {  	v0 =	vld.idx.msk [tilespmem:v1+s6+$0x0], $0xffff  }
0x246: {  	vm0 =	vlt.s32 v2, $0xC37F  }
0x247: {  	v1 =	vnsel vm0, $0xC37F, v2  }
0x248: {  	v2 =	vld [tilespmem:s9+$0x1C7A0];
	_ =	sdelay $0x2  }
0x249: {  	[tilespmem:s9+$0x18780] =	vst v0  }
0x24a: {  	v0 =	vld.idx.msk [tilespmem:v1+s6+$0x0], $0xffff  }
0x24b: {  	vm0 =	vlt.s32 v2, $0xC37F  }
0x24c: {  	v1 =	vnsel vm0, $0xC37F, v2  }
0x24d: {  	v2 =	vld [tilespmem:s9+$0x1C7B0];
	_ =	sdelay $0x1  }
.Ltmp11:
0x24e: {  	(pc) =	sbr.rel @p0 .LBB2_24-.Ltmp11, $4  }
0x24f: {  	[tilespmem:s9+$0x18790] =	vst v0  }
0x250: {  	v0 =	vld.idx.msk [tilespmem:v1+s6+$0x0], $0xffff  }
0x251: {  	vm0 =	vlt.s32 v2, $0xC37F  }
0x252: {  	s7 =	sshra.s32 s11, $0x2;
	s11 =	sadd.s32 $0x100, s11;
	v1 =	vnsel vm0, $0xC37F, v2  }
0x253: {  	v2 =	vld [tilespmem:s7+$0x1C780];
	_ =	sdelay $0x3  }
0x254: {  	[tilespmem:s9+$0x187A0] =	vst v0  }
0x255: {  	v0 =	vld.idx.msk [tilespmem:v1+s6+$0x0], $0xffff;
	vm0 =	vlt.s32 v2, $0xC37F  }
0x256: {  	v1 =	vnsel vm0, $0xC37F, v2;
	v2 =	vld [tilespmem:s7+$0x1C790];
	_ =	sdelay $0x3  }
0x257: {  	[tilespmem:s9+$0x187B0] =	vst v0  }
0x258: {  	v0 =	vld.idx.msk [tilespmem:v1+s6+$0x0], $0xffff;
	vm7 =	vlt.s32 v2, $0xC37F  }
0x259: {  	v1 =	vnsel vm7, $0xC37F, v2;
	v2 =	vld [tilespmem:s7+$0x1C7A0];
	_ =	sdelay $0x3  }
0x25a: {  	[tilespmem:s7+$0x18780] =	vst v0  }
0x25b: {  	v0 =	vld.idx.msk [tilespmem:v1+s6+$0x0], $0xffff;
	vm8 =	vlt.s32 v2, $0xC37F  }
0x25c: {  	v1 =	vnsel vm8, $0xC37F, v2;
	v2 =	vld [tilespmem:s7+$0x1C7B0];
	_ =	sdelay $0x3  }
0x25d: {  	[tilespmem:s7+$0x18790] =	vst v0  }
0x25e: {  	v0 =	vld.idx.msk [tilespmem:v1+s6+$0x0], $0xffff;
	vm9 =	vlt.s32 v2, $0xC37F  }
0x25f: {  	v1 =	vnsel vm9, $0xC37F, v2;
	_ =	sdelay $0x2  }
0x260: {  	p0 =	seq.s32 s28, $0x19  }
0x261: {  	s1 =	sadd.s32 @!p0 $0x1, s1;
	[tilespmem:s7+$0x187A0] =	vst v0  }
0x262: {  	s9 =	sshrl.u32 @!p0 s1, $0x3;
	v0 =	vld.idx.msk [tilespmem:v1+s6+$0x0], $0xffff  }
0x263: {  	s1 =	sshll.u32 @!p0 s1, $0x7;
	s9 =	smul.u32 @!p0 $0xC3800, s9  }
0x264: {  	s1 =	sand.u32 @!p0 $0x380, s1  }
0x265: {  	s1 =	sor.u32 @!p0 s1, s9  }
0x266: {  	s11 =	simm.s32 @!p0 $0x0;
	s1 =	sshrl.u32 @!p0 s1, $0x3  }
0x267: {  	s9 =	simm.s32 @!p0 $0x400;
	s1 =	sadd.s32 @!p0 s4, s1;
	[tilespmem:s7+$0x187B0] =	vst v0;
	s7 =	simm.s32 @!p0 $0x80  }
0x268: {  	[tilespmem:s11], [sflag:$0x1] =	stream.strided.gather @!p0 [hbm4b:s1+s7], $0xC380, s9, s7, $0x38;
	[tilespmem:$0x1F980] =	vst v63  }
0x269: {  	s1 =	simm.s32 $0x0  }
0x26a: {  	v0 =	vld [tilespmem:s1+$0x1B780];
	_ =	sdelay $0x4  }
0x26b: {  	v1 =	vadd.s32 $0xFFFF3D00, v0  }
0x26c: {  	vm10 =	vgt.s32 v1, $0x0  }
0x26d: {  	v2 =	vld [tilespmem:s1+$0x1B790];
	v1 =	vnsel vm10, $0x0, v1;
	_ =	sdelay $0x3  }
0x26e: {  	v4 =	vld [tilespmem:s1+$0x1A780]  }
0x26f: {  	v3 =	vld.idx.msk [tilespmem:v1+s3+$0x0], $0xffff;
	v1 =	vadd.s32 $0xFFFF3D00, v2  }
0x270: {  	vm11 =	vgt.s32 v1, $0x0  }
0x271: {  	v5 =	vnsel vm11, $0x0, v1;
	v1 =	vld [tilespmem:s1+$0x1B7A0];
	_ =	sdelay $0x1  }
0x272: {  	vm12 =	vgt.s32 v0, $0xC2FF  }
0x273: {  	v0 =	vsel vm12, v3, v4  }
0x274: {  	v4 =	vld [tilespmem:s1+$0x1A790];
	[tilespmem:s1+$0x1A780] =	vst v0  }
0x275: {  	v3 =	vld.idx.msk [tilespmem:v5+s3+$0x0], $0xffff;
	v5 =	vadd.s32 $0xFFFF3D00, v1  }
0x276: {  	vm13 =	vgt.s32 v5, $0x0  }
0x277: {  	v0 =	vld [tilespmem:s1+$0x1B7B0];
	v5 =	vnsel vm13, $0x0, v5;
	_ =	sdelay $0x1  }
0x278: {  	vm14 =	vgt.s32 v2, $0xC2FF  }
0x279: {  	v2 =	vsel vm14, v3, v4  }
0x27a: {  	v3 =	vld [tilespmem:s1+$0x1A7A0];
	[tilespmem:s1+$0x1A790] =	vst v2  }
0x27b: {  	v4 =	vadd.s32 $0xFFFF3D00, v0;
	v2 =	vld.idx.msk [tilespmem:v5+s3+$0x0], $0xffff  }
0x27c: {  	s16 =	smov.u32 s4;
	s28 =	sadd.s32 $0x1, s28;
	vm15 =	vgt.s32 v4, $0x0  }
0x27d: {  	s7 =	simm.s32 $0x40;
	s11 =	simm.s32 $0x200;
	s9 =	simm.s32 $0x0;
	v4 =	vnsel vm15, $0x0, v4  }
.LBB2_26:
0x27e: {  	p0 =	sne.s32 s11, $0x3F00;
	v5 =	vld [tilespmem:s7+$0x1B780]  }
0x27f: {  	vm0 =	vgt.s32 v1, $0xC2FF  }
0x280: {  	v1 =	vsel vm0, v2, v3  }
0x281: {  	[tilespmem:s9+$0x1A7A0] =	vst v1  }
0x282: {  	v1 =	vld.idx.msk [tilespmem:v4+s3+$0x0], $0xffff  }
0x283: {  	v2 =	vadd.s32 $0xFFFF3D00, v5;
	v3 =	vld [tilespmem:s9+$0x1A7B0]  }
0x284: {  	vm0 =	vgt.s32 v2, $0x0  }
0x285: {  	v2 =	vnsel vm0, $0x0, v2  }
0x286: {  	v4 =	vld [tilespmem:s7+$0x1B790]  }
0x287: {  	vm0 =	vgt.s32 v0, $0xC2FF  }
0x288: {  	v0 =	vsel vm0, v1, v3  }
0x289: {  	[tilespmem:s9+$0x1A7B0] =	vst v0;
	s9 =	smov.u32 s7  }
0x28a: {  	v0 =	vld.idx.msk [tilespmem:v2+s3+$0x0], $0xffff  }
0x28b: {  	v2 =	vld [tilespmem:s9+$0x1A780];
	v1 =	vadd.s32 $0xFFFF3D00, v4  }
0x28c: {  	vm0 =	vgt.s32 v1, $0x0  }
0x28d: {  	v3 =	vnsel vm0, $0x0, v1  }
0x28e: {  	v1 =	vld [tilespmem:s9+$0x1B7A0]  }
0x28f: {  	vm0 =	vgt.s32 v5, $0xC2FF  }
0x290: {  	v0 =	vsel vm0, v0, v2  }
0x291: {  	[tilespmem:s9+$0x1A780] =	vst v0  }
0x292: {  	v2 =	vld.idx.msk [tilespmem:v3+s3+$0x0], $0xffff  }
0x293: {  	v3 =	vld [tilespmem:s9+$0x1A790];
	v0 =	vadd.s32 $0xFFFF3D00, v1  }
0x294: {  	vm0 =	vgt.s32 v0, $0x0  }
0x295: {  	v5 =	vnsel vm0, $0x0, v0  }
0x296: {  	v0 =	vld [tilespmem:s9+$0x1B7B0]  }
0x297: {  	vm0 =	vgt.s32 v4, $0xC2FF  }
0x298: {  	v2 =	vsel vm0, v2, v3  }
.Ltmp12:
0x299: {  	[tilespmem:s9+$0x1A790] =	vst v2;
	(pc) =	sbr.rel @p0 .LBB2_26-.Ltmp12, $4  }
0x29a: {  	v2 =	vld.idx.msk [tilespmem:v5+s3+$0x0], $0xffff  }
0x29b: {  	v3 =	vld [tilespmem:s9+$0x1A7A0];
	v4 =	vadd.s32 $0xFFFF3D00, v0  }
0x29c: {  	vm0 =	vgt.s32 v4, $0x0  }
0x29d: {  	s7 =	sshra.s32 s11, $0x2;
	s11 =	sadd.s32 $0x100, s11;
	v4 =	vnsel vm0, $0x0, v4  }
0x29e: {  	v5 =	vld [tilespmem:s7+$0x1B780]  }
0x29f: {  	vm0 =	vgt.s32 v1, $0xC2FF  }
0x2a0: {  	v1 =	vsel vm0, v2, v3  }
0x2a1: {  	v3 =	vld [tilespmem:s9+$0x1A7B0];
	[tilespmem:s9+$0x1A7A0] =	vst v1  }
0x2a2: {  	v1 =	vld.idx.msk [tilespmem:v4+s3+$0x0], $0xffff  }
0x2a3: {  	v2 =	vadd.s32 $0xFFFF3D00, v5  }
0x2a4: {  	vm13 =	vgt.s32 v2, $0x0  }
0x2a5: {  	v4 =	vld [tilespmem:s7+$0x1B790];
	v2 =	vnsel vm13, $0x0, v2  }
0x2a6: {  	vm14 =	vgt.s32 v0, $0xC2FF  }
0x2a7: {  	v0 =	vsel vm14, v1, v3  }
0x2a8: {  	[tilespmem:s9+$0x1A7B0] =	vst v0  }
0x2a9: {  	v1 =	vld [tilespmem:s7+$0x1A780]  }
0x2aa: {  	v0 =	vld.idx.msk [tilespmem:v2+s3+$0x0], $0xffff;
	v2 =	vadd.s32 $0xFFFF3D00, v4  }
0x2ab: {  	vm15 =	vgt.s32 v2, $0x0  }
0x2ac: {  	v3 =	vld [tilespmem:s7+$0x1B7A0];
	v2 =	vnsel vm15, $0x0, v2;
	_ =	sdelay $0x1  }
0x2ad: {  	vm4 =	vgt.s32 v5, $0xC2FF  }
0x2ae: {  	v0 =	vsel vm4, v0, v1  }
0x2af: {  	v1 =	vld [tilespmem:s7+$0x1A790];
	[tilespmem:s7+$0x1A780] =	vst v0  }
0x2b0: {  	v0 =	vld.idx.msk [tilespmem:v2+s3+$0x0], $0xffff;
	v2 =	vadd.s32 $0xFFFF3D00, v3  }
0x2b1: {  	vm5 =	vgt.s32 v2, $0x0  }
0x2b2: {  	v5 =	vld [tilespmem:s7+$0x1B7B0];
	v2 =	vnsel vm5, $0x0, v2;
	_ =	sdelay $0x1  }
0x2b3: {  	vm6 =	vgt.s32 v4, $0xC2FF  }
0x2b4: {  	v0 =	vsel vm6, v0, v1  }
0x2b5: {  	v1 =	vld [tilespmem:s7+$0x1A7A0];
	[tilespmem:s7+$0x1A790] =	vst v0  }
0x2b6: {  	v0 =	vld.idx.msk [tilespmem:v2+s3+$0x0], $0xffff;
	v2 =	vadd.s32 $0xFFFF3D00, v5  }
0x2b7: {  	vm7 =	vgt.s32 v2, $0x0  }
0x2b8: {  	v2 =	vnsel vm7, $0x0, v2;
	_ =	sdelay $0x1  }
0x2b9: {  	vm8 =	vgt.s32 v3, $0xC2FF  }
0x2ba: {  	v0 =	vsel vm8, v0, v1  }
0x2bb: {  	v1 =	vld [tilespmem:s7+$0x1A7B0];
	[tilespmem:s7+$0x1A7A0] =	vst v0  }
0x2bc: {  	v0 =	vld.idx.msk [tilespmem:v2+s3+$0x0], $0xffff;
	_ =	sdelay $0x3  }
0x2bd: {  	vm9 =	vgt.s32 v5, $0xC2FF  }
0x2be: {  	v0 =	vsel vm9, v0, v1  }
0x2bf: {  	[tilespmem:s7+$0x1A7B0] =	vst v0  }
0x2c0: {  	v0 =	vld [tilespmem:s1+$0x1C780];
	_ =	sdelay $0x4  }
0x2c1: {  	v1 =	vadd.s32 $0xFFFF3D00, v0  }
0x2c2: {  	vm10 =	vgt.s32 v1, $0x0  }
0x2c3: {  	v2 =	vld [tilespmem:s1+$0x1C790];
	v1 =	vnsel vm10, $0x0, v1;
	_ =	sdelay $0x3  }
0x2c4: {  	v4 =	vld [tilespmem:s1+$0x18780]  }
0x2c5: {  	v3 =	vld.idx.msk [tilespmem:v1+s3+$0x0], $0xffff;
	v1 =	vadd.s32 $0xFFFF3D00, v2  }
0x2c6: {  	vm11 =	vgt.s32 v1, $0x0  }
0x2c7: {  	v5 =	vnsel vm11, $0x0, v1;
	v1 =	vld [tilespmem:s1+$0x1C7A0];
	_ =	sdelay $0x1  }
0x2c8: {  	vm12 =	vgt.s32 v0, $0xC2FF  }
0x2c9: {  	v0 =	vsel vm12, v3, v4  }
0x2ca: {  	v4 =	vld [tilespmem:s1+$0x18790];
	[tilespmem:s1+$0x18780] =	vst v0  }
0x2cb: {  	v3 =	vld.idx.msk [tilespmem:v5+s3+$0x0], $0xffff;
	v5 =	vadd.s32 $0xFFFF3D00, v1  }
0x2cc: {  	vm13 =	vgt.s32 v5, $0x0  }
0x2cd: {  	v0 =	vld [tilespmem:s1+$0x1C7B0];
	v5 =	vnsel vm13, $0x0, v5;
	_ =	sdelay $0x1  }
0x2ce: {  	vm14 =	vgt.s32 v2, $0xC2FF  }
0x2cf: {  	v2 =	vsel vm14, v3, v4  }
0x2d0: {  	v3 =	vld [tilespmem:s1+$0x187A0];
	[tilespmem:s1+$0x18790] =	vst v2  }
0x2d1: {  	v4 =	vadd.s32 $0xFFFF3D00, v0;
	v2 =	vld.idx.msk [tilespmem:v5+s3+$0x0], $0xffff  }
0x2d2: {  	vm15 =	vgt.s32 v4, $0x0  }
0x2d3: {  	s9 =	simm.s32 $0x200;
	s7 =	simm.s32 $0x40;
	v4 =	vnsel vm15, $0x0, v4  }
.LBB2_28:
0x2d4: {  	p0 =	sne.s32 s9, $0x3F00;
	v5 =	vld [tilespmem:s7+$0x1C780]  }
0x2d5: {  	vm0 =	vgt.s32 v1, $0xC2FF  }
0x2d6: {  	v1 =	vsel vm0, v2, v3  }
0x2d7: {  	[tilespmem:s1+$0x187A0] =	vst v1  }
0x2d8: {  	v1 =	vld.idx.msk [tilespmem:v4+s3+$0x0], $0xffff  }
0x2d9: {  	v2 =	vadd.s32 $0xFFFF3D00, v5;
	v3 =	vld [tilespmem:s1+$0x187B0]  }
0x2da: {  	vm0 =	vgt.s32 v2, $0x0  }
0x2db: {  	v2 =	vnsel vm0, $0x0, v2  }
0x2dc: {  	v4 =	vld [tilespmem:s7+$0x1C790]  }
0x2dd: {  	vm0 =	vgt.s32 v0, $0xC2FF  }
0x2de: {  	v0 =	vsel vm0, v1, v3  }
0x2df: {  	[tilespmem:s1+$0x187B0] =	vst v0;
	s1 =	smov.u32 s7  }
0x2e0: {  	v0 =	vld.idx.msk [tilespmem:v2+s3+$0x0], $0xffff  }
0x2e1: {  	v2 =	vld [tilespmem:s1+$0x18780];
	v1 =	vadd.s32 $0xFFFF3D00, v4  }
0x2e2: {  	vm0 =	vgt.s32 v1, $0x0  }
0x2e3: {  	v3 =	vnsel vm0, $0x0, v1  }
0x2e4: {  	v1 =	vld [tilespmem:s1+$0x1C7A0]  }
0x2e5: {  	vm0 =	vgt.s32 v5, $0xC2FF  }
0x2e6: {  	v0 =	vsel vm0, v0, v2  }
0x2e7: {  	[tilespmem:s1+$0x18780] =	vst v0  }
0x2e8: {  	v2 =	vld.idx.msk [tilespmem:v3+s3+$0x0], $0xffff  }
0x2e9: {  	v3 =	vld [tilespmem:s1+$0x18790];
	v0 =	vadd.s32 $0xFFFF3D00, v1  }
0x2ea: {  	vm0 =	vgt.s32 v0, $0x0  }
0x2eb: {  	v5 =	vnsel vm0, $0x0, v0  }
0x2ec: {  	v0 =	vld [tilespmem:s1+$0x1C7B0]  }
0x2ed: {  	vm0 =	vgt.s32 v4, $0xC2FF  }
0x2ee: {  	v2 =	vsel vm0, v2, v3  }
.Ltmp13:
0x2ef: {  	[tilespmem:s1+$0x18790] =	vst v2;
	(pc) =	sbr.rel @p0 .LBB2_28-.Ltmp13, $4  }
0x2f0: {  	v2 =	vld.idx.msk [tilespmem:v5+s3+$0x0], $0xffff  }
0x2f1: {  	v3 =	vld [tilespmem:s1+$0x187A0];
	v4 =	vadd.s32 $0xFFFF3D00, v0  }
0x2f2: {  	vm0 =	vgt.s32 v4, $0x0  }
0x2f3: {  	s7 =	sshra.s32 s9, $0x2;
	s9 =	sadd.s32 $0x100, s9;
	v4 =	vnsel vm0, $0x0, v4  }
0x2f4: {  	v5 =	vld [tilespmem:s7+$0x1C780]  }
0x2f5: {  	vm0 =	vgt.s32 v1, $0xC2FF  }
0x2f6: {  	v1 =	vsel vm0, v2, v3  }
0x2f7: {  	v53 =	vld [tilespmem:s1+$0x187B0];
	[tilespmem:s1+$0x187A0] =	vst v1  }
0x2f8: {  	v1 =	vld.idx.msk [tilespmem:v4+s3+$0x0], $0xffff  }
0x2f9: {  	v52 =	vadd.s32 $0xFFFF3D00, v5  }
0x2fa: {  	vm7 =	vgt.s32 v52, $0x0  }
0x2fb: {  	v54 =	vld [tilespmem:s7+$0x1C790];
	v2 =	vnsel vm7, $0x0, v52  }
0x2fc: {  	vm8 =	vgt.s32 v0, $0xC2FF  }
0x2fd: {  	v0 =	vsel vm8, v1, v53  }
0x2fe: {  	[tilespmem:s1+$0x187B0] =	vst v0  }
0x2ff: {  	v55 =	vld [tilespmem:s7+$0x18780]  }
0x300: {  	v56 =	vadd.s32 $0xFFFF3D00, v54;
	v0 =	vld.idx.msk [tilespmem:v2+s3+$0x0], $0xffff  }
0x301: {  	vm9 =	vgt.s32 v56, $0x0  }
0x302: {  	v57 =	vld [tilespmem:s7+$0x1C7A0];
	v2 =	vnsel vm9, $0x0, v56;
	_ =	sdelay $0x1  }
0x303: {  	vm10 =	vgt.s32 v5, $0xC2FF  }
0x304: {  	v0 =	vsel vm10, v0, v55  }
0x305: {  	v58 =	vld [tilespmem:s7+$0x18790];
	[tilespmem:s7+$0x18780] =	vst v0  }
0x306: {  	v59 =	vadd.s32 $0xFFFF3D00, v57;
	v0 =	vld.idx.msk [tilespmem:v2+s3+$0x0], $0xffff  }
0x307: {  	vm11 =	vgt.s32 v59, $0x0  }
0x308: {  	v60 =	vld [tilespmem:s7+$0x1C7B0];
	v2 =	vnsel vm11, $0x0, v59;
	_ =	sdelay $0x1  }
0x309: {  	vm12 =	vgt.s32 v54, $0xC2FF  }
0x30a: {  	v0 =	vsel vm12, v0, v58  }
0x30b: {  	v61 =	vld [tilespmem:s7+$0x187A0];
	[tilespmem:s7+$0x18790] =	vst v0  }
0x30c: {  	v62 =	vadd.s32 $0xFFFF3D00, v60;
	v0 =	vld.idx.msk [tilespmem:v2+s3+$0x0], $0xffff  }
0x30d: {  	vm13 =	vgt.s32 v62, $0x0  }
0x30e: {  	v2 =	vnsel vm13, $0x0, v62;
	_ =	sdelay $0x1  }
0x30f: {  	vm14 =	vgt.s32 v57, $0xC2FF  }
0x310: {  	v0 =	vsel vm14, v0, v61  }
0x311: {  	v63 =	vld [tilespmem:s7+$0x187B0];
	[tilespmem:s7+$0x187A0] =	vst v0  }
0x312: {  	v0 =	vld.idx.msk [tilespmem:v2+s3+$0x0], $0xffff;
	_ =	sdelay $0x3  }
0x313: {  	p0 =	sne.s32 s28, $0x1A;
	vm15 =	vgt.s32 v60, $0xC2FF  }
.Ltmp14:
0x314: {  	v0 =	vsel vm15, v0, v63;
	(pc) =	sbr.rel @p0 .LBB2_2-.Ltmp14, $4  }
0x315: {  	s11 =	sadd.s32 s5, s15;
	s4 =	simm.s32 $0x1A780;
	[tilespmem:s7+$0x187B0] =	vst v0  }
0x316: {  	[hbm4b:s11+s30] =	stream.strided.scatter [tilespmem:s4], [sflag:$0x3], $0x1000, s31, s30, $0x38;
	[tilespmem:$0x1F980] =	vst v63  }
0x317: {  	s22 =	sadd.s32 s5, s17  }
0x318: {  	[hbm4b:s22+s30] =	stream.strided.scatter [tilespmem:s18], [sflag:$0x3], $0x1000, s31, s30, $0x38;
	[tilespmem:$0x1F980] =	vst v63  }
0x319: {  	_ =	swait.ge [sflag:s26], $0x1000  }
0x31a: {  	[sflag:s26] =	ssyncset.done $0x0  }
0x31b: {  	[sflag:s26] =	ssyncadd.s32 $0xFFFFF000  }
0x31c: {  	_ =	swait.ge [sflag:s26], $0x1000  }
0x31d: {  	[sflag:s26] =	ssyncset.done $0x0  }
0x31e: {  	[sflag:s26] =	ssyncadd.s32 $0xFFFFF000  }
0x31f: {  	_ =	swait.ge [sflag:s25], $0x800  }
0x320: {  	[sflag:s25] =	ssyncset.done $0x0  }
0x321: {  	[sflag:s25] =	ssyncadd.s32 $0xFFFFF800  }
0x322: {  	_ =	swait.ge [sflag:s25], $0x800  }
0x323: {  	[sflag:s25] =	ssyncset.done $0x0  }
0x324: {  	[sflag:s25] =	ssyncadd.s32 $0xFFFFF800  }
0x325: {  	_ =	swait.ge [sflag:s25], $0x800  }
0x326: {  	[sflag:s25] =	ssyncset.done $0x0  }
0x327: {  	[sflag:s25] =	ssyncadd.s32 $0xFFFFF800  }
0x328: {  	_ =	swait.ge [sflag:s25], $0x800  }
0x329: {  	[sflag:s25] =	ssyncset.done $0x0  }
0x32a: {  	[sflag:s25] =	ssyncadd.s32 $0xFFFFF800  }
0x32b: {  	_ =	swait.ge [sflag:s25], $0x800  }
0x32c: {  	[sflag:s25] =	ssyncset.done $0x0  }
0x32d: {  	[sflag:s25] =	ssyncadd.s32 $0xFFFFF800  }
0x32e: {  	_ =	swait.ge [sflag:s25], $0x800  }
0x32f: {  	[sflag:s25] =	ssyncset.done $0x0  }
0x330: {  	[sflag:s25] =	ssyncadd.s32 $0xFFFFF800  }
0x331: {  	_ =	swait.ge [sflag:s25], $0x800  }
0x332: {  	[sflag:s25] =	ssyncset.done $0x0  }
0x333: {  	[sflag:s25] =	ssyncadd.s32 $0xFFFFF800  }
0x334: {  	_ =	swait.ge [sflag:s25], $0x800  }
0x335: {  	[sflag:s25] =	ssyncset.done $0x0  }
0x336: {  	[sflag:s25] =	ssyncadd.s32 $0xFFFFF800  }
0x337: {  	_ =	swait.ge [sflag:s8], $0x1000  }
0x338: {  	s4 =	rddreg [dreg:$0x14]  }
0x339: {  	s1 =	rddreg [dreg:$0x12];
	s4 =	sadd.s32 $0x1, s4  }
0x33a: {  	p0 =	sne.s32 s4, s1  }
.Ltmp15:
0x33b: {  	_ = 	snop;
	(pc) =	sbr.rel @p0 .LBB2_1-.Ltmp15, $3  }
0x33c: {  	_ =	sdelay $0x1  }
0x33d: {  	[sflag:s8] =	ssyncset.done $0x0  }
0x33e: {  	[sflag:s8] =	ssyncadd.s32 $0xFFFFF000  }
0x33f: {  	_ =	sfence.sel $0x180000  }
0x340: {  	[bflag:$0x0] =	sbarrier.arrive $0xFFFF  }
0x341: {  	_ =	strace $0x90000047  }
0x342: {  	s0 =	stileid.u32;
	[bflag:$0x2] =	sbarrier.arrive $0xFFFF  }
0x343: {  	p0 =	sne.s32 s0, $0x0;
	s0 =	rddreg [dreg:$0x4]  }
0x344: {  	s0 =	sadd.s32 @!p0 $0x100000, s0  }
0x345: {  	[sflag:s0] =	ssyncadd.tile.s32 @!p0 $0x1;
	_ =	shalt  }
.Lfunc_end2:
_tile_overlayer_lowered:
.L_overlay_start_2:
0x346: {  	(tag) =	ssettag $0x2  }
0x347: {  	s0 =	rddreg [dreg:$0x0];
	s2 =	stileid.u32  }
0x348: {  	s1 =	rddreg [dreg:$0x1];
	p0 =	sne.s32 s2, $0x0  }
0x349: {  	s3 =	rddreg [dreg:$0x2];
	[bflag:$0x3] =	sbarrier.arrive $0xFFFF;
	s2 =	simm.s32 @!p0 $0x1C07  }
0x34a: {  	[timem:s3], [sflag:s2] =	dma.local @!p0 [hbm:s0], s1  }
0x34b: {  	s0 =	simm.s32 @!p0 $0x7  }
0x34c: {  	_ =	swait.ge @!p0 [sflag:s0], s1  }
0x34d: {  	s1 =	ssub.s32 @!p0 $0x0, s1;
	[sflag:s0] =	ssyncset.done @!p0 $0x0  }
0x34e: {  	[sflag:s0] =	ssyncadd.s32 @!p0 s1  }
0x34f: {  	[bflag:$0x3] =	sbarrier.arrive $0xFFFF  }
0x350: {  	_ =	shalt  }

</sc_bundles>
